<compile_context>
chip_gen: v7x
topology: tpu7x:2x2x1
jax: 0.10.2.dev20260603
libtpu: 0.0.44.dev20260713+nightly
codegen_flags: <defaults>
</compile_context>

<pallas_src>
import functools

import jax
import jax.numpy as jnp
from jax import lax
from jax.experimental import pallas as pl
from jax.experimental.pallas import tpu as pltpu
from jax.experimental.pallas import tpu_sc as plsc

D_MODEL = 512
TAB_ROWS = 24
B, L = 4096, 200
N = B * L
NC, NS = 2, 16
NW = NC * NS
PER_W = N // NW
CHUNK = 80
N_CHUNKS = PER_W // CHUNK
LANES = 16

_mesh = plsc.VectorSubcoreMesh(core_axis_name="c", subcore_axis_name="s")


@functools.partial(
    pl.kernel,
    out_type=jax.ShapeDtypeStruct((N, D_MODEL), jnp.float32),
    mesh=_mesh,
    compiler_params=pltpu.CompilerParams(
        use_tc_tiling_on_sc=False, needs_layout_passes=False
    ),
    scratch_types=[
        pltpu.VMEM((PER_W,), jnp.int32),
        pltpu.VMEM((TAB_ROWS * D_MODEL,), jnp.float32),
        pltpu.VMEM((2, CHUNK, D_MODEL), jnp.float32),
        pltpu.SemaphoreType.DMA,
        pltpu.SemaphoreType.DMA,
    ],
)
def _embed_sc(idx_hbm, table_hbm, out_hbm, idx_v, table_v, stage_v, osem0, osem1):
    osems = (osem0, osem1)
    wid = lax.axis_index("s") * NC + lax.axis_index("c")
    base = wid * PER_W
    pltpu.sync_copy(table_hbm, table_v)
    pltpu.sync_copy(idx_hbm.at[pl.ds(base, PER_W)], idx_v)
    colv = lax.iota(jnp.int32, LANES)

    def o_dst(g):
        return out_hbm.at[pl.ds(base + g * CHUNK, CHUNK)]

    @pl.loop(0, N_CHUNKS, step=2)
    def _outer(gg):
        for b in range(2):
            g = gg + b

            @pl.when(g > 1)
            def _():
                pltpu.make_async_copy(stage_v.at[b], o_dst(g - 2), osems[b]).wait()

            @plsc.parallel_loop(0, CHUNK, unroll=4)
            def _row(r):
                pos = jnp.full((LANES,), g * CHUNK + r, jnp.int32)
                rb = plsc.load_gather(idx_v, [pos]) * D_MODEL + colv
                for d in range(D_MODEL // LANES):
                    blk = table_v.at[pl.ds(d * LANES, TAB_ROWS * D_MODEL - d * LANES)]
                    vals = plsc.load_gather(blk, [rb])
                    stage_v[b, r, pl.ds(d * LANES, LANES)] = vals

            pltpu.async_copy(stage_v.at[b], o_dst(g), osems[b])

    pltpu.make_async_copy(stage_v.at[0], o_dst(N_CHUNKS - 2), osems[0]).wait()
    pltpu.make_async_copy(stage_v.at[1], o_dst(N_CHUNKS - 1), osems[1]).wait()


def kernel(x, holiday_embed):
    idx = x[:, :, -1].reshape(N)
    out = _embed_sc(idx, holiday_embed.reshape(TAB_ROWS * D_MODEL))
    return out.reshape(B, L, D_MODEL)

# --- scband reference (transcript-rebuilt; emitter-appended) ---
"""Pipeline reference for scband-holiday-embedding-11330123727411 (READ-ONLY COPY).

The authoritative reference and input builder live on the scoring server;
editing this copy changes nothing except your own understanding.
"""

import jax, jax.numpy as jnp
import numpy as np

D_MODEL = 512
HOLIDAY_SIZE = 24

def setup_inputs(seed: int = 0) -> dict:
    key = jax.random.key(seed)
    k1, k2 = jax.random.split(key)
    x = jax.random.randint(k1, (4096, 200, 5), 0, HOLIDAY_SIZE, dtype=jnp.int64 if jax.config.jax_enable_x64 else jnp.int32)
    x = x.astype(jnp.int32)
    holiday_embed = jax.random.normal(k2, (HOLIDAY_SIZE, D_MODEL), dtype=jnp.float32)
    return {"x": x, "holiday_embed": holiday_embed}

def reference(x, holiday_embed):
    # x: int[B, L, F]; embed last feature column with table [24, d_model]
    idx = x[:, :, -1]
    holiday_x = jnp.take(holiday_embed, idx, axis=0)
    return holiday_x

if __name__ == "__main__":
    import jax
    _d = setup_inputs()
    print(jax.jit(kernel)(*tuple(_d.values())))

</pallas_src>

<mosaic_0001>
#map = affine_map<(d0, d1) -> (0)>
#map1 = affine_map<(d0, d1) -> (0, 0)>
module attributes {stable_mosaic.version = 14 : i64} {
  func.func @_embed_sc(%arg0: i32, %arg1: i32, %arg2: memref<819200xi32, #tpu.memory_space<hbm>>, %arg3: memref<12288xf32, #tpu.memory_space<hbm>>, %arg4: memref<819200x512xf32, #tpu.memory_space<hbm>>, %arg5: memref<25600xi32, #tpu.memory_space<vmem>>, %arg6: memref<12288xf32, #tpu.memory_space<vmem>>, %arg7: memref<2x80x512xf32, #tpu.memory_space<vmem>>, %arg8: memref<!tpu.dma_semaphore, #tpu.memory_space<semaphore_mem>>, %arg9: memref<!tpu.dma_semaphore, #tpu.memory_space<semaphore_mem>>) attributes {dimension_semantics = [#tpu.dimension_semantics<core_parallel>, #tpu.dimension_semantics<subcore_parallel>], iteration_bounds = array<i64: 2, 16>, scalar_prefetch = 0 : i64, scratch_operands = 5 : i64, tpu.core_type = #tpu.core_type<sc_vector_subcore>, window_params = [{transform_indices = #map}, {transform_indices = #map}, {transform_indices = #map1}]} {
    %mul3A = arith.constant 2 : i32
    %mul3A_0 = arith.muli %arg1, %mul3A : i32
    %add3A = arith.addi %mul3A_0, %arg0 : i32
    %mul3A_1 = arith.constant 25600 : i32
    %mul3A_2 = arith.muli %add3A, %mul3A_1 : i32
    "tpu.region"() ({
      %run_scoped3A = tpu.sem_alloc : memref<!tpu.dma_semaphore, #tpu.memory_space<semaphore_mem>>
      tpu.enqueue_dma source(%arg3 : memref<12288xf32, #tpu.memory_space<hbm>>) target(%arg6 : memref<12288xf32, #tpu.memory_space<vmem>>) target_semaphore(%run_scoped3A : memref<!tpu.dma_semaphore, #tpu.memory_space<semaphore_mem>>)
      tpu.wait_dma2 semaphore(%run_scoped3A : memref<!tpu.dma_semaphore, #tpu.memory_space<semaphore_mem>>) src(%arg3 : memref<12288xf32, #tpu.memory_space<hbm>>) dst(%arg6 : memref<12288xf32, #tpu.memory_space<vmem>>)
      tpu.yield
    }) : () -> ()
    "tpu.region"() ({
      %run_scoped3A = tpu.sem_alloc : memref<!tpu.dma_semaphore, #tpu.memory_space<semaphore_mem>>
      %dma_start3A = tpu.memref_slice %arg2[%mul3A_2] : memref<819200xi32, #tpu.memory_space<hbm>> -> memref<25600xi32, #tpu.memory_space<hbm>>
      %dma_start3A_36 = tpu.memref_slice %arg2[%mul3A_2] : memref<819200xi32, #tpu.memory_space<hbm>> -> memref<25600xi32, #tpu.memory_space<hbm>>
      tpu.enqueue_dma source(%dma_start3A_36 : memref<25600xi32, #tpu.memory_space<hbm>>) target(%arg5 : memref<25600xi32, #tpu.memory_space<vmem>>) target_semaphore(%run_scoped3A : memref<!tpu.dma_semaphore, #tpu.memory_space<semaphore_mem>>)
      %dma_wait3A_37 = tpu.memref_slice %arg2[%mul3A_2] : memref<819200xi32, #tpu.memory_space<hbm>> -> memref<25600xi32, #tpu.memory_space<hbm>>
      %dma_wait3A_38 = tpu.memref_slice %arg2[%mul3A_2] : memref<819200xi32, #tpu.memory_space<hbm>> -> memref<25600xi32, #tpu.memory_space<hbm>>
      tpu.wait_dma2 semaphore(%run_scoped3A : memref<!tpu.dma_semaphore, #tpu.memory_space<semaphore_mem>>) src(%dma_wait3A_38 : memref<25600xi32, #tpu.memory_space<hbm>>) dst(%arg5 : memref<25600xi32, #tpu.memory_space<vmem>>)
      tpu.yield
    }) : () -> ()
    %iota3A = tpu.iota {dimensions = array<i32: 0>} : vector<16xi32>
    %scan3A = arith.constant 0 : i32
    %scan3A_3 = arith.constant 160 : i32
    %scan3A_4 = arith.addi %scan3A, %scan3A_3 : i32
    %scan3A_5 = arith.constant 1 : i32
    scf.for %scan3A_36 = %scan3A to %scan3A_4 step %scan3A_5  : i32 {
      %mul3A_37 = arith.constant 2 : i32
      %mul3A_38 = arith.muli %scan3A_36, %mul3A_37 : i32
      %add3A_39 = arith.constant 0 : i32
      %add3A_40 = arith.addi %add3A_39, %mul3A_38 : i32
      %add3A_41 = arith.constant 0 : i32
      %add3A_42 = arith.addi %add3A_40, %add3A_41 : i32
      %gt3A = arith.constant 1 : i32
      %gt3A_43 = arith.cmpi sgt, %add3A_42, %gt3A : i32
      %convert_element_type3A = arith.extui %gt3A_43 : i1 to i32
      %cond3A = arith.constant 0 : i32
      %cond3A_44 = arith.cmpi ne, %convert_element_type3A, %cond3A : i32
      scf.if %cond3A_44 {
        %sub3A = arith.constant 2 : i32
        %sub3A_88 = arith.subi %add3A_42, %sub3A : i32
        %mul3A_89 = arith.constant 80 : i32
        %mul3A_90 = arith.muli %sub3A_88, %mul3A_89 : i32
        %add3A_91 = arith.addi %mul3A_2, %mul3A_90 : i32
        %dma_wait3A_92 = arith.constant 0 : i32
        %dma_wait3A_93 = arith.constant 0 : i32
        %dma_wait3A_94 = arith.constant 0 : i32
        %dma_wait3A_95 = tpu.memref_slice %arg7[%dma_wait3A_92, %dma_wait3A_93, %dma_wait3A_94] : memref<2x80x512xf32, #tpu.memory_space<vmem>> -> memref<1x80x512xf32, #tpu.memory_space<vmem>>
        %dma_wait3A_96 = tpu.memref_squeeze %dma_wait3A_95 : memref<1x80x512xf32, #tpu.memory_space<vmem>> -> memref<80x512xf32, #tpu.memory_space<vmem>>
        %dma_wait3A_97 = arith.constant 0 : i32
        %dma_wait3A_98 = tpu.memref_slice %arg4[%add3A_91, %dma_wait3A_97] : memref<819200x512xf32, #tpu.memory_space<hbm>> -> memref<80x512xf32, #tpu.memory_space<hbm>>
        %dma_wait3A_99 = arith.constant 0 : i32
        %dma_wait3A_100 = tpu.memref_slice %arg4[%add3A_91, %dma_wait3A_99] : memref<819200x512xf32, #tpu.memory_space<hbm>> -> memref<80x512xf32, #tpu.memory_space<hbm>>
        %dma_wait3A_101 = arith.constant 0 : i32
        %dma_wait3A_102 = arith.constant 0 : i32
        %dma_wait3A_103 = tpu.memref_slice %arg7[%dma_wait3A_92, %dma_wait3A_101, %dma_wait3A_102] : memref<2x80x512xf32, #tpu.memory_space<vmem>> -> memref<1x80x512xf32, #tpu.memory_space<vmem>>
        %dma_wait3A_104 = tpu.memref_squeeze %dma_wait3A_103 : memref<1x80x512xf32, #tpu.memory_space<vmem>> -> memref<80x512xf32, #tpu.memory_space<vmem>>
        tpu.wait_dma2 semaphore(%arg8 : memref<!tpu.dma_semaphore, #tpu.memory_space<semaphore_mem>>) src(%dma_wait3A_104 : memref<80x512xf32, #tpu.memory_space<vmem>>) dst(%dma_wait3A_100 : memref<80x512xf32, #tpu.memory_space<hbm>>)
      } else {
      }
      %parallel_loop3A = arith.constant 0 : i32
      %parallel_loop3A_45 = arith.constant 80 : i32
      %parallel_loop3A_46 = arith.constant 1 : i32
      scf.for %parallel_loop3A_88 = %parallel_loop3A to %parallel_loop3A_45 step %parallel_loop3A_46  : i32 {
        %parallel_loop3A_89 = arith.constant 80 : i32
        %parallel_loop3A_90 = arith.muli %add3A_42, %parallel_loop3A_89 : i32
        %parallel_loop3A_91 = arith.addi %parallel_loop3A_90, %parallel_loop3A_88 : i32
        %parallel_loop3A_92 = vector.broadcast %parallel_loop3A_91 : i32 to vector<16xi32>
        %parallel_loop3A_93 = tpu.vector_load_idx %arg5[%parallel_loop3A_92] : memref<25600xi32, #tpu.memory_space<vmem>>[vector<16xi32>], vector<16xi32>,
        %parallel_loop3A_94 = arith.constant 512 : i32
        %parallel_loop3A_95 = vector.broadcast %parallel_loop3A_94 : i32 to vector<16xi32>
        %parallel_loop3A_96 = arith.muli %parallel_loop3A_93, %parallel_loop3A_95 : vector<16xi32>
        %parallel_loop3A_97 = arith.addi %parallel_loop3A_96, %iota3A : vector<16xi32>
        %parallel_loop3A_98 = arith.constant 0 : i32
        %parallel_loop3A_99 = tpu.memref_slice %arg6[%parallel_loop3A_98] : memref<12288xf32, #tpu.memory_space<vmem>> -> memref<12288xf32, #tpu.memory_space<vmem>>
        %parallel_loop3A_100 = tpu.vector_load_idx %parallel_loop3A_99[%parallel_loop3A_97] : memref<12288xf32, #tpu.memory_space<vmem>>[vector<16xi32>], vector<16xf32>,
        %parallel_loop3A_101 = arith.constant 0 : i32
        %parallel_loop3A_102 = arith.index_cast %parallel_loop3A_101 : i32 to index
        %parallel_loop3A_103 = arith.index_cast %parallel_loop3A_88 : i32 to index
        %parallel_loop3A_104 = arith.constant 0 : index
        %parallel_loop3A_105 = tpu.vector_load %arg7[%parallel_loop3A_102, %parallel_loop3A_103, %parallel_loop3A_104] {strides = array<i32>} : memref<2x80x512xf32, #tpu.memory_space<vmem>>, vector<16xf32>,
        tpu.vector_store %arg7[%parallel_loop3A_102, %parallel_loop3A_103, %parallel_loop3A_104], %parallel_loop3A_100 {strides = array<i32>} : memref<2x80x512xf32, #tpu.memory_space<vmem>>, vector<16xf32>,
        %parallel_loop3A_106 = arith.constant 16 : i32
        %parallel_loop3A_107 = tpu.memref_slice %arg6[%parallel_loop3A_106] : memref<12288xf32, #tpu.memory_space<vmem>> -> memref<12272xf32, #tpu.memory_space<vmem>>
        %parallel_loop3A_108 = tpu.vector_load_idx %parallel_loop3A_107[%parallel_loop3A_97] : memref<12272xf32, #tpu.memory_space<vmem>>[vector<16xi32>], vector<16xf32>,
        %parallel_loop3A_109 = arith.constant 0 : i32
        %parallel_loop3A_110 = arith.index_cast %parallel_loop3A_109 : i32 to index
        %parallel_loop3A_111 = arith.index_cast %parallel_loop3A_88 : i32 to index
        %parallel_loop3A_112 = arith.constant 16 : index
        %parallel_loop3A_113 = tpu.vector_load %arg7[%parallel_loop3A_110, %parallel_loop3A_111, %parallel_loop3A_112] {strides = array<i32>} : memref<2x80x512xf32, #tpu.memory_space<vmem>>, vector<16xf32>,
        tpu.vector_store %arg7[%parallel_loop3A_110, %parallel_loop3A_111, %parallel_loop3A_112], %parallel_loop3A_108 {strides = array<i32>} : memref<2x80x512xf32, #tpu.memory_space<vmem>>, vector<16xf32>,
        %parallel_loop3A_114 = arith.constant 32 : i32
        %parallel_loop3A_115 = tpu.memref_slice %arg6[%parallel_loop3A_114] : memref<12288xf32, #tpu.memory_space<vmem>> -> memref<12256xf32, #tpu.memory_space<vmem>>
        %parallel_loop3A_116 = tpu.vector_load_idx %parallel_loop3A_115[%parallel_loop3A_97] : memref<12256xf32, #tpu.memory_space<vmem>>[vector<16xi32>], vector<16xf32>,
        %parallel_loop3A_117 = arith.constant 0 : i32
        %parallel_loop3A_118 = arith.index_cast %parallel_loop3A_117 : i32 to index
        %parallel_loop3A_119 = arith.index_cast %parallel_loop3A_88 : i32 to index
        %parallel_loop3A_120 = arith.constant 32 : index
        %parallel_loop3A_121 = tpu.vector_load %arg7[%parallel_loop3A_118, %parallel_loop3A_119, %parallel_loop3A_120] {strides = array<i32>} : memref<2x80x512xf32, #tpu.memory_space<vmem>>, vector<16xf32>,
        tpu.vector_store %arg7[%parallel_loop3A_118, %parallel_loop3A_119, %parallel_loop3A_120], %parallel_loop3A_116 {strides = array<i32>} : memref<2x80x512xf32, #tpu.memory_space<vmem>>, vector<16xf32>,
        %parallel_loop3A_122 = arith.constant 48 : i32
        %parallel_loop3A_123 = tpu.memref_slice %arg6[%parallel_loop3A_122] : memref<12288xf32, #tpu.memory_space<vmem>> -> memref<12240xf32, #tpu.memory_space<vmem>>
        %parallel_loop3A_124 = tpu.vector_load_idx %parallel_loop3A_123[%parallel_loop3A_97] : memref<12240xf32, #tpu.memory_space<vmem>>[vector<16xi32>], vector<16xf32>,
        %parallel_loop3A_125 = arith.constant 0 : i32
        %parallel_loop3A_126 = arith.index_cast %parallel_loop3A_125 : i32 to index
        %parallel_loop3A_127 = arith.index_cast %parallel_loop3A_88 : i32 to index
        %parallel_loop3A_128 = arith.constant 48 : index
        %parallel_loop3A_129 = tpu.vector_load %arg7[%parallel_loop3A_126, %parallel_loop3A_127, %parallel_loop3A_128] {strides = array<i32>} : memref<2x80x512xf32, #tpu.memory_space<vmem>>, vector<16xf32>,
        tpu.vector_store %arg7[%parallel_loop3A_126, %parallel_loop3A_127, %parallel_loop3A_128], %parallel_loop3A_124 {strides = array<i32>} : memref<2x80x512xf32, #tpu.memory_space<vmem>>, vector<16xf32>,
        %parallel_loop3A_130 = arith.constant 64 : i32
        %parallel_loop3A_131 = tpu.memref_slice %arg6[%parallel_loop3A_130] : memref<12288xf32, #tpu.memory_space<vmem>> -> memref<12224xf32, #tpu.memory_space<vmem>>
        %parallel_loop3A_132 = tpu.vector_load_idx %parallel_loop3A_131[%parallel_loop3A_97] : memref<12224xf32, #tpu.memory_space<vmem>>[vector<16xi32>], vector<16xf32>,
        %parallel_loop3A_133 = arith.constant 0 : i32
        %parallel_loop3A_134 = arith.index_cast %parallel_loop3A_133 : i32 to index
        %parallel_loop3A_135 = arith.index_cast %parallel_loop3A_88 : i32 to index
        %parallel_loop3A_136 = arith.constant 64 : index
        %parallel_loop3A_137 = tpu.vector_load %arg7[%parallel_loop3A_134, %parallel_loop3A_135, %parallel_loop3A_136] {strides = array<i32>} : memref<2x80x512xf32, #tpu.memory_space<vmem>>, vector<16xf32>,
        tpu.vector_store %arg7[%parallel_loop3A_134, %parallel_loop3A_135, %parallel_loop3A_136], %parallel_loop3A_132 {strides = array<i32>} : memref<2x80x512xf32, #tpu.memory_space<vmem>>, vector<16xf32>,
        %parallel_loop3A_138 = arith.constant 80 : i32
        %parallel_loop3A_139 = tpu.memref_slice %arg6[%parallel_loop3A_138] : memref<12288xf32, #tpu.memory_space<vmem>> -> memref<12208xf32, #tpu.memory_space<vmem>>
        %parallel_loop3A_140 = tpu.vector_load_idx %parallel_loop3A_139[%parallel_loop3A_97] : memref<12208xf32, #tpu.memory_space<vmem>>[vector<16xi32>], vector<16xf32>,
        %parallel_loop3A_141 = arith.constant 0 : i32
        %parallel_loop3A_142 = arith.index_cast %parallel_loop3A_141 : i32 to index
        %parallel_loop3A_143 = arith.index_cast %parallel_loop3A_88 : i32 to index
        %parallel_loop3A_144 = arith.constant 80 : index
        %parallel_loop3A_145 = tpu.vector_load %arg7[%parallel_loop3A_142, %parallel_loop3A_143, %parallel_loop3A_144] {strides = array<i32>} : memref<2x80x512xf32, #tpu.memory_space<vmem>>, vector<16xf32>,
        tpu.vector_store %arg7[%parallel_loop3A_142, %parallel_loop3A_143, %parallel_loop3A_144], %parallel_loop3A_140 {strides = array<i32>} : memref<2x80x512xf32, #tpu.memory_space<vmem>>, vector<16xf32>,
        %parallel_loop3A_146 = arith.constant 96 : i32
        %parallel_loop3A_147 = tpu.memref_slice %arg6[%parallel_loop3A_146] : memref<12288xf32, #tpu.memory_space<vmem>> -> memref<12192xf32, #tpu.memory_space<vmem>>
        %parallel_loop3A_148 = tpu.vector_load_idx %parallel_loop3A_147[%parallel_loop3A_97] : memref<12192xf32, #tpu.memory_space<vmem>>[vector<16xi32>], vector<16xf32>,
        %parallel_loop3A_149 = arith.constant 0 : i32
        %parallel_loop3A_150 = arith.index_cast %parallel_loop3A_149 : i32 to index
        %parallel_loop3A_151 = arith.index_cast %parallel_loop3A_88 : i32 to index
        %parallel_loop3A_152 = arith.constant 96 : index
        %parallel_loop3A_153 = tpu.vector_load %arg7[%parallel_loop3A_150, %parallel_loop3A_151, %parallel_loop3A_152] {strides = array<i32>} : memref<2x80x512xf32, #tpu.memory_space<vmem>>, vector<16xf32>,
        tpu.vector_store %arg7[%parallel_loop3A_150, %parallel_loop3A_151, %parallel_loop3A_152], %parallel_loop3A_148 {strides = array<i32>} : memref<2x80x512xf32, #tpu.memory_space<vmem>>, vector<16xf32>,
        %parallel_loop3A_154 = arith.constant 112 : i32
        %parallel_loop3A_155 = tpu.memref_slice %arg6[%parallel_loop3A_154] : memref<12288xf32, #tpu.memory_space<vmem>> -> memref<12176xf32, #tpu.memory_space<vmem>>
        %parallel_loop3A_156 = tpu.vector_load_idx %parallel_loop3A_155[%parallel_loop3A_97] : memref<12176xf32, #tpu.memory_space<vmem>>[vector<16xi32>], vector<16xf32>,
        %parallel_loop3A_157 = arith.constant 0 : i32
        %parallel_loop3A_158 = arith.index_cast %parallel_loop3A_157 : i32 to index
        %parallel_loop3A_159 = arith.index_cast %parallel_loop3A_88 : i32 to index
        %parallel_loop3A_160 = arith.constant 112 : index
        %parallel_loop3A_161 = tpu.vector_load %arg7[%parallel_loop3A_158, %parallel_loop3A_159, %parallel_loop3A_160] {strides = array<i32>} : memref<2x80x512xf32, #tpu.memory_space<vmem>>, vector<16xf32>,
        tpu.vector_store %arg7[%parallel_loop3A_158, %parallel_loop3A_159, %parallel_loop3A_160], %parallel_loop3A_156 {strides = array<i32>} : memref<2x80x512xf32, #tpu.memory_space<vmem>>, vector<16xf32>,
        %parallel_loop3A_162 = arith.constant 128 : i32
        %parallel_loop3A_163 = tpu.memref_slice %arg6[%parallel_loop3A_162] : memref<12288xf32, #tpu.memory_space<vmem>> -> memref<12160xf32, #tpu.memory_space<vmem>>
        %parallel_loop3A_164 = tpu.vector_load_idx %parallel_loop3A_163[%parallel_loop3A_97] : memref<12160xf32, #tpu.memory_space<vmem>>[vector<16xi32>], vector<16xf32>,
        %parallel_loop3A_165 = arith.constant 0 : i32
        %parallel_loop3A_166 = arith.index_cast %parallel_loop3A_165 : i32 to index
        %parallel_loop3A_167 = arith.index_cast %parallel_loop3A_88 : i32 to index
        %parallel_loop3A_168 = arith.constant 128 : index
        %parallel_loop3A_169 = tpu.vector_load %arg7[%parallel_loop3A_166, %parallel_loop3A_167, %parallel_loop3A_168] {strides = array<i32>} : memref<2x80x512xf32, #tpu.memory_space<vmem>>, vector<16xf32>,
        tpu.vector_store %arg7[%parallel_loop3A_166, %parallel_loop3A_167, %parallel_loop3A_168], %parallel_loop3A_164 {strides = array<i32>} : memref<2x80x512xf32, #tpu.memory_space<vmem>>, vector<16xf32>,
        %parallel_loop3A_170 = arith.constant 144 : i32
        %parallel_loop3A_171 = tpu.memref_slice %arg6[%parallel_loop3A_170] : memref<12288xf32, #tpu.memory_space<vmem>> -> memref<12144xf32, #tpu.memory_space<vmem>>
        %parallel_loop3A_172 = tpu.vector_load_idx %parallel_loop3A_171[%parallel_loop3A_97] : memref<12144xf32, #tpu.memory_space<vmem>>[vector<16xi32>], vector<16xf32>,
        %parallel_loop3A_173 = arith.constant 0 : i32
        %parallel_loop3A_174 = arith.index_cast %parallel_loop3A_173 : i32 to index
        %parallel_loop3A_175 = arith.index_cast %parallel_loop3A_88 : i32 to index
        %parallel_loop3A_176 = arith.constant 144 : index
        %parallel_loop3A_177 = tpu.vector_load %arg7[%parallel_loop3A_174, %parallel_loop3A_175, %parallel_loop3A_176] {strides = array<i32>} : memref<2x80x512xf32, #tpu.memory_space<vmem>>, vector<16xf32>,
        tpu.vector_store %arg7[%parallel_loop3A_174, %parallel_loop3A_175, %parallel_loop3A_176], %parallel_loop3A_172 {strides = array<i32>} : memref<2x80x512xf32, #tpu.memory_space<vmem>>, vector<16xf32>,
        %parallel_loop3A_178 = arith.constant 160 : i32
        %parallel_loop3A_179 = tpu.memref_slice %arg6[%parallel_loop3A_178] : memref<12288xf32, #tpu.memory_space<vmem>> -> memref<12128xf32, #tpu.memory_space<vmem>>
        %parallel_loop3A_180 = tpu.vector_load_idx %parallel_loop3A_179[%parallel_loop3A_97] : memref<12128xf32, #tpu.memory_space<vmem>>[vector<16xi32>], vector<16xf32>,
        %parallel_loop3A_181 = arith.constant 0 : i32
        %parallel_loop3A_182 = arith.index_cast %parallel_loop3A_181 : i32 to index
        %parallel_loop3A_183 = arith.index_cast %parallel_loop3A_88 : i32 to index
        %parallel_loop3A_184 = arith.constant 160 : index
        %parallel_loop3A_185 = tpu.vector_load %arg7[%parallel_loop3A_182, %parallel_loop3A_183, %parallel_loop3A_184] {strides = array<i32>} : memref<2x80x512xf32, #tpu.memory_space<vmem>>, vector<16xf32>,
        tpu.vector_store %arg7[%parallel_loop3A_182, %parallel_loop3A_183, %parallel_loop3A_184], %parallel_loop3A_180 {strides = array<i32>} : memref<2x80x512xf32, #tpu.memory_space<vmem>>, vector<16xf32>,
        %parallel_loop3A_186 = arith.constant 176 : i32
        %parallel_loop3A_187 = tpu.memref_slice %arg6[%parallel_loop3A_186] : memref<12288xf32, #tpu.memory_space<vmem>> -> memref<12112xf32, #tpu.memory_space<vmem>>
        %parallel_loop3A_188 = tpu.vector_load_idx %parallel_loop3A_187[%parallel_loop3A_97] : memref<12112xf32, #tpu.memory_space<vmem>>[vector<16xi32>], vector<16xf32>,
        %parallel_loop3A_189 = arith.constant 0 : i32
        %parallel_loop3A_190 = arith.index_cast %parallel_loop3A_189 : i32 to index
        %parallel_loop3A_191 = arith.index_cast %parallel_loop3A_88 : i32 to index
        %parallel_loop3A_192 = arith.constant 176 : index
        %parallel_loop3A_193 = tpu.vector_load %arg7[%parallel_loop3A_190, %parallel_loop3A_191, %parallel_loop3A_192] {strides = array<i32>} : memref<2x80x512xf32, #tpu.memory_space<vmem>>, vector<16xf32>,
        tpu.vector_store %arg7[%parallel_loop3A_190, %parallel_loop3A_191, %parallel_loop3A_192], %parallel_loop3A_188 {strides = array<i32>} : memref<2x80x512xf32, #tpu.memory_space<vmem>>, vector<16xf32>,
        %parallel_loop3A_194 = arith.constant 192 : i32
        %parallel_loop3A_195 = tpu.memref_slice %arg6[%parallel_loop3A_194] : memref<12288xf32, #tpu.memory_space<vmem>> -> memref<12096xf32, #tpu.memory_space<vmem>>
        %parallel_loop3A_196 = tpu.vector_load_idx %parallel_loop3A_195[%parallel_loop3A_97] : memref<12096xf32, #tpu.memory_space<vmem>>[vector<16xi32>], vector<16xf32>,
        %parallel_loop3A_197 = arith.constant 0 : i32
        %parallel_loop3A_198 = arith.index_cast %parallel_loop3A_197 : i32 to index
        %parallel_loop3A_199 = arith.index_cast %parallel_loop3A_88 : i32 to index
        %parallel_loop3A_200 = arith.constant 192 : index
        %parallel_loop3A_201 = tpu.vector_load %arg7[%parallel_loop3A_198, %parallel_loop3A_199, %parallel_loop3A_200] {strides = array<i32>} : memref<2x80x512xf32, #tpu.memory_space<vmem>>, vector<16xf32>,
        tpu.vector_store %arg7[%parallel_loop3A_198, %parallel_loop3A_199, %parallel_loop3A_200], %parallel_loop3A_196 {strides = array<i32>} : memref<2x80x512xf32, #tpu.memory_space<vmem>>, vector<16xf32>,
        %parallel_loop3A_202 = arith.constant 208 : i32
        %parallel_loop3A_203 = tpu.memref_slice %arg6[%parallel_loop3A_202] : memref<12288xf32, #tpu.memory_space<vmem>> -> memref<12080xf32, #tpu.memory_space<vmem>>
        %parallel_loop3A_204 = tpu.vector_load_idx %parallel_loop3A_203[%parallel_loop3A_97] : memref<12080xf32, #tpu.memory_space<vmem>>[vector<16xi32>], vector<16xf32>,
        %parallel_loop3A_205 = arith.constant 0 : i32
        %parallel_loop3A_206 = arith.index_cast %parallel_loop3A_205 : i32 to index
        %parallel_loop3A_207 = arith.index_cast %parallel_loop3A_88 : i32 to index
        %parallel_loop3A_208 = arith.constant 208 : index
        %parallel_loop3A_209 = tpu.vector_load %arg7[%parallel_loop3A_206, %parallel_loop3A_207, %parallel_loop3A_208] {strides = array<i32>} : memref<2x80x512xf32, #tpu.memory_space<vmem>>, vector<16xf32>,
        tpu.vector_store %arg7[%parallel_loop3A_206, %parallel_loop3A_207, %parallel_loop3A_208], %parallel_loop3A_204 {strides = array<i32>} : memref<2x80x512xf32, #tpu.memory_space<vmem>>, vector<16xf32>,
        %parallel_loop3A_210 = arith.constant 224 : i32
        %parallel_loop3A_211 = tpu.memref_slice %arg6[%parallel_loop3A_210] : memref<12288xf32, #tpu.memory_space<vmem>> -> memref<12064xf32, #tpu.memory_space<vmem>>
        %parallel_loop3A_212 = tpu.vector_load_idx %parallel_loop3A_211[%parallel_loop3A_97] : memref<12064xf32, #tpu.memory_space<vmem>>[vector<16xi32>], vector<16xf32>,
        %parallel_loop3A_213 = arith.constant 0 : i32
        %parallel_loop3A_214 = arith.index_cast %parallel_loop3A_213 : i32 to index
        %parallel_loop3A_215 = arith.index_cast %parallel_loop3A_88 : i32 to index
        %parallel_loop3A_216 = arith.constant 224 : index
        %parallel_loop3A_217 = tpu.vector_load %arg7[%parallel_loop3A_214, %parallel_loop3A_215, %parallel_loop3A_216] {strides = array<i32>} : memref<2x80x512xf32, #tpu.memory_space<vmem>>, vector<16xf32>,
        tpu.vector_store %arg7[%parallel_loop3A_214, %parallel_loop3A_215, %parallel_loop3A_216], %parallel_loop3A_212 {strides = array<i32>} : memref<2x80x512xf32, #tpu.memory_space<vmem>>, vector<16xf32>,
        %parallel_loop3A_218 = arith.constant 240 : i32
        %parallel_loop3A_219 = tpu.memref_slice %arg6[%parallel_loop3A_218] : memref<12288xf32, #tpu.memory_space<vmem>> -> memref<12048xf32, #tpu.memory_space<vmem>>
        %parallel_loop3A_220 = tpu.vector_load_idx %parallel_loop3A_219[%parallel_loop3A_97] : memref<12048xf32, #tpu.memory_space<vmem>>[vector<16xi32>], vector<16xf32>,
        %parallel_loop3A_221 = arith.constant 0 : i32
        %parallel_loop3A_222 = arith.index_cast %parallel_loop3A_221 : i32 to index
        %parallel_loop3A_223 = arith.index_cast %parallel_loop3A_88 : i32 to index
        %parallel_loop3A_224 = arith.constant 240 : index
        %parallel_loop3A_225 = tpu.vector_load %arg7[%parallel_loop3A_222, %parallel_loop3A_223, %parallel_loop3A_224] {strides = array<i32>} : memref<2x80x512xf32, #tpu.memory_space<vmem>>, vector<16xf32>,
        tpu.vector_store %arg7[%parallel_loop3A_222, %parallel_loop3A_223, %parallel_loop3A_224], %parallel_loop3A_220 {strides = array<i32>} : memref<2x80x512xf32, #tpu.memory_space<vmem>>, vector<16xf32>,
        %parallel_loop3A_226 = arith.constant 256 : i32
        %parallel_loop3A_227 = tpu.memref_slice %arg6[%parallel_loop3A_226] : memref<12288xf32, #tpu.memory_space<vmem>> -> memref<12032xf32, #tpu.memory_space<vmem>>
        %parallel_loop3A_228 = tpu.vector_load_idx %parallel_loop3A_227[%parallel_loop3A_97] : memref<12032xf32, #tpu.memory_space<vmem>>[vector<16xi32>], vector<16xf32>,
        %parallel_loop3A_229 = arith.constant 0 : i32
        %parallel_loop3A_230 = arith.index_cast %parallel_loop3A_229 : i32 to index
        %parallel_loop3A_231 = arith.index_cast %parallel_loop3A_88 : i32 to index
        %parallel_loop3A_232 = arith.constant 256 : index
        %parallel_loop3A_233 = tpu.vector_load %arg7[%parallel_loop3A_230, %parallel_loop3A_231, %parallel_loop3A_232] {strides = array<i32>} : memref<2x80x512xf32, #tpu.memory_space<vmem>>, vector<16xf32>,
        tpu.vector_store %arg7[%parallel_loop3A_230, %parallel_loop3A_231, %parallel_loop3A_232], %parallel_loop3A_228 {strides = array<i32>} : memref<2x80x512xf32, #tpu.memory_space<vmem>>, vector<16xf32>,
        %parallel_loop3A_234 = arith.constant 272 : i32
        %parallel_loop3A_235 = tpu.memref_slice %arg6[%parallel_loop3A_234] : memref<12288xf32, #tpu.memory_space<vmem>> -> memref<12016xf32, #tpu.memory_space<vmem>>
        %parallel_loop3A_236 = tpu.vector_load_idx %parallel_loop3A_235[%parallel_loop3A_97] : memref<12016xf32, #tpu.memory_space<vmem>>[vector<16xi32>], vector<16xf32>,
        %parallel_loop3A_237 = arith.constant 0 : i32
        %parallel_loop3A_238 = arith.index_cast %parallel_loop3A_237 : i32 to index
        %parallel_loop3A_239 = arith.index_cast %parallel_loop3A_88 : i32 to index
        %parallel_loop3A_240 = arith.constant 272 : index
        %parallel_loop3A_241 = tpu.vector_load %arg7[%parallel_loop3A_238, %parallel_loop3A_239, %parallel_loop3A_240] {strides = array<i32>} : memref<2x80x512xf32, #tpu.memory_space<vmem>>, vector<16xf32>,
        tpu.vector_store %arg7[%parallel_loop3A_238, %parallel_loop3A_239, %parallel_loop3A_240], %parallel_loop3A_236 {strides = array<i32>} : memref<2x80x512xf32, #tpu.memory_space<vmem>>, vector<16xf32>,
        %parallel_loop3A_242 = arith.constant 288 : i32
        %parallel_loop3A_243 = tpu.memref_slice %arg6[%parallel_loop3A_242] : memref<12288xf32, #tpu.memory_space<vmem>> -> memref<12000xf32, #tpu.memory_space<vmem>>
        %parallel_loop3A_244 = tpu.vector_load_idx %parallel_loop3A_243[%parallel_loop3A_97] : memref<12000xf32, #tpu.memory_space<vmem>>[vector<16xi32>], vector<16xf32>,
        %parallel_loop3A_245 = arith.constant 0 : i32
        %parallel_loop3A_246 = arith.index_cast %parallel_loop3A_245 : i32 to index
        %parallel_loop3A_247 = arith.index_cast %parallel_loop3A_88 : i32 to index
        %parallel_loop3A_248 = arith.constant 288 : index
        %parallel_loop3A_249 = tpu.vector_load %arg7[%parallel_loop3A_246, %parallel_loop3A_247, %parallel_loop3A_248] {strides = array<i32>} : memref<2x80x512xf32, #tpu.memory_space<vmem>>, vector<16xf32>,
        tpu.vector_store %arg7[%parallel_loop3A_246, %parallel_loop3A_247, %parallel_loop3A_248], %parallel_loop3A_244 {strides = array<i32>} : memref<2x80x512xf32, #tpu.memory_space<vmem>>, vector<16xf32>,
        %parallel_loop3A_250 = arith.constant 304 : i32
        %parallel_loop3A_251 = tpu.memref_slice %arg6[%parallel_loop3A_250] : memref<12288xf32, #tpu.memory_space<vmem>> -> memref<11984xf32, #tpu.memory_space<vmem>>
        %parallel_loop3A_252 = tpu.vector_load_idx %parallel_loop3A_251[%parallel_loop3A_97] : memref<11984xf32, #tpu.memory_space<vmem>>[vector<16xi32>], vector<16xf32>,
        %parallel_loop3A_253 = arith.constant 0 : i32
        %parallel_loop3A_254 = arith.index_cast %parallel_loop3A_253 : i32 to index
        %parallel_loop3A_255 = arith.index_cast %parallel_loop3A_88 : i32 to index
        %parallel_loop3A_256 = arith.constant 304 : index
        %parallel_loop3A_257 = tpu.vector_load %arg7[%parallel_loop3A_254, %parallel_loop3A_255, %parallel_loop3A_256] {strides = array<i32>} : memref<2x80x512xf32, #tpu.memory_space<vmem>>, vector<16xf32>,
        tpu.vector_store %arg7[%parallel_loop3A_254, %parallel_loop3A_255, %parallel_loop3A_256], %parallel_loop3A_252 {strides = array<i32>} : memref<2x80x512xf32, #tpu.memory_space<vmem>>, vector<16xf32>,
        %parallel_loop3A_258 = arith.constant 320 : i32
        %parallel_loop3A_259 = tpu.memref_slice %arg6[%parallel_loop3A_258] : memref<12288xf32, #tpu.memory_space<vmem>> -> memref<11968xf32, #tpu.memory_space<vmem>>
        %parallel_loop3A_260 = tpu.vector_load_idx %parallel_loop3A_259[%parallel_loop3A_97] : memref<11968xf32, #tpu.memory_space<vmem>>[vector<16xi32>], vector<16xf32>,
        %parallel_loop3A_261 = arith.constant 0 : i32
        %parallel_loop3A_262 = arith.index_cast %parallel_loop3A_261 : i32 to index
        %parallel_loop3A_263 = arith.index_cast %parallel_loop3A_88 : i32 to index
        %parallel_loop3A_264 = arith.constant 320 : index
        %parallel_loop3A_265 = tpu.vector_load %arg7[%parallel_loop3A_262, %parallel_loop3A_263, %parallel_loop3A_264] {strides = array<i32>} : memref<2x80x512xf32, #tpu.memory_space<vmem>>, vector<16xf32>,
        tpu.vector_store %arg7[%parallel_loop3A_262, %parallel_loop3A_263, %parallel_loop3A_264], %parallel_loop3A_260 {strides = array<i32>} : memref<2x80x512xf32, #tpu.memory_space<vmem>>, vector<16xf32>,
        %parallel_loop3A_266 = arith.constant 336 : i32
        %parallel_loop3A_267 = tpu.memref_slice %arg6[%parallel_loop3A_266] : memref<12288xf32, #tpu.memory_space<vmem>> -> memref<11952xf32, #tpu.memory_space<vmem>>
        %parallel_loop3A_268 = tpu.vector_load_idx %parallel_loop3A_267[%parallel_loop3A_97] : memref<11952xf32, #tpu.memory_space<vmem>>[vector<16xi32>], vector<16xf32>,
        %parallel_loop3A_269 = arith.constant 0 : i32
        %parallel_loop3A_270 = arith.index_cast %parallel_loop3A_269 : i32 to index
        %parallel_loop3A_271 = arith.index_cast %parallel_loop3A_88 : i32 to index
        %parallel_loop3A_272 = arith.constant 336 : index
        %parallel_loop3A_273 = tpu.vector_load %arg7[%parallel_loop3A_270, %parallel_loop3A_271, %parallel_loop3A_272] {strides = array<i32>} : memref<2x80x512xf32, #tpu.memory_space<vmem>>, vector<16xf32>,
        tpu.vector_store %arg7[%parallel_loop3A_270, %parallel_loop3A_271, %parallel_loop3A_272], %parallel_loop3A_268 {strides = array<i32>} : memref<2x80x512xf32, #tpu.memory_space<vmem>>, vector<16xf32>,
        %parallel_loop3A_274 = arith.constant 352 : i32
        %parallel_loop3A_275 = tpu.memref_slice %arg6[%parallel_loop3A_274] : memref<12288xf32, #tpu.memory_space<vmem>> -> memref<11936xf32, #tpu.memory_space<vmem>>
        %parallel_loop3A_276 = tpu.vector_load_idx %parallel_loop3A_275[%parallel_loop3A_97] : memref<11936xf32, #tpu.memory_space<vmem>>[vector<16xi32>], vector<16xf32>,
        %parallel_loop3A_277 = arith.constant 0 : i32
        %parallel_loop3A_278 = arith.index_cast %parallel_loop3A_277 : i32 to index
        %parallel_loop3A_279 = arith.index_cast %parallel_loop3A_88 : i32 to index
        %parallel_loop3A_280 = arith.constant 352 : index
        %parallel_loop3A_281 = tpu.vector_load %arg7[%parallel_loop3A_278, %parallel_loop3A_279, %parallel_loop3A_280] {strides = array<i32>} : memref<2x80x512xf32, #tpu.memory_space<vmem>>, vector<16xf32>,
        tpu.vector_store %arg7[%parallel_loop3A_278, %parallel_loop3A_279, %parallel_loop3A_280], %parallel_loop3A_276 {strides = array<i32>} : memref<2x80x512xf32, #tpu.memory_space<vmem>>, vector<16xf32>,
        %parallel_loop3A_282 = arith.constant 368 : i32
        %parallel_loop3A_283 = tpu.memref_slice %arg6[%parallel_loop3A_282] : memref<12288xf32, #tpu.memory_space<vmem>> -> memref<11920xf32, #tpu.memory_space<vmem>>
        %parallel_loop3A_284 = tpu.vector_load_idx %parallel_loop3A_283[%parallel_loop3A_97] : memref<11920xf32, #tpu.memory_space<vmem>>[vector<16xi32>], vector<16xf32>,
        %parallel_loop3A_285 = arith.constant 0 : i32
        %parallel_loop3A_286 = arith.index_cast %parallel_loop3A_285 : i32 to index
        %parallel_loop3A_287 = arith.index_cast %parallel_loop3A_88 : i32 to index
        %parallel_loop3A_288 = arith.constant 368 : index
        %parallel_loop3A_289 = tpu.vector_load %arg7[%parallel_loop3A_286, %parallel_loop3A_287, %parallel_loop3A_288] {strides = array<i32>} : memref<2x80x512xf32, #tpu.memory_space<vmem>>, vector<16xf32>,
        tpu.vector_store %arg7[%parallel_loop3A_286, %parallel_loop3A_287, %parallel_loop3A_288], %parallel_loop3A_284 {strides = array<i32>} : memref<2x80x512xf32, #tpu.memory_space<vmem>>, vector<16xf32>,
        %parallel_loop3A_290 = arith.constant 384 : i32
        %parallel_loop3A_291 = tpu.memref_slice %arg6[%parallel_loop3A_290] : memref<12288xf32, #tpu.memory_space<vmem>> -> memref<11904xf32, #tpu.memory_space<vmem>>
        %parallel_loop3A_292 = tpu.vector_load_idx %parallel_loop3A_291[%parallel_loop3A_97] : memref<11904xf32, #tpu.memory_space<vmem>>[vector<16xi32>], vector<16xf32>,
        %parallel_loop3A_293 = arith.constant 0 : i32
        %parallel_loop3A_294 = arith.index_cast %parallel_loop3A_293 : i32 to index
        %parallel_loop3A_295 = arith.index_cast %parallel_loop3A_88 : i32 to index
        %parallel_loop3A_296 = arith.constant 384 : index
        %parallel_loop3A_297 = tpu.vector_load %arg7[%parallel_loop3A_294, %parallel_loop3A_295, %parallel_loop3A_296] {strides = array<i32>} : memref<2x80x512xf32, #tpu.memory_space<vmem>>, vector<16xf32>,
        tpu.vector_store %arg7[%parallel_loop3A_294, %parallel_loop3A_295, %parallel_loop3A_296], %parallel_loop3A_292 {strides = array<i32>} : memref<2x80x512xf32, #tpu.memory_space<vmem>>, vector<16xf32>,
        %parallel_loop3A_298 = arith.constant 400 : i32
        %parallel_loop3A_299 = tpu.memref_slice %arg6[%parallel_loop3A_298] : memref<12288xf32, #tpu.memory_space<vmem>> -> memref<11888xf32, #tpu.memory_space<vmem>>
        %parallel_loop3A_300 = tpu.vector_load_idx %parallel_loop3A_299[%parallel_loop3A_97] : memref<11888xf32, #tpu.memory_space<vmem>>[vector<16xi32>], vector<16xf32>,
        %parallel_loop3A_301 = arith.constant 0 : i32
        %parallel_loop3A_302 = arith.index_cast %parallel_loop3A_301 : i32 to index
        %parallel_loop3A_303 = arith.index_cast %parallel_loop3A_88 : i32 to index
        %parallel_loop3A_304 = arith.constant 400 : index
        %parallel_loop3A_305 = tpu.vector_load %arg7[%parallel_loop3A_302, %parallel_loop3A_303, %parallel_loop3A_304] {strides = array<i32>} : memref<2x80x512xf32, #tpu.memory_space<vmem>>, vector<16xf32>,
        tpu.vector_store %arg7[%parallel_loop3A_302, %parallel_loop3A_303, %parallel_loop3A_304], %parallel_loop3A_300 {strides = array<i32>} : memref<2x80x512xf32, #tpu.memory_space<vmem>>, vector<16xf32>,
        %parallel_loop3A_306 = arith.constant 416 : i32
        %parallel_loop3A_307 = tpu.memref_slice %arg6[%parallel_loop3A_306] : memref<12288xf32, #tpu.memory_space<vmem>> -> memref<11872xf32, #tpu.memory_space<vmem>>
        %parallel_loop3A_308 = tpu.vector_load_idx %parallel_loop3A_307[%parallel_loop3A_97] : memref<11872xf32, #tpu.memory_space<vmem>>[vector<16xi32>], vector<16xf32>,
        %parallel_loop3A_309 = arith.constant 0 : i32
        %parallel_loop3A_310 = arith.index_cast %parallel_loop3A_309 : i32 to index
        %parallel_loop3A_311 = arith.index_cast %parallel_loop3A_88 : i32 to index
        %parallel_loop3A_312 = arith.constant 416 : index
        %parallel_loop3A_313 = tpu.vector_load %arg7[%parallel_loop3A_310, %parallel_loop3A_311, %parallel_loop3A_312] {strides = array<i32>} : memref<2x80x512xf32, #tpu.memory_space<vmem>>, vector<16xf32>,
        tpu.vector_store %arg7[%parallel_loop3A_310, %parallel_loop3A_311, %parallel_loop3A_312], %parallel_loop3A_308 {strides = array<i32>} : memref<2x80x512xf32, #tpu.memory_space<vmem>>, vector<16xf32>,
        %parallel_loop3A_314 = arith.constant 432 : i32
        %parallel_loop3A_315 = tpu.memref_slice %arg6[%parallel_loop3A_314] : memref<12288xf32, #tpu.memory_space<vmem>> -> memref<11856xf32, #tpu.memory_space<vmem>>
        %parallel_loop3A_316 = tpu.vector_load_idx %parallel_loop3A_315[%parallel_loop3A_97] : memref<11856xf32, #tpu.memory_space<vmem>>[vector<16xi32>], vector<16xf32>,
        %parallel_loop3A_317 = arith.constant 0 : i32
        %parallel_loop3A_318 = arith.index_cast %parallel_loop3A_317 : i32 to index
        %parallel_loop3A_319 = arith.index_cast %parallel_loop3A_88 : i32 to index
        %parallel_loop3A_320 = arith.constant 432 : index
        %parallel_loop3A_321 = tpu.vector_load %arg7[%parallel_loop3A_318, %parallel_loop3A_319, %parallel_loop3A_320] {strides = array<i32>} : memref<2x80x512xf32, #tpu.memory_space<vmem>>, vector<16xf32>,
        tpu.vector_store %arg7[%parallel_loop3A_318, %parallel_loop3A_319, %parallel_loop3A_320], %parallel_loop3A_316 {strides = array<i32>} : memref<2x80x512xf32, #tpu.memory_space<vmem>>, vector<16xf32>,
        %parallel_loop3A_322 = arith.constant 448 : i32
        %parallel_loop3A_323 = tpu.memref_slice %arg6[%parallel_loop3A_322] : memref<12288xf32, #tpu.memory_space<vmem>> -> memref<11840xf32, #tpu.memory_space<vmem>>
        %parallel_loop3A_324 = tpu.vector_load_idx %parallel_loop3A_323[%parallel_loop3A_97] : memref<11840xf32, #tpu.memory_space<vmem>>[vector<16xi32>], vector<16xf32>,
        %parallel_loop3A_325 = arith.constant 0 : i32
        %parallel_loop3A_326 = arith.index_cast %parallel_loop3A_325 : i32 to index
        %parallel_loop3A_327 = arith.index_cast %parallel_loop3A_88 : i32 to index
        %parallel_loop3A_328 = arith.constant 448 : index
        %parallel_loop3A_329 = tpu.vector_load %arg7[%parallel_loop3A_326, %parallel_loop3A_327, %parallel_loop3A_328] {strides = array<i32>} : memref<2x80x512xf32, #tpu.memory_space<vmem>>, vector<16xf32>,
        tpu.vector_store %arg7[%parallel_loop3A_326, %parallel_loop3A_327, %parallel_loop3A_328], %parallel_loop3A_324 {strides = array<i32>} : memref<2x80x512xf32, #tpu.memory_space<vmem>>, vector<16xf32>,
        %parallel_loop3A_330 = arith.constant 464 : i32
        %parallel_loop3A_331 = tpu.memref_slice %arg6[%parallel_loop3A_330] : memref<12288xf32, #tpu.memory_space<vmem>> -> memref<11824xf32, #tpu.memory_space<vmem>>
        %parallel_loop3A_332 = tpu.vector_load_idx %parallel_loop3A_331[%parallel_loop3A_97] : memref<11824xf32, #tpu.memory_space<vmem>>[vector<16xi32>], vector<16xf32>,
        %parallel_loop3A_333 = arith.constant 0 : i32
        %parallel_loop3A_334 = arith.index_cast %parallel_loop3A_333 : i32 to index
        %parallel_loop3A_335 = arith.index_cast %parallel_loop3A_88 : i32 to index
        %parallel_loop3A_336 = arith.constant 464 : index
        %parallel_loop3A_337 = tpu.vector_load %arg7[%parallel_loop3A_334, %parallel_loop3A_335, %parallel_loop3A_336] {strides = array<i32>} : memref<2x80x512xf32, #tpu.memory_space<vmem>>, vector<16xf32>,
        tpu.vector_store %arg7[%parallel_loop3A_334, %parallel_loop3A_335, %parallel_loop3A_336], %parallel_loop3A_332 {strides = array<i32>} : memref<2x80x512xf32, #tpu.memory_space<vmem>>, vector<16xf32>,
        %parallel_loop3A_338 = arith.constant 480 : i32
        %parallel_loop3A_339 = tpu.memref_slice %arg6[%parallel_loop3A_338] : memref<12288xf32, #tpu.memory_space<vmem>> -> memref<11808xf32, #tpu.memory_space<vmem>>
        %parallel_loop3A_340 = tpu.vector_load_idx %parallel_loop3A_339[%parallel_loop3A_97] : memref<11808xf32, #tpu.memory_space<vmem>>[vector<16xi32>], vector<16xf32>,
        %parallel_loop3A_341 = arith.constant 0 : i32
        %parallel_loop3A_342 = arith.index_cast %parallel_loop3A_341 : i32 to index
        %parallel_loop3A_343 = arith.index_cast %parallel_loop3A_88 : i32 to index
        %parallel_loop3A_344 = arith.constant 480 : index
        %parallel_loop3A_345 = tpu.vector_load %arg7[%parallel_loop3A_342, %parallel_loop3A_343, %parallel_loop3A_344] {strides = array<i32>} : memref<2x80x512xf32, #tpu.memory_space<vmem>>, vector<16xf32>,
        tpu.vector_store %arg7[%parallel_loop3A_342, %parallel_loop3A_343, %parallel_loop3A_344], %parallel_loop3A_340 {strides = array<i32>} : memref<2x80x512xf32, #tpu.memory_space<vmem>>, vector<16xf32>,
        %parallel_loop3A_346 = arith.constant 496 : i32
        %parallel_loop3A_347 = tpu.memref_slice %arg6[%parallel_loop3A_346] : memref<12288xf32, #tpu.memory_space<vmem>> -> memref<11792xf32, #tpu.memory_space<vmem>>
        %parallel_loop3A_348 = tpu.vector_load_idx %parallel_loop3A_347[%parallel_loop3A_97] : memref<11792xf32, #tpu.memory_space<vmem>>[vector<16xi32>], vector<16xf32>,
        %parallel_loop3A_349 = arith.constant 0 : i32
        %parallel_loop3A_350 = arith.index_cast %parallel_loop3A_349 : i32 to index
        %parallel_loop3A_351 = arith.index_cast %parallel_loop3A_88 : i32 to index
        %parallel_loop3A_352 = arith.constant 496 : index
        %parallel_loop3A_353 = tpu.vector_load %arg7[%parallel_loop3A_350, %parallel_loop3A_351, %parallel_loop3A_352] {strides = array<i32>} : memref<2x80x512xf32, #tpu.memory_space<vmem>>, vector<16xf32>,
        tpu.vector_store %arg7[%parallel_loop3A_350, %parallel_loop3A_351, %parallel_loop3A_352], %parallel_loop3A_348 {strides = array<i32>} : memref<2x80x512xf32, #tpu.memory_space<vmem>>, vector<16xf32>,
      } {sc.loop_unroll_factor = 4 : i64, sc.parallel_access}
      %mul3A_47 = arith.constant 80 : i32
      %mul3A_48 = arith.muli %add3A_42, %mul3A_47 : i32
      %add3A_49 = arith.addi %mul3A_2, %mul3A_48 : i32
      %dma_start3A = arith.constant 0 : i32
      %dma_start3A_50 = arith.constant 0 : i32
      %dma_start3A_51 = arith.constant 0 : i32
      %dma_start3A_52 = tpu.memref_slice %arg7[%dma_start3A, %dma_start3A_50, %dma_start3A_51] : memref<2x80x512xf32, #tpu.memory_space<vmem>> -> memref<1x80x512xf32, #tpu.memory_space<vmem>>
      %dma_start3A_53 = tpu.memref_squeeze %dma_start3A_52 : memref<1x80x512xf32, #tpu.memory_space<vmem>> -> memref<80x512xf32, #tpu.memory_space<vmem>>
      %dma_start3A_54 = arith.constant 0 : i32
      %dma_start3A_55 = tpu.memref_slice %arg4[%add3A_49, %dma_start3A_54] : memref<819200x512xf32, #tpu.memory_space<hbm>> -> memref<80x512xf32, #tpu.memory_space<hbm>>
      %dma_start3A_56 = arith.constant 0 : i32
      %dma_start3A_57 = tpu.memref_slice %arg4[%add3A_49, %dma_start3A_56] : memref<819200x512xf32, #tpu.memory_space<hbm>> -> memref<80x512xf32, #tpu.memory_space<hbm>>
      %dma_start3A_58 = arith.constant 0 : i32
      %dma_start3A_59 = arith.constant 0 : i32
      %dma_start3A_60 = tpu.memref_slice %arg7[%dma_start3A, %dma_start3A_58, %dma_start3A_59] : memref<2x80x512xf32, #tpu.memory_space<vmem>> -> memref<1x80x512xf32, #tpu.memory_space<vmem>>
      %dma_start3A_61 = tpu.memref_squeeze %dma_start3A_60 : memref<1x80x512xf32, #tpu.memory_space<vmem>> -> memref<80x512xf32, #tpu.memory_space<vmem>>
      tpu.enqueue_dma source(%dma_start3A_61 : memref<80x512xf32, #tpu.memory_space<vmem>>) target(%dma_start3A_57 : memref<80x512xf32, #tpu.memory_space<hbm>>) target_semaphore(%arg8 : memref<!tpu.dma_semaphore, #tpu.memory_space<semaphore_mem>>)
      %add3A_62 = arith.constant 1 : i32
      %add3A_63 = arith.addi %add3A_40, %add3A_62 : i32
      %gt3A_64 = arith.constant 1 : i32
      %gt3A_65 = arith.cmpi sgt, %add3A_63, %gt3A_64 : i32
      %convert_element_type3A_66 = arith.extui %gt3A_65 : i1 to i32
      %cond3A_67 = arith.constant 0 : i32
      %cond3A_68 = arith.cmpi ne, %convert_element_type3A_66, %cond3A_67 : i32
      scf.if %cond3A_68 {
        %sub3A = arith.constant 2 : i32
        %sub3A_88 = arith.subi %add3A_63, %sub3A : i32
        %mul3A_89 = arith.constant 80 : i32
        %mul3A_90 = arith.muli %sub3A_88, %mul3A_89 : i32
        %add3A_91 = arith.addi %mul3A_2, %mul3A_90 : i32
        %dma_wait3A_92 = arith.constant 1 : i32
        %dma_wait3A_93 = arith.constant 0 : i32
        %dma_wait3A_94 = arith.constant 0 : i32
        %dma_wait3A_95 = tpu.memref_slice %arg7[%dma_wait3A_92, %dma_wait3A_93, %dma_wait3A_94] : memref<2x80x512xf32, #tpu.memory_space<vmem>> -> memref<1x80x512xf32, #tpu.memory_space<vmem>>
        %dma_wait3A_96 = tpu.memref_squeeze %dma_wait3A_95 : memref<1x80x512xf32, #tpu.memory_space<vmem>> -> memref<80x512xf32, #tpu.memory_space<vmem>>
        %dma_wait3A_97 = arith.constant 0 : i32
        %dma_wait3A_98 = tpu.memref_slice %arg4[%add3A_91, %dma_wait3A_97] : memref<819200x512xf32, #tpu.memory_space<hbm>> -> memref<80x512xf32, #tpu.memory_space<hbm>>
        %dma_wait3A_99 = arith.constant 0 : i32
        %dma_wait3A_100 = tpu.memref_slice %arg4[%add3A_91, %dma_wait3A_99] : memref<819200x512xf32, #tpu.memory_space<hbm>> -> memref<80x512xf32, #tpu.memory_space<hbm>>
        %dma_wait3A_101 = arith.constant 0 : i32
        %dma_wait3A_102 = arith.constant 0 : i32
        %dma_wait3A_103 = tpu.memref_slice %arg7[%dma_wait3A_92, %dma_wait3A_101, %dma_wait3A_102] : memref<2x80x512xf32, #tpu.memory_space<vmem>> -> memref<1x80x512xf32, #tpu.memory_space<vmem>>
        %dma_wait3A_104 = tpu.memref_squeeze %dma_wait3A_103 : memref<1x80x512xf32, #tpu.memory_space<vmem>> -> memref<80x512xf32, #tpu.memory_space<vmem>>
        tpu.wait_dma2 semaphore(%arg9 : memref<!tpu.dma_semaphore, #tpu.memory_space<semaphore_mem>>) src(%dma_wait3A_104 : memref<80x512xf32, #tpu.memory_space<vmem>>) dst(%dma_wait3A_100 : memref<80x512xf32, #tpu.memory_space<hbm>>)
      } else {
      }
      %parallel_loop3A_69 = arith.constant 0 : i32
      %parallel_loop3A_70 = arith.constant 80 : i32
      %parallel_loop3A_71 = arith.constant 1 : i32
      scf.for %parallel_loop3A_88 = %parallel_loop3A_69 to %parallel_loop3A_70 step %parallel_loop3A_71  : i32 {
        %parallel_loop3A_89 = arith.constant 80 : i32
        %parallel_loop3A_90 = arith.muli %add3A_63, %parallel_loop3A_89 : i32
        %parallel_loop3A_91 = arith.addi %parallel_loop3A_90, %parallel_loop3A_88 : i32
        %parallel_loop3A_92 = vector.broadcast %parallel_loop3A_91 : i32 to vector<16xi32>
        %parallel_loop3A_93 = tpu.vector_load_idx %arg5[%parallel_loop3A_92] : memref<25600xi32, #tpu.memory_space<vmem>>[vector<16xi32>], vector<16xi32>,
        %parallel_loop3A_94 = arith.constant 512 : i32
        %parallel_loop3A_95 = vector.broadcast %parallel_loop3A_94 : i32 to vector<16xi32>
        %parallel_loop3A_96 = arith.muli %parallel_loop3A_93, %parallel_loop3A_95 : vector<16xi32>
        %parallel_loop3A_97 = arith.addi %parallel_loop3A_96, %iota3A : vector<16xi32>
        %parallel_loop3A_98 = arith.constant 0 : i32
        %parallel_loop3A_99 = tpu.memref_slice %arg6[%parallel_loop3A_98] : memref<12288xf32, #tpu.memory_space<vmem>> -> memref<12288xf32, #tpu.memory_space<vmem>>
        %parallel_loop3A_100 = tpu.vector_load_idx %parallel_loop3A_99[%parallel_loop3A_97] : memref<12288xf32, #tpu.memory_space<vmem>>[vector<16xi32>], vector<16xf32>,
        %parallel_loop3A_101 = arith.constant 1 : i32
        %parallel_loop3A_102 = arith.index_cast %parallel_loop3A_101 : i32 to index
        %parallel_loop3A_103 = arith.index_cast %parallel_loop3A_88 : i32 to index
        %parallel_loop3A_104 = arith.constant 0 : index
        %parallel_loop3A_105 = tpu.vector_load %arg7[%parallel_loop3A_102, %parallel_loop3A_103, %parallel_loop3A_104] {strides = array<i32>} : memref<2x80x512xf32, #tpu.memory_space<vmem>>, vector<16xf32>,
        tpu.vector_store %arg7[%parallel_loop3A_102, %parallel_loop3A_103, %parallel_loop3A_104], %parallel_loop3A_100 {strides = array<i32>} : memref<2x80x512xf32, #tpu.memory_space<vmem>>, vector<16xf32>,
        %parallel_loop3A_106 = arith.constant 16 : i32
        %parallel_loop3A_107 = tpu.memref_slice %arg6[%parallel_loop3A_106] : memref<12288xf32, #tpu.memory_space<vmem>> -> memref<12272xf32, #tpu.memory_space<vmem>>
        %parallel_loop3A_108 = tpu.vector_load_idx %parallel_loop3A_107[%parallel_loop3A_97] : memref<12272xf32, #tpu.memory_space<vmem>>[vector<16xi32>], vector<16xf32>,
        %parallel_loop3A_109 = arith.constant 1 : i32
        %parallel_loop3A_110 = arith.index_cast %parallel_loop3A_109 : i32 to index
        %parallel_loop3A_111 = arith.index_cast %parallel_loop3A_88 : i32 to index
        %parallel_loop3A_112 = arith.constant 16 : index
        %parallel_loop3A_113 = tpu.vector_load %arg7[%parallel_loop3A_110, %parallel_loop3A_111, %parallel_loop3A_112] {strides = array<i32>} : memref<2x80x512xf32, #tpu.memory_space<vmem>>, vector<16xf32>,
        tpu.vector_store %arg7[%parallel_loop3A_110, %parallel_loop3A_111, %parallel_loop3A_112], %parallel_loop3A_108 {strides = array<i32>} : memref<2x80x512xf32, #tpu.memory_space<vmem>>, vector<16xf32>,
        %parallel_loop3A_114 = arith.constant 32 : i32
        %parallel_loop3A_115 = tpu.memref_slice %arg6[%parallel_loop3A_114] : memref<12288xf32, #tpu.memory_space<vmem>> -> memref<12256xf32, #tpu.memory_space<vmem>>
        %parallel_loop3A_116 = tpu.vector_load_idx %parallel_loop3A_115[%parallel_loop3A_97] : memref<12256xf32, #tpu.memory_space<vmem>>[vector<16xi32>], vector<16xf32>,
        %parallel_loop3A_117 = arith.constant 1 : i32
        %parallel_loop3A_118 = arith.index_cast %parallel_loop3A_117 : i32 to index
        %parallel_loop3A_119 = arith.index_cast %parallel_loop3A_88 : i32 to index
        %parallel_loop3A_120 = arith.constant 32 : index
        %parallel_loop3A_121 = tpu.vector_load %arg7[%parallel_loop3A_118, %parallel_loop3A_119, %parallel_loop3A_120] {strides = array<i32>} : memref<2x80x512xf32, #tpu.memory_space<vmem>>, vector<16xf32>,
        tpu.vector_store %arg7[%parallel_loop3A_118, %parallel_loop3A_119, %parallel_loop3A_120], %parallel_loop3A_116 {strides = array<i32>} : memref<2x80x512xf32, #tpu.memory_space<vmem>>, vector<16xf32>,
        %parallel_loop3A_122 = arith.constant 48 : i32
        %parallel_loop3A_123 = tpu.memref_slice %arg6[%parallel_loop3A_122] : memref<12288xf32, #tpu.memory_space<vmem>> -> memref<12240xf32, #tpu.memory_space<vmem>>
        %parallel_loop3A_124 = tpu.vector_load_idx %parallel_loop3A_123[%parallel_loop3A_97] : memref<12240xf32, #tpu.memory_space<vmem>>[vector<16xi32>], vector<16xf32>,
        %parallel_loop3A_125 = arith.constant 1 : i32
        %parallel_loop3A_126 = arith.index_cast %parallel_loop3A_125 : i32 to index
        %parallel_loop3A_127 = arith.index_cast %parallel_loop3A_88 : i32 to index
        %parallel_loop3A_128 = arith.constant 48 : index
        %parallel_loop3A_129 = tpu.vector_load %arg7[%parallel_loop3A_126, %parallel_loop3A_127, %parallel_loop3A_128] {strides = array<i32>} : memref<2x80x512xf32, #tpu.memory_space<vmem>>, vector<16xf32>,
        tpu.vector_store %arg7[%parallel_loop3A_126, %parallel_loop3A_127, %parallel_loop3A_128], %parallel_loop3A_124 {strides = array<i32>} : memref<2x80x512xf32, #tpu.memory_space<vmem>>, vector<16xf32>,
        %parallel_loop3A_130 = arith.constant 64 : i32
        %parallel_loop3A_131 = tpu.memref_slice %arg6[%parallel_loop3A_130] : memref<12288xf32, #tpu.memory_space<vmem>> -> memref<12224xf32, #tpu.memory_space<vmem>>
        %parallel_loop3A_132 = tpu.vector_load_idx %parallel_loop3A_131[%parallel_loop3A_97] : memref<12224xf32, #tpu.memory_space<vmem>>[vector<16xi32>], vector<16xf32>,
        %parallel_loop3A_133 = arith.constant 1 : i32
        %parallel_loop3A_134 = arith.index_cast %parallel_loop3A_133 : i32 to index
        %parallel_loop3A_135 = arith.index_cast %parallel_loop3A_88 : i32 to index
        %parallel_loop3A_136 = arith.constant 64 : index
        %parallel_loop3A_137 = tpu.vector_load %arg7[%parallel_loop3A_134, %parallel_loop3A_135, %parallel_loop3A_136] {strides = array<i32>} : memref<2x80x512xf32, #tpu.memory_space<vmem>>, vector<16xf32>,
        tpu.vector_store %arg7[%parallel_loop3A_134, %parallel_loop3A_135, %parallel_loop3A_136], %parallel_loop3A_132 {strides = array<i32>} : memref<2x80x512xf32, #tpu.memory_space<vmem>>, vector<16xf32>,
        %parallel_loop3A_138 = arith.constant 80 : i32
        %parallel_loop3A_139 = tpu.memref_slice %arg6[%parallel_loop3A_138] : memref<12288xf32, #tpu.memory_space<vmem>> -> memref<12208xf32, #tpu.memory_space<vmem>>
        %parallel_loop3A_140 = tpu.vector_load_idx %parallel_loop3A_139[%parallel_loop3A_97] : memref<12208xf32, #tpu.memory_space<vmem>>[vector<16xi32>], vector<16xf32>,
        %parallel_loop3A_141 = arith.constant 1 : i32
        %parallel_loop3A_142 = arith.index_cast %parallel_loop3A_141 : i32 to index
        %parallel_loop3A_143 = arith.index_cast %parallel_loop3A_88 : i32 to index
        %parallel_loop3A_144 = arith.constant 80 : index
        %parallel_loop3A_145 = tpu.vector_load %arg7[%parallel_loop3A_142, %parallel_loop3A_143, %parallel_loop3A_144] {strides = array<i32>} : memref<2x80x512xf32, #tpu.memory_space<vmem>>, vector<16xf32>,
        tpu.vector_store %arg7[%parallel_loop3A_142, %parallel_loop3A_143, %parallel_loop3A_144], %parallel_loop3A_140 {strides = array<i32>} : memref<2x80x512xf32, #tpu.memory_space<vmem>>, vector<16xf32>,
        %parallel_loop3A_146 = arith.constant 96 : i32
        %parallel_loop3A_147 = tpu.memref_slice %arg6[%parallel_loop3A_146] : memref<12288xf32, #tpu.memory_space<vmem>> -> memref<12192xf32, #tpu.memory_space<vmem>>
        %parallel_loop3A_148 = tpu.vector_load_idx %parallel_loop3A_147[%parallel_loop3A_97] : memref<12192xf32, #tpu.memory_space<vmem>>[vector<16xi32>], vector<16xf32>,
        %parallel_loop3A_149 = arith.constant 1 : i32
        %parallel_loop3A_150 = arith.index_cast %parallel_loop3A_149 : i32 to index
        %parallel_loop3A_151 = arith.index_cast %parallel_loop3A_88 : i32 to index
        %parallel_loop3A_152 = arith.constant 96 : index
        %parallel_loop3A_153 = tpu.vector_load %arg7[%parallel_loop3A_150, %parallel_loop3A_151, %parallel_loop3A_152] {strides = array<i32>} : memref<2x80x512xf32, #tpu.memory_space<vmem>>, vector<16xf32>,
        tpu.vector_store %arg7[%parallel_loop3A_150, %parallel_loop3A_151, %parallel_loop3A_152], %parallel_loop3A_148 {strides = array<i32>} : memref<2x80x512xf32, #tpu.memory_space<vmem>>, vector<16xf32>,
        %parallel_loop3A_154 = arith.constant 112 : i32
        %parallel_loop3A_155 = tpu.memref_slice %arg6[%parallel_loop3A_154] : memref<12288xf32, #tpu.memory_space<vmem>> -> memref<12176xf32, #tpu.memory_space<vmem>>
        %parallel_loop3A_156 = tpu.vector_load_idx %parallel_loop3A_155[%parallel_loop3A_97] : memref<12176xf32, #tpu.memory_space<vmem>>[vector<16xi32>], vector<16xf32>,
        %parallel_loop3A_157 = arith.constant 1 : i32
        %parallel_loop3A_158 = arith.index_cast %parallel_loop3A_157 : i32 to index
        %parallel_loop3A_159 = arith.index_cast %parallel_loop3A_88 : i32 to index
        %parallel_loop3A_160 = arith.constant 112 : index
        %parallel_loop3A_161 = tpu.vector_load %arg7[%parallel_loop3A_158, %parallel_loop3A_159, %parallel_loop3A_160] {strides = array<i32>} : memref<2x80x512xf32, #tpu.memory_space<vmem>>, vector<16xf32>,
        tpu.vector_store %arg7[%parallel_loop3A_158, %parallel_loop3A_159, %parallel_loop3A_160], %parallel_loop3A_156 {strides = array<i32>} : memref<2x80x512xf32, #tpu.memory_space<vmem>>, vector<16xf32>,
        %parallel_loop3A_162 = arith.constant 128 : i32
        %parallel_loop3A_163 = tpu.memref_slice %arg6[%parallel_loop3A_162] : memref<12288xf32, #tpu.memory_space<vmem>> -> memref<12160xf32, #tpu.memory_space<vmem>>
        %parallel_loop3A_164 = tpu.vector_load_idx %parallel_loop3A_163[%parallel_loop3A_97] : memref<12160xf32, #tpu.memory_space<vmem>>[vector<16xi32>], vector<16xf32>,
        %parallel_loop3A_165 = arith.constant 1 : i32
        %parallel_loop3A_166 = arith.index_cast %parallel_loop3A_165 : i32 to index
        %parallel_loop3A_167 = arith.index_cast %parallel_loop3A_88 : i32 to index
        %parallel_loop3A_168 = arith.constant 128 : index
        %parallel_loop3A_169 = tpu.vector_load %arg7[%parallel_loop3A_166, %parallel_loop3A_167, %parallel_loop3A_168] {strides = array<i32>} : memref<2x80x512xf32, #tpu.memory_space<vmem>>, vector<16xf32>,
        tpu.vector_store %arg7[%parallel_loop3A_166, %parallel_loop3A_167, %parallel_loop3A_168], %parallel_loop3A_164 {strides = array<i32>} : memref<2x80x512xf32, #tpu.memory_space<vmem>>, vector<16xf32>,
        %parallel_loop3A_170 = arith.constant 144 : i32
        %parallel_loop3A_171 = tpu.memref_slice %arg6[%parallel_loop3A_170] : memref<12288xf32, #tpu.memory_space<vmem>> -> memref<12144xf32, #tpu.memory_space<vmem>>
        %parallel_loop3A_172 = tpu.vector_load_idx %parallel_loop3A_171[%parallel_loop3A_97] : memref<12144xf32, #tpu.memory_space<vmem>>[vector<16xi32>], vector<16xf32>,
        %parallel_loop3A_173 = arith.constant 1 : i32
        %parallel_loop3A_174 = arith.index_cast %parallel_loop3A_173 : i32 to index
        %parallel_loop3A_175 = arith.index_cast %parallel_loop3A_88 : i32 to index
        %parallel_loop3A_176 = arith.constant 144 : index
        %parallel_loop3A_177 = tpu.vector_load %arg7[%parallel_loop3A_174, %parallel_loop3A_175, %parallel_loop3A_176] {strides = array<i32>} : memref<2x80x512xf32, #tpu.memory_space<vmem>>, vector<16xf32>,
        tpu.vector_store %arg7[%parallel_loop3A_174, %parallel_loop3A_175, %parallel_loop3A_176], %parallel_loop3A_172 {strides = array<i32>} : memref<2x80x512xf32, #tpu.memory_space<vmem>>, vector<16xf32>,
        %parallel_loop3A_178 = arith.constant 160 : i32
        %parallel_loop3A_179 = tpu.memref_slice %arg6[%parallel_loop3A_178] : memref<12288xf32, #tpu.memory_space<vmem>> -> memref<12128xf32, #tpu.memory_space<vmem>>
        %parallel_loop3A_180 = tpu.vector_load_idx %parallel_loop3A_179[%parallel_loop3A_97] : memref<12128xf32, #tpu.memory_space<vmem>>[vector<16xi32>], vector<16xf32>,
        %parallel_loop3A_181 = arith.constant 1 : i32
        %parallel_loop3A_182 = arith.index_cast %parallel_loop3A_181 : i32 to index
        %parallel_loop3A_183 = arith.index_cast %parallel_loop3A_88 : i32 to index
        %parallel_loop3A_184 = arith.constant 160 : index
        %parallel_loop3A_185 = tpu.vector_load %arg7[%parallel_loop3A_182, %parallel_loop3A_183, %parallel_loop3A_184] {strides = array<i32>} : memref<2x80x512xf32, #tpu.memory_space<vmem>>, vector<16xf32>,
        tpu.vector_store %arg7[%parallel_loop3A_182, %parallel_loop3A_183, %parallel_loop3A_184], %parallel_loop3A_180 {strides = array<i32>} : memref<2x80x512xf32, #tpu.memory_space<vmem>>, vector<16xf32>,
        %parallel_loop3A_186 = arith.constant 176 : i32
        %parallel_loop3A_187 = tpu.memref_slice %arg6[%parallel_loop3A_186] : memref<12288xf32, #tpu.memory_space<vmem>> -> memref<12112xf32, #tpu.memory_space<vmem>>
        %parallel_loop3A_188 = tpu.vector_load_idx %parallel_loop3A_187[%parallel_loop3A_97] : memref<12112xf32, #tpu.memory_space<vmem>>[vector<16xi32>], vector<16xf32>,
        %parallel_loop3A_189 = arith.constant 1 : i32
        %parallel_loop3A_190 = arith.index_cast %parallel_loop3A_189 : i32 to index
        %parallel_loop3A_191 = arith.index_cast %parallel_loop3A_88 : i32 to index
        %parallel_loop3A_192 = arith.constant 176 : index
        %parallel_loop3A_193 = tpu.vector_load %arg7[%parallel_loop3A_190, %parallel_loop3A_191, %parallel_loop3A_192] {strides = array<i32>} : memref<2x80x512xf32, #tpu.memory_space<vmem>>, vector<16xf32>,
        tpu.vector_store %arg7[%parallel_loop3A_190, %parallel_loop3A_191, %parallel_loop3A_192], %parallel_loop3A_188 {strides = array<i32>} : memref<2x80x512xf32, #tpu.memory_space<vmem>>, vector<16xf32>,
        %parallel_loop3A_194 = arith.constant 192 : i32
        %parallel_loop3A_195 = tpu.memref_slice %arg6[%parallel_loop3A_194] : memref<12288xf32, #tpu.memory_space<vmem>> -> memref<12096xf32, #tpu.memory_space<vmem>>
        %parallel_loop3A_196 = tpu.vector_load_idx %parallel_loop3A_195[%parallel_loop3A_97] : memref<12096xf32, #tpu.memory_space<vmem>>[vector<16xi32>], vector<16xf32>,
        %parallel_loop3A_197 = arith.constant 1 : i32
        %parallel_loop3A_198 = arith.index_cast %parallel_loop3A_197 : i32 to index
        %parallel_loop3A_199 = arith.index_cast %parallel_loop3A_88 : i32 to index
        %parallel_loop3A_200 = arith.constant 192 : index
        %parallel_loop3A_201 = tpu.vector_load %arg7[%parallel_loop3A_198, %parallel_loop3A_199, %parallel_loop3A_200] {strides = array<i32>} : memref<2x80x512xf32, #tpu.memory_space<vmem>>, vector<16xf32>,
        tpu.vector_store %arg7[%parallel_loop3A_198, %parallel_loop3A_199, %parallel_loop3A_200], %parallel_loop3A_196 {strides = array<i32>} : memref<2x80x512xf32, #tpu.memory_space<vmem>>, vector<16xf32>,
        %parallel_loop3A_202 = arith.constant 208 : i32
        %parallel_loop3A_203 = tpu.memref_slice %arg6[%parallel_loop3A_202] : memref<12288xf32, #tpu.memory_space<vmem>> -> memref<12080xf32, #tpu.memory_space<vmem>>
        %parallel_loop3A_204 = tpu.vector_load_idx %parallel_loop3A_203[%parallel_loop3A_97] : memref<12080xf32, #tpu.memory_space<vmem>>[vector<16xi32>], vector<16xf32>,
        %parallel_loop3A_205 = arith.constant 1 : i32
        %parallel_loop3A_206 = arith.index_cast %parallel_loop3A_205 : i32 to index
        %parallel_loop3A_207 = arith.index_cast %parallel_loop3A_88 : i32 to index
        %parallel_loop3A_208 = arith.constant 208 : index
        %parallel_loop3A_209 = tpu.vector_load %arg7[%parallel_loop3A_206, %parallel_loop3A_207, %parallel_loop3A_208] {strides = array<i32>} : memref<2x80x512xf32, #tpu.memory_space<vmem>>, vector<16xf32>,
        tpu.vector_store %arg7[%parallel_loop3A_206, %parallel_loop3A_207, %parallel_loop3A_208], %parallel_loop3A_204 {strides = array<i32>} : memref<2x80x512xf32, #tpu.memory_space<vmem>>, vector<16xf32>,
        %parallel_loop3A_210 = arith.constant 224 : i32
        %parallel_loop3A_211 = tpu.memref_slice %arg6[%parallel_loop3A_210] : memref<12288xf32, #tpu.memory_space<vmem>> -> memref<12064xf32, #tpu.memory_space<vmem>>
        %parallel_loop3A_212 = tpu.vector_load_idx %parallel_loop3A_211[%parallel_loop3A_97] : memref<12064xf32, #tpu.memory_space<vmem>>[vector<16xi32>], vector<16xf32>,
        %parallel_loop3A_213 = arith.constant 1 : i32
        %parallel_loop3A_214 = arith.index_cast %parallel_loop3A_213 : i32 to index
        %parallel_loop3A_215 = arith.index_cast %parallel_loop3A_88 : i32 to index
        %parallel_loop3A_216 = arith.constant 224 : index
        %parallel_loop3A_217 = tpu.vector_load %arg7[%parallel_loop3A_214, %parallel_loop3A_215, %parallel_loop3A_216] {strides = array<i32>} : memref<2x80x512xf32, #tpu.memory_space<vmem>>, vector<16xf32>,
        tpu.vector_store %arg7[%parallel_loop3A_214, %parallel_loop3A_215, %parallel_loop3A_216], %parallel_loop3A_212 {strides = array<i32>} : memref<2x80x512xf32, #tpu.memory_space<vmem>>, vector<16xf32>,
        %parallel_loop3A_218 = arith.constant 240 : i32
        %parallel_loop3A_219 = tpu.memref_slice %arg6[%parallel_loop3A_218] : memref<12288xf32, #tpu.memory_space<vmem>> -> memref<12048xf32, #tpu.memory_space<vmem>>
        %parallel_loop3A_220 = tpu.vector_load_idx %parallel_loop3A_219[%parallel_loop3A_97] : memref<12048xf32, #tpu.memory_space<vmem>>[vector<16xi32>], vector<16xf32>,
        %parallel_loop3A_221 = arith.constant 1 : i32
        %parallel_loop3A_222 = arith.index_cast %parallel_loop3A_221 : i32 to index
        %parallel_loop3A_223 = arith.index_cast %parallel_loop3A_88 : i32 to index
        %parallel_loop3A_224 = arith.constant 240 : index
        %parallel_loop3A_225 = tpu.vector_load %arg7[%parallel_loop3A_222, %parallel_loop3A_223, %parallel_loop3A_224] {strides = array<i32>} : memref<2x80x512xf32, #tpu.memory_space<vmem>>, vector<16xf32>,
        tpu.vector_store %arg7[%parallel_loop3A_222, %parallel_loop3A_223, %parallel_loop3A_224], %parallel_loop3A_220 {strides = array<i32>} : memref<2x80x512xf32, #tpu.memory_space<vmem>>, vector<16xf32>,
        %parallel_loop3A_226 = arith.constant 256 : i32
        %parallel_loop3A_227 = tpu.memref_slice %arg6[%parallel_loop3A_226] : memref<12288xf32, #tpu.memory_space<vmem>> -> memref<12032xf32, #tpu.memory_space<vmem>>
        %parallel_loop3A_228 = tpu.vector_load_idx %parallel_loop3A_227[%parallel_loop3A_97] : memref<12032xf32, #tpu.memory_space<vmem>>[vector<16xi32>], vector<16xf32>,
        %parallel_loop3A_229 = arith.constant 1 : i32
        %parallel_loop3A_230 = arith.index_cast %parallel_loop3A_229 : i32 to index
        %parallel_loop3A_231 = arith.index_cast %parallel_loop3A_88 : i32 to index
        %parallel_loop3A_232 = arith.constant 256 : index
        %parallel_loop3A_233 = tpu.vector_load %arg7[%parallel_loop3A_230, %parallel_loop3A_231, %parallel_loop3A_232] {strides = array<i32>} : memref<2x80x512xf32, #tpu.memory_space<vmem>>, vector<16xf32>,
        tpu.vector_store %arg7[%parallel_loop3A_230, %parallel_loop3A_231, %parallel_loop3A_232], %parallel_loop3A_228 {strides = array<i32>} : memref<2x80x512xf32, #tpu.memory_space<vmem>>, vector<16xf32>,
        %parallel_loop3A_234 = arith.constant 272 : i32
        %parallel_loop3A_235 = tpu.memref_slice %arg6[%parallel_loop3A_234] : memref<12288xf32, #tpu.memory_space<vmem>> -> memref<12016xf32, #tpu.memory_space<vmem>>
        %parallel_loop3A_236 = tpu.vector_load_idx %parallel_loop3A_235[%parallel_loop3A_97] : memref<12016xf32, #tpu.memory_space<vmem>>[vector<16xi32>], vector<16xf32>,
        %parallel_loop3A_237 = arith.constant 1 : i32
        %parallel_loop3A_238 = arith.index_cast %parallel_loop3A_237 : i32 to index
        %parallel_loop3A_239 = arith.index_cast %parallel_loop3A_88 : i32 to index
        %parallel_loop3A_240 = arith.constant 272 : index
        %parallel_loop3A_241 = tpu.vector_load %arg7[%parallel_loop3A_238, %parallel_loop3A_239, %parallel_loop3A_240] {strides = array<i32>} : memref<2x80x512xf32, #tpu.memory_space<vmem>>, vector<16xf32>,
        tpu.vector_store %arg7[%parallel_loop3A_238, %parallel_loop3A_239, %parallel_loop3A_240], %parallel_loop3A_236 {strides = array<i32>} : memref<2x80x512xf32, #tpu.memory_space<vmem>>, vector<16xf32>,
        %parallel_loop3A_242 = arith.constant 288 : i32
        %parallel_loop3A_243 = tpu.memref_slice %arg6[%parallel_loop3A_242] : memref<12288xf32, #tpu.memory_space<vmem>> -> memref<12000xf32, #tpu.memory_space<vmem>>
        %parallel_loop3A_244 = tpu.vector_load_idx %parallel_loop3A_243[%parallel_loop3A_97] : memref<12000xf32, #tpu.memory_space<vmem>>[vector<16xi32>], vector<16xf32>,
        %parallel_loop3A_245 = arith.constant 1 : i32
        %parallel_loop3A_246 = arith.index_cast %parallel_loop3A_245 : i32 to index
        %parallel_loop3A_247 = arith.index_cast %parallel_loop3A_88 : i32 to index
        %parallel_loop3A_248 = arith.constant 288 : index
        %parallel_loop3A_249 = tpu.vector_load %arg7[%parallel_loop3A_246, %parallel_loop3A_247, %parallel_loop3A_248] {strides = array<i32>} : memref<2x80x512xf32, #tpu.memory_space<vmem>>, vector<16xf32>,
        tpu.vector_store %arg7[%parallel_loop3A_246, %parallel_loop3A_247, %parallel_loop3A_248], %parallel_loop3A_244 {strides = array<i32>} : memref<2x80x512xf32, #tpu.memory_space<vmem>>, vector<16xf32>,
        %parallel_loop3A_250 = arith.constant 304 : i32
        %parallel_loop3A_251 = tpu.memref_slice %arg6[%parallel_loop3A_250] : memref<12288xf32, #tpu.memory_space<vmem>> -> memref<11984xf32, #tpu.memory_space<vmem>>
        %parallel_loop3A_252 = tpu.vector_load_idx %parallel_loop3A_251[%parallel_loop3A_97] : memref<11984xf32, #tpu.memory_space<vmem>>[vector<16xi32>], vector<16xf32>,
        %parallel_loop3A_253 = arith.constant 1 : i32
        %parallel_loop3A_254 = arith.index_cast %parallel_loop3A_253 : i32 to index
        %parallel_loop3A_255 = arith.index_cast %parallel_loop3A_88 : i32 to index
        %parallel_loop3A_256 = arith.constant 304 : index
        %parallel_loop3A_257 = tpu.vector_load %arg7[%parallel_loop3A_254, %parallel_loop3A_255, %parallel_loop3A_256] {strides = array<i32>} : memref<2x80x512xf32, #tpu.memory_space<vmem>>, vector<16xf32>,
        tpu.vector_store %arg7[%parallel_loop3A_254, %parallel_loop3A_255, %parallel_loop3A_256], %parallel_loop3A_252 {strides = array<i32>} : memref<2x80x512xf32, #tpu.memory_space<vmem>>, vector<16xf32>,
        %parallel_loop3A_258 = arith.constant 320 : i32
        %parallel_loop3A_259 = tpu.memref_slice %arg6[%parallel_loop3A_258] : memref<12288xf32, #tpu.memory_space<vmem>> -> memref<11968xf32, #tpu.memory_space<vmem>>
        %parallel_loop3A_260 = tpu.vector_load_idx %parallel_loop3A_259[%parallel_loop3A_97] : memref<11968xf32, #tpu.memory_space<vmem>>[vector<16xi32>], vector<16xf32>,
        %parallel_loop3A_261 = arith.constant 1 : i32
        %parallel_loop3A_262 = arith.index_cast %parallel_loop3A_261 : i32 to index
        %parallel_loop3A_263 = arith.index_cast %parallel_loop3A_88 : i32 to index
        %parallel_loop3A_264 = arith.constant 320 : index
        %parallel_loop3A_265 = tpu.vector_load %arg7[%parallel_loop3A_262, %parallel_loop3A_263, %parallel_loop3A_264] {strides = array<i32>} : memref<2x80x512xf32, #tpu.memory_space<vmem>>, vector<16xf32>,
        tpu.vector_store %arg7[%parallel_loop3A_262, %parallel_loop3A_263, %parallel_loop3A_264], %parallel_loop3A_260 {strides = array<i32>} : memref<2x80x512xf32, #tpu.memory_space<vmem>>, vector<16xf32>,
        %parallel_loop3A_266 = arith.constant 336 : i32
        %parallel_loop3A_267 = tpu.memref_slice %arg6[%parallel_loop3A_266] : memref<12288xf32, #tpu.memory_space<vmem>> -> memref<11952xf32, #tpu.memory_space<vmem>>
        %parallel_loop3A_268 = tpu.vector_load_idx %parallel_loop3A_267[%parallel_loop3A_97] : memref<11952xf32, #tpu.memory_space<vmem>>[vector<16xi32>], vector<16xf32>,
        %parallel_loop3A_269 = arith.constant 1 : i32
        %parallel_loop3A_270 = arith.index_cast %parallel_loop3A_269 : i32 to index
        %parallel_loop3A_271 = arith.index_cast %parallel_loop3A_88 : i32 to index
        %parallel_loop3A_272 = arith.constant 336 : index
        %parallel_loop3A_273 = tpu.vector_load %arg7[%parallel_loop3A_270, %parallel_loop3A_271, %parallel_loop3A_272] {strides = array<i32>} : memref<2x80x512xf32, #tpu.memory_space<vmem>>, vector<16xf32>,
        tpu.vector_store %arg7[%parallel_loop3A_270, %parallel_loop3A_271, %parallel_loop3A_272], %parallel_loop3A_268 {strides = array<i32>} : memref<2x80x512xf32, #tpu.memory_space<vmem>>, vector<16xf32>,
        %parallel_loop3A_274 = arith.constant 352 : i32
        %parallel_loop3A_275 = tpu.memref_slice %arg6[%parallel_loop3A_274] : memref<12288xf32, #tpu.memory_space<vmem>> -> memref<11936xf32, #tpu.memory_space<vmem>>
        %parallel_loop3A_276 = tpu.vector_load_idx %parallel_loop3A_275[%parallel_loop3A_97] : memref<11936xf32, #tpu.memory_space<vmem>>[vector<16xi32>], vector<16xf32>,
        %parallel_loop3A_277 = arith.constant 1 : i32
        %parallel_loop3A_278 = arith.index_cast %parallel_loop3A_277 : i32 to index
        %parallel_loop3A_279 = arith.index_cast %parallel_loop3A_88 : i32 to index
        %parallel_loop3A_280 = arith.constant 352 : index
        %parallel_loop3A_281 = tpu.vector_load %arg7[%parallel_loop3A_278, %parallel_loop3A_279, %parallel_loop3A_280] {strides = array<i32>} : memref<2x80x512xf32, #tpu.memory_space<vmem>>, vector<16xf32>,
        tpu.vector_store %arg7[%parallel_loop3A_278, %parallel_loop3A_279, %parallel_loop3A_280], %parallel_loop3A_276 {strides = array<i32>} : memref<2x80x512xf32, #tpu.memory_space<vmem>>, vector<16xf32>,
        %parallel_loop3A_282 = arith.constant 368 : i32
        %parallel_loop3A_283 = tpu.memref_slice %arg6[%parallel_loop3A_282] : memref<12288xf32, #tpu.memory_space<vmem>> -> memref<11920xf32, #tpu.memory_space<vmem>>
        %parallel_loop3A_284 = tpu.vector_load_idx %parallel_loop3A_283[%parallel_loop3A_97] : memref<11920xf32, #tpu.memory_space<vmem>>[vector<16xi32>], vector<16xf32>,
        %parallel_loop3A_285 = arith.constant 1 : i32
        %parallel_loop3A_286 = arith.index_cast %parallel_loop3A_285 : i32 to index
        %parallel_loop3A_287 = arith.index_cast %parallel_loop3A_88 : i32 to index
        %parallel_loop3A_288 = arith.constant 368 : index
        %parallel_loop3A_289 = tpu.vector_load %arg7[%parallel_loop3A_286, %parallel_loop3A_287, %parallel_loop3A_288] {strides = array<i32>} : memref<2x80x512xf32, #tpu.memory_space<vmem>>, vector<16xf32>,
        tpu.vector_store %arg7[%parallel_loop3A_286, %parallel_loop3A_287, %parallel_loop3A_288], %parallel_loop3A_284 {strides = array<i32>} : memref<2x80x512xf32, #tpu.memory_space<vmem>>, vector<16xf32>,
        %parallel_loop3A_290 = arith.constant 384 : i32
        %parallel_loop3A_291 = tpu.memref_slice %arg6[%parallel_loop3A_290] : memref<12288xf32, #tpu.memory_space<vmem>> -> memref<11904xf32, #tpu.memory_space<vmem>>
        %parallel_loop3A_292 = tpu.vector_load_idx %parallel_loop3A_291[%parallel_loop3A_97] : memref<11904xf32, #tpu.memory_space<vmem>>[vector<16xi32>], vector<16xf32>,
        %parallel_loop3A_293 = arith.constant 1 : i32
        %parallel_loop3A_294 = arith.index_cast %parallel_loop3A_293 : i32 to index
        %parallel_loop3A_295 = arith.index_cast %parallel_loop3A_88 : i32 to index
        %parallel_loop3A_296 = arith.constant 384 : index
        %parallel_loop3A_297 = tpu.vector_load %arg7[%parallel_loop3A_294, %parallel_loop3A_295, %parallel_loop3A_296] {strides = array<i32>} : memref<2x80x512xf32, #tpu.memory_space<vmem>>, vector<16xf32>,
        tpu.vector_store %arg7[%parallel_loop3A_294, %parallel_loop3A_295, %parallel_loop3A_296], %parallel_loop3A_292 {strides = array<i32>} : memref<2x80x512xf32, #tpu.memory_space<vmem>>, vector<16xf32>,
        %parallel_loop3A_298 = arith.constant 400 : i32
        %parallel_loop3A_299 = tpu.memref_slice %arg6[%parallel_loop3A_298] : memref<12288xf32, #tpu.memory_space<vmem>> -> memref<11888xf32, #tpu.memory_space<vmem>>
        %parallel_loop3A_300 = tpu.vector_load_idx %parallel_loop3A_299[%parallel_loop3A_97] : memref<11888xf32, #tpu.memory_space<vmem>>[vector<16xi32>], vector<16xf32>,
        %parallel_loop3A_301 = arith.constant 1 : i32
        %parallel_loop3A_302 = arith.index_cast %parallel_loop3A_301 : i32 to index
        %parallel_loop3A_303 = arith.index_cast %parallel_loop3A_88 : i32 to index
        %parallel_loop3A_304 = arith.constant 400 : index
        %parallel_loop3A_305 = tpu.vector_load %arg7[%parallel_loop3A_302, %parallel_loop3A_303, %parallel_loop3A_304] {strides = array<i32>} : memref<2x80x512xf32, #tpu.memory_space<vmem>>, vector<16xf32>,
        tpu.vector_store %arg7[%parallel_loop3A_302, %parallel_loop3A_303, %parallel_loop3A_304], %parallel_loop3A_300 {strides = array<i32>} : memref<2x80x512xf32, #tpu.memory_space<vmem>>, vector<16xf32>,
        %parallel_loop3A_306 = arith.constant 416 : i32
        %parallel_loop3A_307 = tpu.memref_slice %arg6[%parallel_loop3A_306] : memref<12288xf32, #tpu.memory_space<vmem>> -> memref<11872xf32, #tpu.memory_space<vmem>>
        %parallel_loop3A_308 = tpu.vector_load_idx %parallel_loop3A_307[%parallel_loop3A_97] : memref<11872xf32, #tpu.memory_space<vmem>>[vector<16xi32>], vector<16xf32>,
        %parallel_loop3A_309 = arith.constant 1 : i32
        %parallel_loop3A_310 = arith.index_cast %parallel_loop3A_309 : i32 to index
        %parallel_loop3A_311 = arith.index_cast %parallel_loop3A_88 : i32 to index
        %parallel_loop3A_312 = arith.constant 416 : index
        %parallel_loop3A_313 = tpu.vector_load %arg7[%parallel_loop3A_310, %parallel_loop3A_311, %parallel_loop3A_312] {strides = array<i32>} : memref<2x80x512xf32, #tpu.memory_space<vmem>>, vector<16xf32>,
        tpu.vector_store %arg7[%parallel_loop3A_310, %parallel_loop3A_311, %parallel_loop3A_312], %parallel_loop3A_308 {strides = array<i32>} : memref<2x80x512xf32, #tpu.memory_space<vmem>>, vector<16xf32>,
        %parallel_loop3A_314 = arith.constant 432 : i32
        %parallel_loop3A_315 = tpu.memref_slice %arg6[%parallel_loop3A_314] : memref<12288xf32, #tpu.memory_space<vmem>> -> memref<11856xf32, #tpu.memory_space<vmem>>
        %parallel_loop3A_316 = tpu.vector_load_idx %parallel_loop3A_315[%parallel_loop3A_97] : memref<11856xf32, #tpu.memory_space<vmem>>[vector<16xi32>], vector<16xf32>,
        %parallel_loop3A_317 = arith.constant 1 : i32
        %parallel_loop3A_318 = arith.index_cast %parallel_loop3A_317 : i32 to index
        %parallel_loop3A_319 = arith.index_cast %parallel_loop3A_88 : i32 to index
        %parallel_loop3A_320 = arith.constant 432 : index
        %parallel_loop3A_321 = tpu.vector_load %arg7[%parallel_loop3A_318, %parallel_loop3A_319, %parallel_loop3A_320] {strides = array<i32>} : memref<2x80x512xf32, #tpu.memory_space<vmem>>, vector<16xf32>,
        tpu.vector_store %arg7[%parallel_loop3A_318, %parallel_loop3A_319, %parallel_loop3A_320], %parallel_loop3A_316 {strides = array<i32>} : memref<2x80x512xf32, #tpu.memory_space<vmem>>, vector<16xf32>,
        %parallel_loop3A_322 = arith.constant 448 : i32
        %parallel_loop3A_323 = tpu.memref_slice %arg6[%parallel_loop3A_322] : memref<12288xf32, #tpu.memory_space<vmem>> -> memref<11840xf32, #tpu.memory_space<vmem>>
        %parallel_loop3A_324 = tpu.vector_load_idx %parallel_loop3A_323[%parallel_loop3A_97] : memref<11840xf32, #tpu.memory_space<vmem>>[vector<16xi32>], vector<16xf32>,
        %parallel_loop3A_325 = arith.constant 1 : i32
        %parallel_loop3A_326 = arith.index_cast %parallel_loop3A_325 : i32 to index
        %parallel_loop3A_327 = arith.index_cast %parallel_loop3A_88 : i32 to index
        %parallel_loop3A_328 = arith.constant 448 : index
        %parallel_loop3A_329 = tpu.vector_load %arg7[%parallel_loop3A_326, %parallel_loop3A_327, %parallel_loop3A_328] {strides = array<i32>} : memref<2x80x512xf32, #tpu.memory_space<vmem>>, vector<16xf32>,
        tpu.vector_store %arg7[%parallel_loop3A_326, %parallel_loop3A_327, %parallel_loop3A_328], %parallel_loop3A_324 {strides = array<i32>} : memref<2x80x512xf32, #tpu.memory_space<vmem>>, vector<16xf32>,
        %parallel_loop3A_330 = arith.constant 464 : i32
        %parallel_loop3A_331 = tpu.memref_slice %arg6[%parallel_loop3A_330] : memref<12288xf32, #tpu.memory_space<vmem>> -> memref<11824xf32, #tpu.memory_space<vmem>>
        %parallel_loop3A_332 = tpu.vector_load_idx %parallel_loop3A_331[%parallel_loop3A_97] : memref<11824xf32, #tpu.memory_space<vmem>>[vector<16xi32>], vector<16xf32>,
        %parallel_loop3A_333 = arith.constant 1 : i32
        %parallel_loop3A_334 = arith.index_cast %parallel_loop3A_333 : i32 to index
        %parallel_loop3A_335 = arith.index_cast %parallel_loop3A_88 : i32 to index
        %parallel_loop3A_336 = arith.constant 464 : index
        %parallel_loop3A_337 = tpu.vector_load %arg7[%parallel_loop3A_334, %parallel_loop3A_335, %parallel_loop3A_336] {strides = array<i32>} : memref<2x80x512xf32, #tpu.memory_space<vmem>>, vector<16xf32>,
        tpu.vector_store %arg7[%parallel_loop3A_334, %parallel_loop3A_335, %parallel_loop3A_336], %parallel_loop3A_332 {strides = array<i32>} : memref<2x80x512xf32, #tpu.memory_space<vmem>>, vector<16xf32>,
        %parallel_loop3A_338 = arith.constant 480 : i32
        %parallel_loop3A_339 = tpu.memref_slice %arg6[%parallel_loop3A_338] : memref<12288xf32, #tpu.memory_space<vmem>> -> memref<11808xf32, #tpu.memory_space<vmem>>
        %parallel_loop3A_340 = tpu.vector_load_idx %parallel_loop3A_339[%parallel_loop3A_97] : memref<11808xf32, #tpu.memory_space<vmem>>[vector<16xi32>], vector<16xf32>,
        %parallel_loop3A_341 = arith.constant 1 : i32
        %parallel_loop3A_342 = arith.index_cast %parallel_loop3A_341 : i32 to index
        %parallel_loop3A_343 = arith.index_cast %parallel_loop3A_88 : i32 to index
        %parallel_loop3A_344 = arith.constant 480 : index
        %parallel_loop3A_345 = tpu.vector_load %arg7[%parallel_loop3A_342, %parallel_loop3A_343, %parallel_loop3A_344] {strides = array<i32>} : memref<2x80x512xf32, #tpu.memory_space<vmem>>, vector<16xf32>,
        tpu.vector_store %arg7[%parallel_loop3A_342, %parallel_loop3A_343, %parallel_loop3A_344], %parallel_loop3A_340 {strides = array<i32>} : memref<2x80x512xf32, #tpu.memory_space<vmem>>, vector<16xf32>,
        %parallel_loop3A_346 = arith.constant 496 : i32
        %parallel_loop3A_347 = tpu.memref_slice %arg6[%parallel_loop3A_346] : memref<12288xf32, #tpu.memory_space<vmem>> -> memref<11792xf32, #tpu.memory_space<vmem>>
        %parallel_loop3A_348 = tpu.vector_load_idx %parallel_loop3A_347[%parallel_loop3A_97] : memref<11792xf32, #tpu.memory_space<vmem>>[vector<16xi32>], vector<16xf32>,
        %parallel_loop3A_349 = arith.constant 1 : i32
        %parallel_loop3A_350 = arith.index_cast %parallel_loop3A_349 : i32 to index
        %parallel_loop3A_351 = arith.index_cast %parallel_loop3A_88 : i32 to index
        %parallel_loop3A_352 = arith.constant 496 : index
        %parallel_loop3A_353 = tpu.vector_load %arg7[%parallel_loop3A_350, %parallel_loop3A_351, %parallel_loop3A_352] {strides = array<i32>} : memref<2x80x512xf32, #tpu.memory_space<vmem>>, vector<16xf32>,
        tpu.vector_store %arg7[%parallel_loop3A_350, %parallel_loop3A_351, %parallel_loop3A_352], %parallel_loop3A_348 {strides = array<i32>} : memref<2x80x512xf32, #tpu.memory_space<vmem>>, vector<16xf32>,
      } {sc.loop_unroll_factor = 4 : i64, sc.parallel_access}
      %mul3A_72 = arith.constant 80 : i32
      %mul3A_73 = arith.muli %add3A_63, %mul3A_72 : i32
      %add3A_74 = arith.addi %mul3A_2, %mul3A_73 : i32
      %dma_start3A_75 = arith.constant 1 : i32
      %dma_start3A_76 = arith.constant 0 : i32
      %dma_start3A_77 = arith.constant 0 : i32
      %dma_start3A_78 = tpu.memref_slice %arg7[%dma_start3A_75, %dma_start3A_76, %dma_start3A_77] : memref<2x80x512xf32, #tpu.memory_space<vmem>> -> memref<1x80x512xf32, #tpu.memory_space<vmem>>
      %dma_start3A_79 = tpu.memref_squeeze %dma_start3A_78 : memref<1x80x512xf32, #tpu.memory_space<vmem>> -> memref<80x512xf32, #tpu.memory_space<vmem>>
      %dma_start3A_80 = arith.constant 0 : i32
      %dma_start3A_81 = tpu.memref_slice %arg4[%add3A_74, %dma_start3A_80] : memref<819200x512xf32, #tpu.memory_space<hbm>> -> memref<80x512xf32, #tpu.memory_space<hbm>>
      %dma_start3A_82 = arith.constant 0 : i32
      %dma_start3A_83 = tpu.memref_slice %arg4[%add3A_74, %dma_start3A_82] : memref<819200x512xf32, #tpu.memory_space<hbm>> -> memref<80x512xf32, #tpu.memory_space<hbm>>
      %dma_start3A_84 = arith.constant 0 : i32
      %dma_start3A_85 = arith.constant 0 : i32
      %dma_start3A_86 = tpu.memref_slice %arg7[%dma_start3A_75, %dma_start3A_84, %dma_start3A_85] : memref<2x80x512xf32, #tpu.memory_space<vmem>> -> memref<1x80x512xf32, #tpu.memory_space<vmem>>
      %dma_start3A_87 = tpu.memref_squeeze %dma_start3A_86 : memref<1x80x512xf32, #tpu.memory_space<vmem>> -> memref<80x512xf32, #tpu.memory_space<vmem>>
      tpu.enqueue_dma source(%dma_start3A_87 : memref<80x512xf32, #tpu.memory_space<vmem>>) target(%dma_start3A_83 : memref<80x512xf32, #tpu.memory_space<hbm>>) target_semaphore(%arg9 : memref<!tpu.dma_semaphore, #tpu.memory_space<semaphore_mem>>)
    }
    %scan3A_6 = arith.constant 160 : i32
    %add3A_7 = arith.constant 25440 : i32
    %add3A_8 = arith.addi %mul3A_2, %add3A_7 : i32
    %dma_wait3A = arith.constant 0 : i32
    %dma_wait3A_9 = arith.constant 0 : i32
    %dma_wait3A_10 = arith.constant 0 : i32
    %dma_wait3A_11 = tpu.memref_slice %arg7[%dma_wait3A, %dma_wait3A_9, %dma_wait3A_10] : memref<2x80x512xf32, #tpu.memory_space<vmem>> -> memref<1x80x512xf32, #tpu.memory_space<vmem>>
    %dma_wait3A_12 = tpu.memref_squeeze %dma_wait3A_11 : memref<1x80x512xf32, #tpu.memory_space<vmem>> -> memref<80x512xf32, #tpu.memory_space<vmem>>
    %dma_wait3A_13 = arith.constant 0 : i32
    %dma_wait3A_14 = tpu.memref_slice %arg4[%add3A_8, %dma_wait3A_13] : memref<819200x512xf32, #tpu.memory_space<hbm>> -> memref<80x512xf32, #tpu.memory_space<hbm>>
    %dma_wait3A_15 = arith.constant 0 : i32
    %dma_wait3A_16 = tpu.memref_slice %arg4[%add3A_8, %dma_wait3A_15] : memref<819200x512xf32, #tpu.memory_space<hbm>> -> memref<80x512xf32, #tpu.memory_space<hbm>>
    %dma_wait3A_17 = arith.constant 0 : i32
    %dma_wait3A_18 = arith.constant 0 : i32
    %dma_wait3A_19 = tpu.memref_slice %arg7[%dma_wait3A, %dma_wait3A_17, %dma_wait3A_18] : memref<2x80x512xf32, #tpu.memory_space<vmem>> -> memref<1x80x512xf32, #tpu.memory_space<vmem>>
    %dma_wait3A_20 = tpu.memref_squeeze %dma_wait3A_19 : memref<1x80x512xf32, #tpu.memory_space<vmem>> -> memref<80x512xf32, #tpu.memory_space<vmem>>
    tpu.wait_dma2 semaphore(%arg8 : memref<!tpu.dma_semaphore, #tpu.memory_space<semaphore_mem>>) src(%dma_wait3A_20 : memref<80x512xf32, #tpu.memory_space<vmem>>) dst(%dma_wait3A_16 : memref<80x512xf32, #tpu.memory_space<hbm>>)
    %add3A_21 = arith.constant 25520 : i32
    %add3A_22 = arith.addi %mul3A_2, %add3A_21 : i32
    %dma_wait3A_23 = arith.constant 1 : i32
    %dma_wait3A_24 = arith.constant 0 : i32
    %dma_wait3A_25 = arith.constant 0 : i32
    %dma_wait3A_26 = tpu.memref_slice %arg7[%dma_wait3A_23, %dma_wait3A_24, %dma_wait3A_25] : memref<2x80x512xf32, #tpu.memory_space<vmem>> -> memref<1x80x512xf32, #tpu.memory_space<vmem>>
    %dma_wait3A_27 = tpu.memref_squeeze %dma_wait3A_26 : memref<1x80x512xf32, #tpu.memory_space<vmem>> -> memref<80x512xf32, #tpu.memory_space<vmem>>
    %dma_wait3A_28 = arith.constant 0 : i32
    %dma_wait3A_29 = tpu.memref_slice %arg4[%add3A_22, %dma_wait3A_28] : memref<819200x512xf32, #tpu.memory_space<hbm>> -> memref<80x512xf32, #tpu.memory_space<hbm>>
    %dma_wait3A_30 = arith.constant 0 : i32
    %dma_wait3A_31 = tpu.memref_slice %arg4[%add3A_22, %dma_wait3A_30] : memref<819200x512xf32, #tpu.memory_space<hbm>> -> memref<80x512xf32, #tpu.memory_space<hbm>>
    %dma_wait3A_32 = arith.constant 0 : i32
    %dma_wait3A_33 = arith.constant 0 : i32
    %dma_wait3A_34 = tpu.memref_slice %arg7[%dma_wait3A_23, %dma_wait3A_32, %dma_wait3A_33] : memref<2x80x512xf32, #tpu.memory_space<vmem>> -> memref<1x80x512xf32, #tpu.memory_space<vmem>>
    %dma_wait3A_35 = tpu.memref_squeeze %dma_wait3A_34 : memref<1x80x512xf32, #tpu.memory_space<vmem>> -> memref<80x512xf32, #tpu.memory_space<vmem>>
    tpu.wait_dma2 semaphore(%arg9 : memref<!tpu.dma_semaphore, #tpu.memory_space<semaphore_mem>>) src(%dma_wait3A_35 : memref<80x512xf32, #tpu.memory_space<vmem>>) dst(%dma_wait3A_31 : memref<80x512xf32, #tpu.memory_space<hbm>>)
    return
  }
}

</mosaic_0001>

<sc_bundles>
// kernel: kernel.3.cloned.1.call-start
scs
__scs_entry_jumppad:
0x0: {  	(pc) =	sbr.rel $0x88, $3  }
0x1: {  	(tag) =	ssettag $0x0;
	lr =	simm.s32 $0x1  }
0x2: {  	[smem:$0x3F9F] =	sst lr;
	_ =	strace $0xD0000000  }
0x3: {  	_ = 	snop  }
0x4: {  	_ = 	snop  }
0x5: {  	_ = 	snop  }
0x6: {  	_ = 	snop  }
0x7: {  	_ = 	snop  }
__scs_overlays_trampoline_lowered:
0x8: {  	[smem:$0x3FAE] =	sst s0  }
0x9: {  	[smem:$0x3FAF] =	sst s1  }
0xa: {  	[smem:$0x3FB0] =	sst s2  }
0xb: {  	[smem:$0x3FB1] =	sst s3  }
0xc: {  	[smem:$0x3FB2] =	sst s4  }
0xd: {  	[smem:$0x3FB3] =	sst s5  }
0xe: {  	[smem:$0x3FB4] =	sst s6  }
0xf: {  	[smem:$0x3FB5] =	sst s7  }
0x10: {  	[smem:$0x3FB6] =	sst s8  }
0x11: {  	[smem:$0x3FB7] =	sst s9;
	s0 =	simm.s32 @!p0 $0x0  }
0x12: {  	s1 =	sld [smem:$0x3F9D];
	s0 =	simm.s32 @p0 $0x1  }
0x13: {  	[smem:$0x3FB8] =	sst s0;
	s0 =	simm.s32 @!p1 $0x0  }
0x14: {  	s2 =	sld [smem:$0x3F9C];
	s0 =	simm.s32 @p1 $0x1  }
0x15: {  	[smem:$0x3FB9] =	sst s0;
	s0 =	simm.s32 @!p2 $0x0  }
0x16: {  	s3 =	sld [smem:$0x3FDB];
	s0 =	simm.s32 @p2 $0x1  }
0x17: {  	s4 =	simm.s32 $0x1BF5;
	[smem:$0x3FBB] =	sst s0  }
0x18: {  	s0 =	sld [smem:$0x3F9E];
	_ =	swait.ge [sflag:s4], $0x0  }
0x19: {  	s7 =	sld [smem:$0x3F9F]  }
0x1a: {  	s8 =	sadd.s32 $0xFFFFE003, lr  }
0x1b: {  	s9 =	sadd.s32 $0xFFFFFEF7, lr;
	s5 =	simm.s32 $0xFFFFFFFF;
	p2 =	slt.u32 s8, $0xFFFFF086  }
0x1c: {  	p1 =	slt.u32 s9, $0xF7A;
	s5 =	simm.s32 @!p2 $0x0  }
0x1d: {  	s5 =	simm.s32 @p1 $0x1;
	p0 =	seq.s32 s7, s2  }
0x1e: {  	s7 =	smul.u32 @!p0 $0xF7A, s2;
	p2 =	seq.s32 @!p0 s5, $0x0  }
0x1f: {  	s9 =	smul.u32 $0xF7A, s1;
	s8 =	simm.s32 @!p0 $0x1BF5;
	p2 =	por !p2, p0  }
0x20: {  	[sflag:s8] =	ssyncset.s32 @!p0 $0xFFFFF086;
	s6 =	sadd.s32 @!p0 s3, s7;
	s7 =	simm.s32 @!p0 $0x108  }
0x21: {  	s3 =	sadd.s32 s3, s9;
	s6 =	sadd.s32 @!p0 $0x88, s6;
	s7 =	simm.s32 @p2 $0x1082  }
0x22: {  	[simem:s7], [sflag:s8] =	dma.local @!p0 [hbm:s6], $0xF7A  }
0x23: {  	s9 =	sor.u32 $0xD0000000, s2;
	s6 =	simm.s32 $0x108;
	_ =	swait.ge @!p0 [sflag:s8], $0x0  }
0x24: {  	s3 =	sadd.s32 $0x88, s3;
	s6 =	simm.s32 @!p1 $0x1082;
	[sflag:s4] =	ssyncset.s32 $0xFFFFF086  }
0x25: {  	[simem:s6], [sflag:s4] =	dma.local [hbm:s3], $0xF7A  }
0x26: {  	[smem:$0x3F9F] =	sst s1;
	(tag) =	ssettag s2;
	_ =	strace s9  }
0x27: {  	s1 =	sld [smem:$0x3FAF]  }
0x28: {  	s2 =	sld [smem:$0x3FB0]  }
0x29: {  	s4 =	sld [smem:$0x3FB2]  }
0x2a: {  	p0 =	seq.s32 s5, $0x0;
	s5 =	sld [smem:$0x3FB3]  }
0x2b: {  	s6 =	sld [smem:$0x3FB4]  }
0x2c: {  	s7 =	sld [smem:$0x3FB5]  }
0x2d: {  	s3 =	simm.s32 $0x108;
	s8 =	sld [smem:$0x3FB6]  }
0x2e: {  	s3 =	simm.s32 @!p0 $0x1082;
	s9 =	sld [smem:$0x3FB7]  }
0x2f: {  	lr =	sadd.s32 s0, s3;
	s0 =	sld [smem:$0x3FAE]  }
0x30: {  	s3 =	sld [smem:$0x3FB1]  }
0x31: {  	[smem:$0x3FBA] =	sst s10  }
0x32: {  	s10 =	sld [smem:$0x3FB8];
	_ =	sdelay $0x3  }
0x33: {  	p0 =	seq.s32 s10, $0x1;
	s10 =	sld [smem:$0x3FBA];
	_ =	sdelay $0x3  }
0x34: {  	[smem:$0x3FBA] =	sst s10  }
0x35: {  	s10 =	sld [smem:$0x3FB9];
	_ =	sdelay $0x3  }
0x36: {  	p1 =	seq.s32 s10, $0x1;
	s10 =	sld [smem:$0x3FBA];
	_ =	sdelay $0x3  }
0x37: {  	[smem:$0x3FBA] =	sst s10  }
0x38: {  	s10 =	sld [smem:$0x3FBB]  }
0x39: {  	_ = 	snop;
	(pc) =	sbr.ind lr, $3  }
0x3a: {  	_ = 	snop  }
0x3b: {  	_ = 	snop  }
0x3c: {  	p2 =	seq.s32 s10, $0x1;
	s10 =	sld [smem:$0x3FBA]  }
0x3d: {  	_ =	shalt  }
0x3e: {  	_ =	shalt  }
0x3f: {  	_ =	shalt  }
0x40: {  	_ =	shalt  }
0x41: {  	_ =	shalt  }
0x42: {  	_ =	shalt  }
0x43: {  	_ =	shalt  }
0x44: {  	_ =	shalt  }
0x45: {  	_ =	shalt  }
0x46: {  	_ =	shalt  }
0x47: {  	_ =	shalt  }
0x48: {  	_ =	shalt  }
0x49: {  	_ =	shalt  }
0x4a: {  	_ =	shalt  }
0x4b: {  	_ =	shalt  }
0x4c: {  	_ =	shalt  }
0x4d: {  	_ =	shalt  }
0x4e: {  	_ =	shalt  }
0x4f: {  	_ =	shalt  }
0x50: {  	_ =	shalt  }
0x51: {  	_ =	shalt  }
0x52: {  	_ =	shalt  }
0x53: {  	_ =	shalt  }
0x54: {  	_ =	shalt  }
0x55: {  	_ =	shalt  }
0x56: {  	_ =	shalt  }
0x57: {  	_ =	shalt  }
0x58: {  	_ =	shalt  }
0x59: {  	_ =	shalt  }
0x5a: {  	_ =	shalt  }
0x5b: {  	_ =	shalt  }
0x5c: {  	_ =	shalt  }
0x5d: {  	_ =	shalt  }
0x5e: {  	_ =	shalt  }
0x5f: {  	_ =	shalt  }
0x60: {  	_ =	shalt  }
0x61: {  	_ =	shalt  }
0x62: {  	_ =	shalt  }
0x63: {  	_ =	shalt  }
0x64: {  	_ =	shalt  }
0x65: {  	_ =	shalt  }
0x66: {  	_ =	shalt  }
0x67: {  	_ =	shalt  }
0x68: {  	_ =	shalt  }
0x69: {  	_ =	shalt  }
0x6a: {  	_ =	shalt  }
0x6b: {  	_ =	shalt  }
0x6c: {  	_ =	shalt  }
0x6d: {  	_ =	shalt  }
0x6e: {  	_ =	shalt  }
0x6f: {  	_ =	shalt  }
0x70: {  	_ =	shalt  }
0x71: {  	_ =	shalt  }
0x72: {  	_ =	shalt  }
0x73: {  	_ =	shalt  }
0x74: {  	_ =	shalt  }
0x75: {  	_ =	shalt  }
0x76: {  	_ =	shalt  }
0x77: {  	_ =	shalt  }
0x78: {  	_ =	shalt  }
0x79: {  	_ =	shalt  }
0x7a: {  	_ =	shalt  }
0x7b: {  	_ =	shalt  }
0x7c: {  	_ =	shalt  }
0x7d: {  	_ =	shalt  }
0x7e: {  	_ =	shalt  }
0x7f: {  	_ =	shalt  }
0x80: {  	_ =	shalt  }
0x81: {  	_ =	shalt  }
0x82: {  	_ =	shalt  }
0x83: {  	_ =	shalt  }
0x84: {  	_ =	shalt  }
0x85: {  	_ =	shalt  }
0x86: {  	_ =	shalt  }
0x87: {  	_ =	shalt  }
.Lfunc_end0:
.L_simem_size_0:
called_computation_lowered:
.L_overlay_start_0:
0x88: {  	s2 =	sld [smem:$0x3FD9]  }
0x89: {  	s3 =	sld [smem:$0x3FFE];
	_ =	sdelay $0x1  }
0x8a: {  	s1 =	srdreg.scid  }
0x8b: {  	s0 =	sand.u32 $0x1, s1  }
0x8c: {  	s17 =	sshll.u32 s0, $0xA;
	s2 =	sadd.s32 s3, s2  }
0x8d: {  	s2 =	sadd.s32 s2, s17  }
0x8e: {  	[smem:$0x3FC6] =	sst s2  }
0x8f: {  	_ = 	snop  }
0x90: {  	s2 =	sld [smem:$0x3FD0];
	(tm) =	ssettm $0x1  }
0x91: {  	s18 =	sld [smem:$0x3FFB];
	_ =	sdelay $0x3  }
0x92: {  	_ =	strace s18  }
0x93: {  	s3 =	sld [smem:$0x3FFC];
	_ =	sdelay $0x3  }
0x94: {  	_ =	strace s3  }
0x95: {  	s3 =	sld [smem:$0x3FFD];
	_ =	sdelay $0x3  }
0x96: {  	_ =	strace s3  }
0x97: {  	_ =	strace $0x8FFFFFFF  }
0x98: {  	s19 =	sld [smem:$0x3FDB];
	_ =	sdelay $0x1  }
0x99: {  	s4 =	simm.s32 $_scs_section_size  }
0x9a: {  	s5 =	simm.s32 $_size__tile_overlayer_lowered;
	s6 =	simm.s32 $_tile_overlayer_lowered  }
0x9b: {  	s22 =	simm.s32 $0x1BFF;
	s21 =	sshll.u32 s6, $0x1;
	s3 =	sadd.s32 s4, s19  }
0x9c: {  	s7 =	simm.s32 $0x0;
	s20 =	sshll.u32 s5, $0x1;
	s5 =	sadd.s32 s21, s3  }
0x9d: {  	[timem:s7], [sflag:s22] =	dma.local [hbm:s5], s20  }
0x9e: {  	_ =	swait.ge [sflag:s22], s20  }
0x9f: {  	s4 =	ssub.s32 $0x0, s20;
	[sflag:s22] =	ssyncset.done $0x0  }
0xa0: {  	[sflag:s22] =	ssyncadd.s32 s4;
	_ =	sdelay $0x1  }
0xa1: {  	s23 =	simm.s32 $0x1B8B  }
0xa2: {  	_ =	swait.ge [sflag:s23], $0x1  }
0xa3: {  	[sflag:s23] =	ssyncset.done $0x0  }
0xa4: {  	s25 =	simm.s32 $0x1B8E;
	s24 =	sld [smem:$0x3FFE];
	[sflag:s23] =	ssyncadd.s32 $0xFFFFFFFF  }
0xa5: {  	s26 =	simm.s32 $execute0_lowered;
	[smem:$0x3FD2] =	sst s25  }
0xa6: {  	s5 =	sshll.u32 s26, $0x1;
	_ =	strace $0x80000046;
	[dreg:$0x1] =	wrdreg $0xFFFFFFFF  }
0xa7: {  	s28 =	simm.s32 $_size_execute0_lowered;
	s3 =	sadd.s32 s3, s5;
	[dreg:$0x0] =	wrdreg $0x0  }
0xa8: {  	s5 =	sshll.u32 s28, $0x1;
	[dreg:$0x2] =	wrdreg s3  }
0xa9: {  	[dreg:$0x3] =	wrdreg s5  }
0xaa: {  	[dreg:$0x4] =	wrdreg $0xC0  }
0xab: {  	_ =	task [dreg:s7], $0x5FFFF  }
0xac: {  	[dreg:$0x1] =	wrdreg $0xFFFFFFFF  }
0xad: {  	[dreg:$0x0] =	wrdreg $0x60  }
0xae: {  	[dreg:$0x2] =	wrdreg s2  }
0xaf: {  	[dreg:$0x3] =	wrdreg s24  }
0xb0: {  	[dreg:$0x4] =	wrdreg $0x9  }
0xb1: {  	_ =	task.clear_ibuf [dreg:s7], $0x5FFFF;
	_ =	strace $0x90000046  }
0xb2: {  	s29 =	simm.s32 $0x9;
	_ =	strace $0x80000048  }
0xb3: {  	_ =	swait.ge [sflag:s29], $0x1  }
0xb4: {  	[sflag:s29] =	ssyncadd.s32 $0xFFFFFFFF  }
0xb5: {  	_ =	strace $0x90000048  }
0xb6: {  	_ =	sfence  }
0xb7: {  	s30 =	sld [smem:$0x0];
	_ =	sdelay $0x2  }
0xb8: {  	s31 =	sshll.u32 s1, $0xD;
	s1 =	sshrl.u32 s1, $0x2  }
0xb9: {  	s3 =	sand.u32 $0x4000, s31;
	s1 =	sadd.s32 s1, s30  }
0xba: {  	s0 =	sor.u32 s3, s0;
	s1 =	sshll.u32 s1, $0x11  }
0xbb: {  	s0 =	sor.u32 s1, s0  }
0xbc: {  	s0 =	sadd.s32 $0x8F2B, s0  }
0xbd: {  	[sflag:s0] =	ssyncadd.remote.s32 $0x1  }
0xbe: {  	_ =	sfence.sel $0xFFFF  }
0xbf: {  	[dreg:$0x0] =	wrdreg $0xFFFFFFFF;
	(pc) =	sbr.abs _section_cstart, $3  }
0xc0: {  	[dreg:$0x1] =	wrdreg $0xFFFFFFFF  }
0xc1: {  	_ =	task.clear_ibuf [dreg:s7], $0x2FFFF;
	_ =	strace $0x9FFFFFFF  }
0xc2: {  	(tm) =	ssettm $0x7FFFFFFF  }
0xc3: {  	_ =	shalt  }
tec
execute0_lowered:
.L_overlay_start_1:
0x0: {  	(tag) =	ssettag $0x1  }
0x1: {  	s0 =	rddreg [dreg:$0x0];
	s1 =	srdreg.scid  }
0x2: {  	s3 =	stileid.u32;
	s2 =	rddreg [dreg:$0x1];
	s14 =	simm.s32 $0x0  }
0x3: {  	s15 =	simm.s32 $0x6400;
	s13 =	simm.s32 $0x6410;
	s16 =	simm.s32 $0x6420  }
0x4: {  	s17 =	simm.s32 $0x6430;
	s18 =	simm.s32 $0x6440;
	s19 =	simm.s32 $0x6450  }
0x5: {  	s20 =	simm.s32 $0x6460;
	s21 =	simm.s32 $0x6480;
	s5 =	simm.s32 $0x6490  }
0x6: {  	s24 =	simm.s32 $0x64C0;
	s8 =	simm.s32 $0x64D0;
	s26 =	simm.s32 $0x64E0  }
0x7: {  	s25 =	simm.s32 $0x64F0;
	s31 =	simm.s32 $0x6500;
	s6 =	simm.s32 $0x6540  }
0x8: {  	s7 =	simm.s32 $0x6550;
	s23 =	simm.s32 $0x65A0;
	s12 =	simm.s32 $0x0  }
0x9: {  	s1 =	sand.u32 $0x1, s1;
	s3 =	sshll.u32 s3, $0x1;
	[smem:$0x7FF] =	sst s14  }
0xa: {  	s28 =	sadd.s32 $0x400, s2;
	s2 =	sadd.s32 $0xA00, s2;
	s3 =	sor.u32 s1, s3  }
0xb: {  	_ =	strace $0x80000047;
	s1 =	ssub.s32 $0x2, s1;
	[dreg:$0x5] =	wrdreg s28  }
0xc: {  	[dreg:$0x6] =	wrdreg s2;
	s4 =	smul.u32 $0x6400, s3;
	s29 =	sshrl.u32 s1, $0x1  }
0xd: {  	s2 =	simm.s32 $0x64B0;
	s3 =	simm.s32 $0x6470;
	s1 =	ssub.s32 s1, s29  }
0xe: {  	[dreg:$0x4] =	wrdreg s4;
	s4 =	sshrl.u32 s4, $0x3;
	s30 =	smax.u32 s1, $0x1  }
0xf: {  	s1 =	simm.s32 $0x6510;
	s0 =	sadd.s32 s0, s4;
	[dreg:$0x8] =	wrdreg s30  }
0x10: {  	v0 =	vlaneseq.u32;
	s4 =	simm.s32 $0x6530;
	[dreg:$0x7] =	wrdreg s0;
	s0 =	simm.s32 $0x6520  }
.LBB2_1:
0x11: {  	[dreg:$0x9] =	wrdreg s12  }
0x12: {  	s10 =	rddreg [dreg:$0x5];
	s11 =	simm.s32 $0x3  }
0x13: {  	[tilespmem:s15], [sflag:$0x3] =	stream.linear.gather [hbm4b:s10+s14], $0x3000, $0x38;
	[tilespmem:$0x1D400] =	vst v63  }
0x14: {  	_ =	swait.ge [sflag:s11], $0x3000  }
0x15: {  	[sflag:s11] =	ssyncset.done $0x0  }
0x16: {  	s28 =	rddreg [dreg:$0x7];
	[sflag:s11] =	ssyncadd.s32 $0xFFFFD000  }
0x17: {  	[tilespmem:s14], [sflag:$0x3] =	stream.linear.gather [hbm4b:s28+s14], $0x6400, $0x38;
	[tilespmem:$0x1D400] =	vst v63  }
0x18: {  	_ =	swait.ge [sflag:s11], $0x6400  }
0x19: {  	s29 =	simm.s32 $0x0;
	s9 =	simm.s32 $0x0;
	[sflag:s11] =	ssyncset.done $0x0  }
0x1a: {  	s30 =	simm.s32 $0x6570;
	[dreg:$0x3] =	wrdreg s29;
	[sflag:s11] =	ssyncadd.s32 $0xFFFF9C00  }
.LBB2_2:
0x1b: {  	s28 =	rddreg [dreg:$0x3]  }
0x1c: {  	s10 =	sadd.s32 $0xFFFFFFFC, s28  }
0x1d: {  	s11 =	sadd.s32 $0x6, s10  }
0x1e: {  	s12 =	sadd.s32 $0x4, s10;
	v1 =	vmov s11  }
0x1f: {  	s22 =	sadd.s32 $0x5, s10;
	s10 =	sadd.s32 $0x7, s10;
	v2 =	vmov s12;
	v1 =	vand.u32 $0xFFFFFFFE, v1  }
0x20: {  	p0 =	seq.s32 s9, $0x0;
	v4 =	vmov s10;
	v2 =	vand.u32 $0xFFFFFFFC, v2;
	v1 =	vbroadcast v1, $0x0  }
0x21: {  	[dreg:$0xa] =	wrdreg s9;
	s12 =	simm.s32 @!p0 $0x1;
	v2 =	vbroadcast v2, $0x0  }
0x22: {  	_ =	swait.ge @!p0 [sflag:s12], $0xA000  }
0x23: {  	v3 =	vmov s22;
	[sflag:s12] =	ssyncset.done @!p0 $0x0  }
0x24: {  	v3 =	vand.u32 $0xFFFFFFFD, v3;
	[sflag:s12] =	ssyncadd.s32 @!p0 $0xFFFF6000  }
0x25: {  	v3 =	vbroadcast v3, $0x0;
	v4 =	vld.idx.msk [tilespmem:v4+s14+$0x0], $0xffff  }
0x26: {  	v1 =	vld.idx.msk [tilespmem:v1+s14+$0x0], $0xffff  }
0x27: {  	v2 =	vld.idx.msk [tilespmem:v2+s14+$0x0], $0xffff;
	_ =	sdelay $0x3  }
0x28: {  	v5 =	vld.idx.msk [tilespmem:v3+s14+$0x0], $0xffff;
	v1 =	vshll.u32 v1, $0x9  }
0x29: {  	v8 =	vor.u32 v0, v1;
	v1 =	vshll.u32 v2, $0x9;
	v2 =	vshll.u32 v4, $0x9  }
0x2a: {  	v2 =	vor.u32 v0, v2  }
0x2b: {  	v3 =	vor.u32 v0, v1;
	_ =	sdelay $0x1  }
0x2c: {  	v1 =	vshll.u32 v5, $0x9  }
0x2d: {  	v1 =	vor.u32 v0, v1;
	v4 =	vld.idx.msk [tilespmem:v8+s15+$0x0], $0xffff  }
0x2e: {  	v7 =	vld.idx.msk [tilespmem:v2+s15+$0x0], $0xffff  }
0x2f: {  	v5 =	vld.idx.msk [tilespmem:v3+s15+$0x0], $0xffff;
	_ =	sdelay $0x1  }
0x30: {  	s10 =	simm.s32 $0x9800  }
0x31: {  	v6 =	vld.idx.msk [tilespmem:v1+s15+$0x0], $0xffff;
	[tilespmem:s10+$0x0] =	vst v4  }
0x32: {  	v4 =	vld.idx.msk [tilespmem:v8+s13+$0x0], $0xffff;
	[tilespmem:s10+$0x200] =	vst v7  }
0x33: {  	[tilespmem:s10+$0xFFFFFC00] =	vst v5;
	v7 =	vld.idx.msk [tilespmem:v2+s13+$0x0], $0xffff  }
0x34: {  	v5 =	vld.idx.msk [tilespmem:v3+s13+$0x0], $0xffff;
	_ =	sdelay $0x1  }
0x35: {  	[tilespmem:s10+$0xFFFFFE00] =	vst v6  }
0x36: {  	v6 =	vld.idx.msk [tilespmem:v1+s13+$0x0], $0xffff;
	[tilespmem:s10+$0x10] =	vst v4  }
0x37: {  	v4 =	vld.idx.msk [tilespmem:v8+s16+$0x0], $0xffff;
	[tilespmem:s10+$0x210] =	vst v7  }
0x38: {  	[tilespmem:s10+$0xFFFFFC10] =	vst v5;
	v7 =	vld.idx.msk [tilespmem:v2+s16+$0x0], $0xffff  }
0x39: {  	v5 =	vld.idx.msk [tilespmem:v3+s16+$0x0], $0xffff;
	_ =	sdelay $0x1  }
0x3a: {  	[tilespmem:s10+$0xFFFFFE10] =	vst v6  }
0x3b: {  	v6 =	vld.idx.msk [tilespmem:v1+s16+$0x0], $0xffff;
	[tilespmem:s10+$0x20] =	vst v4  }
0x3c: {  	v4 =	vld.idx.msk [tilespmem:v8+s17+$0x0], $0xffff;
	[tilespmem:s10+$0x220] =	vst v7  }
0x3d: {  	[tilespmem:s10+$0xFFFFFC20] =	vst v5;
	v7 =	vld.idx.msk [tilespmem:v2+s17+$0x0], $0xffff  }
0x3e: {  	v5 =	vld.idx.msk [tilespmem:v3+s17+$0x0], $0xffff;
	_ =	sdelay $0x1  }
0x3f: {  	[tilespmem:s10+$0xFFFFFE20] =	vst v6  }
0x40: {  	v6 =	vld.idx.msk [tilespmem:v1+s17+$0x0], $0xffff;
	[tilespmem:s10+$0x30] =	vst v4  }
0x41: {  	v4 =	vld.idx.msk [tilespmem:v8+s18+$0x0], $0xffff;
	[tilespmem:s10+$0x230] =	vst v7  }
0x42: {  	[tilespmem:s10+$0xFFFFFC30] =	vst v5;
	v7 =	vld.idx.msk [tilespmem:v2+s18+$0x0], $0xffff  }
0x43: {  	v5 =	vld.idx.msk [tilespmem:v3+s18+$0x0], $0xffff;
	_ =	sdelay $0x1  }
0x44: {  	[tilespmem:s10+$0xFFFFFE30] =	vst v6  }
0x45: {  	v6 =	vld.idx.msk [tilespmem:v1+s18+$0x0], $0xffff;
	[tilespmem:s10+$0x40] =	vst v4  }
0x46: {  	v4 =	vld.idx.msk [tilespmem:v8+s19+$0x0], $0xffff;
	[tilespmem:s10+$0x240] =	vst v7  }
0x47: {  	[tilespmem:s10+$0xFFFFFC40] =	vst v5;
	v7 =	vld.idx.msk [tilespmem:v2+s19+$0x0], $0xffff  }
0x48: {  	v5 =	vld.idx.msk [tilespmem:v3+s19+$0x0], $0xffff;
	_ =	sdelay $0x1  }
0x49: {  	[tilespmem:s10+$0xFFFFFE40] =	vst v6  }
0x4a: {  	v6 =	vld.idx.msk [tilespmem:v1+s19+$0x0], $0xffff;
	[tilespmem:s10+$0x50] =	vst v4  }
0x4b: {  	v4 =	vld.idx.msk [tilespmem:v8+s20+$0x0], $0xffff;
	[tilespmem:s10+$0x250] =	vst v7  }
0x4c: {  	[tilespmem:s10+$0xFFFFFC50] =	vst v5;
	v7 =	vld.idx.msk [tilespmem:v2+s20+$0x0], $0xffff  }
0x4d: {  	v5 =	vld.idx.msk [tilespmem:v3+s20+$0x0], $0xffff;
	_ =	sdelay $0x1  }
0x4e: {  	[tilespmem:s10+$0xFFFFFE50] =	vst v6  }
0x4f: {  	v6 =	vld.idx.msk [tilespmem:v1+s20+$0x0], $0xffff;
	[tilespmem:s10+$0x60] =	vst v4  }
0x50: {  	v4 =	vld.idx.msk [tilespmem:v8+s3+$0x0], $0xffff;
	[tilespmem:s10+$0x260] =	vst v7  }
0x51: {  	[tilespmem:s10+$0xFFFFFC60] =	vst v5;
	v7 =	vld.idx.msk [tilespmem:v2+s3+$0x0], $0xffff  }
0x52: {  	v5 =	vld.idx.msk [tilespmem:v3+s3+$0x0], $0xffff;
	_ =	sdelay $0x1  }
0x53: {  	[tilespmem:s10+$0xFFFFFE60] =	vst v6  }
0x54: {  	v6 =	vld.idx.msk [tilespmem:v1+s3+$0x0], $0xffff;
	[tilespmem:s10+$0x70] =	vst v4  }
0x55: {  	v4 =	vld.idx.msk [tilespmem:v8+s21+$0x0], $0xffff;
	[tilespmem:s10+$0x270] =	vst v7  }
0x56: {  	[tilespmem:s10+$0xFFFFFC70] =	vst v5;
	v7 =	vld.idx.msk [tilespmem:v2+s21+$0x0], $0xffff  }
0x57: {  	v5 =	vld.idx.msk [tilespmem:v3+s21+$0x0], $0xffff;
	_ =	sdelay $0x1  }
0x58: {  	[tilespmem:s10+$0xFFFFFE70] =	vst v6  }
0x59: {  	v6 =	vld.idx.msk [tilespmem:v1+s21+$0x0], $0xffff;
	[tilespmem:s10+$0x80] =	vst v4  }
0x5a: {  	v4 =	vld.idx.msk [tilespmem:v8+s5+$0x0], $0xffff;
	[tilespmem:s10+$0x280] =	vst v7  }
0x5b: {  	[tilespmem:s10+$0xFFFFFC80] =	vst v5;
	v7 =	vld.idx.msk [tilespmem:v2+s5+$0x0], $0xffff  }
0x5c: {  	v5 =	vld.idx.msk [tilespmem:v3+s5+$0x0], $0xffff;
	_ =	sdelay $0x1  }
0x5d: {  	[tilespmem:s10+$0xFFFFFE80] =	vst v6  }
0x5e: {  	s22 =	simm.s32 $0x64A0;
	v6 =	vld.idx.msk [tilespmem:v1+s5+$0x0], $0xffff;
	[tilespmem:s10+$0x90] =	vst v4  }
0x5f: {  	v4 =	vld.idx.msk [tilespmem:v8+s22+$0x0], $0xffff;
	[tilespmem:s10+$0x290] =	vst v7  }
0x60: {  	[tilespmem:s10+$0xFFFFFC90] =	vst v5;
	v7 =	vld.idx.msk [tilespmem:v2+s22+$0x0], $0xffff  }
0x61: {  	v5 =	vld.idx.msk [tilespmem:v3+s22+$0x0], $0xffff;
	_ =	sdelay $0x1  }
0x62: {  	[tilespmem:s10+$0xFFFFFE90] =	vst v6  }
0x63: {  	v6 =	vld.idx.msk [tilespmem:v1+s22+$0x0], $0xffff;
	[tilespmem:s10+$0xA0] =	vst v4  }
0x64: {  	v4 =	vld.idx.msk [tilespmem:v8+s2+$0x0], $0xffff;
	[tilespmem:s10+$0x2A0] =	vst v7  }
0x65: {  	[tilespmem:s10+$0xFFFFFCA0] =	vst v5;
	v7 =	vld.idx.msk [tilespmem:v2+s2+$0x0], $0xffff  }
0x66: {  	v5 =	vld.idx.msk [tilespmem:v3+s2+$0x0], $0xffff;
	_ =	sdelay $0x1  }
0x67: {  	[tilespmem:s10+$0xFFFFFEA0] =	vst v6  }
0x68: {  	v6 =	vld.idx.msk [tilespmem:v1+s2+$0x0], $0xffff;
	[tilespmem:s10+$0xB0] =	vst v4  }
0x69: {  	v4 =	vld.idx.msk [tilespmem:v8+s24+$0x0], $0xffff;
	[tilespmem:s10+$0x2B0] =	vst v7  }
0x6a: {  	[tilespmem:s10+$0xFFFFFCB0] =	vst v5;
	v7 =	vld.idx.msk [tilespmem:v2+s24+$0x0], $0xffff  }
0x6b: {  	v5 =	vld.idx.msk [tilespmem:v3+s24+$0x0], $0xffff;
	_ =	sdelay $0x1  }
0x6c: {  	[tilespmem:s10+$0xFFFFFEB0] =	vst v6  }
0x6d: {  	v6 =	vld.idx.msk [tilespmem:v1+s24+$0x0], $0xffff;
	[tilespmem:s10+$0xC0] =	vst v4  }
0x6e: {  	v4 =	vld.idx.msk [tilespmem:v8+s8+$0x0], $0xffff;
	[tilespmem:s10+$0x2C0] =	vst v7  }
0x6f: {  	[tilespmem:s10+$0xFFFFFCC0] =	vst v5;
	v7 =	vld.idx.msk [tilespmem:v2+s8+$0x0], $0xffff  }
0x70: {  	v5 =	vld.idx.msk [tilespmem:v3+s8+$0x0], $0xffff;
	_ =	sdelay $0x1  }
0x71: {  	[tilespmem:s10+$0xFFFFFEC0] =	vst v6  }
0x72: {  	v6 =	vld.idx.msk [tilespmem:v1+s8+$0x0], $0xffff;
	[tilespmem:s10+$0xD0] =	vst v4  }
0x73: {  	v4 =	vld.idx.msk [tilespmem:v8+s26+$0x0], $0xffff;
	[tilespmem:s10+$0x2D0] =	vst v7  }
0x74: {  	[tilespmem:s10+$0xFFFFFCD0] =	vst v5;
	v7 =	vld.idx.msk [tilespmem:v2+s26+$0x0], $0xffff  }
0x75: {  	v5 =	vld.idx.msk [tilespmem:v3+s26+$0x0], $0xffff;
	_ =	sdelay $0x1  }
0x76: {  	[tilespmem:s10+$0xFFFFFED0] =	vst v6  }
0x77: {  	v6 =	vld.idx.msk [tilespmem:v1+s26+$0x0], $0xffff;
	[tilespmem:s10+$0xE0] =	vst v4  }
0x78: {  	v4 =	vld.idx.msk [tilespmem:v8+s25+$0x0], $0xffff;
	[tilespmem:s10+$0x2E0] =	vst v7  }
0x79: {  	[tilespmem:s10+$0xFFFFFCE0] =	vst v5;
	v7 =	vld.idx.msk [tilespmem:v2+s25+$0x0], $0xffff  }
0x7a: {  	v5 =	vld.idx.msk [tilespmem:v3+s25+$0x0], $0xffff  }
0x7b: {  	s11 =	sadd.s32 $0x0, s28  }
0x7c: {  	s28 =	sadd.s32 $0x6, s11;
	s12 =	sadd.s32 $0x4, s11;
	[tilespmem:s10+$0xFFFFFEE0] =	vst v6  }
0x7d: {  	v9 =	vmov s12;
	v6 =	vld.idx.msk [tilespmem:v1+s25+$0x0], $0xffff;
	[tilespmem:s10+$0xF0] =	vst v4;
	v4 =	vmov s28;
	s28 =	sadd.s32 $0x5, s11;
	s11 =	sadd.s32 $0x7, s11  }
0x7e: {  	v9 =	vand.u32 $0xFFFFFFFC, v9;
	v10 =	vld.idx.msk [tilespmem:v8+s31+$0x0], $0xffff;
	[tilespmem:s10+$0x2F0] =	vst v7;
	v7 =	vmov s11  }
0x7f: {  	v4 =	vand.u32 $0xFFFFFFFE, v4;
	[tilespmem:s10+$0xFFFFFCF0] =	vst v5;
	v5 =	vbroadcast v9, $0x0  }
0x80: {  	v11 =	vmov s28;
	v4 =	vbroadcast v4, $0x0  }
0x81: {  	v9 =	vand.u32 $0xFFFFFFFD, v11;
	v11 =	vld.idx.msk [tilespmem:v3+s31+$0x0], $0xffff  }
0x82: {  	[tilespmem:s10+$0xFFFFFEF0] =	vst v6;
	v12 =	vld.idx.msk [tilespmem:v2+s31+$0x0], $0xffff  }
0x83: {  	v6 =	vbroadcast v9, $0x0;
	[tilespmem:s10+$0x100] =	vst v10;
	v7 =	vld.idx.msk [tilespmem:v7+s14+$0x0], $0xffff  }
0x84: {  	v10 =	vld.idx.msk [tilespmem:v8+s1+$0x0], $0xffff  }
0x85: {  	v5 =	vld.idx.msk [tilespmem:v5+s14+$0x0], $0xffff  }
0x86: {  	v4 =	vld.idx.msk [tilespmem:v4+s14+$0x0], $0xffff  }
0x87: {  	v9 =	vld.idx.msk [tilespmem:v1+s31+$0x0], $0xffff;
	[tilespmem:s10+$0xFFFFFD00] =	vst v11  }
0x88: {  	v11 =	vld.idx.msk [tilespmem:v3+s1+$0x0], $0xffff  }
0x89: {  	[tilespmem:s10+$0x300] =	vst v12;
	v6 =	vld.idx.msk [tilespmem:v6+s14+$0x0], $0xffff;
	v7 =	vshll.u32 v7, $0x9  }
0x8a: {  	v12 =	vld.idx.msk [tilespmem:v2+s1+$0x0], $0xffff;
	v5 =	vshll.u32 v5, $0x9;
	v7 =	vor.u32 v0, v7  }
0x8b: {  	[tilespmem:s10+$0x110] =	vst v10;
	v4 =	vshll.u32 v4, $0x9;
	v5 =	vor.u32 v0, v5  }
0x8c: {  	[tilespmem:s10+$0xFFFFFF00] =	vst v9;
	v10 =	vld.idx.msk [tilespmem:v8+s0+$0x0], $0xffff;
	v4 =	vor.u32 v0, v4  }
0x8d: {  	v9 =	vld.idx.msk [tilespmem:v1+s1+$0x0], $0xffff;
	[tilespmem:s10+$0xFFFFFD10] =	vst v11  }
0x8e: {  	v6 =	vshll.u32 v6, $0x9;
	v11 =	vld.idx.msk [tilespmem:v3+s0+$0x0], $0xffff  }
0x8f: {  	[tilespmem:s10+$0x310] =	vst v12;
	v6 =	vor.u32 v0, v6;
	v12 =	vld.idx.msk [tilespmem:v7+s15+$0x0], $0xffff  }
0x90: {  	v14 =	vld.idx.msk [tilespmem:v5+s15+$0x0], $0xffff  }
0x91: {  	[tilespmem:s10+$0x120] =	vst v10;
	v13 =	vld.idx.msk [tilespmem:v4+s15+$0x0], $0xffff  }
0x92: {  	[tilespmem:s10+$0xFFFFFF10] =	vst v9;
	v10 =	vld.idx.msk [tilespmem:v8+s4+$0x0], $0xffff  }
0x93: {  	s11 =	simm.s32 $0xA000;
	[tilespmem:s10+$0xFFFFFD20] =	vst v11;
	v11 =	vld.idx.msk [tilespmem:v1+s0+$0x0], $0xffff  }
0x94: {  	v9 =	vld.idx.msk [tilespmem:v6+s15+$0x0], $0xffff;
	[tilespmem:s11+$0x200] =	vst v12  }
0x95: {  	[tilespmem:s11+$0xFFFFFC00] =	vst v14;
	v12 =	vld.idx.msk [tilespmem:v7+s13+$0x0], $0xffff  }
0x96: {  	[tilespmem:s11+$0x0] =	vst v13;
	v13 =	vld.idx.msk [tilespmem:v2+s0+$0x0], $0xffff  }
0x97: {  	[tilespmem:s10+$0x130] =	vst v10;
	v14 =	vld.idx.msk [tilespmem:v5+s13+$0x0], $0xffff  }
0x98: {  	[tilespmem:s10+$0xFFFFFF20] =	vst v11;
	v11 =	vld.idx.msk [tilespmem:v3+s4+$0x0], $0xffff  }
0x99: {  	v15 =	vld.idx.msk [tilespmem:v4+s13+$0x0], $0xffff;
	[tilespmem:s11+$0xFFFFFE00] =	vst v9  }
0x9a: {  	v10 =	vld.idx.msk [tilespmem:v8+s6+$0x0], $0xffff;
	[tilespmem:s11+$0x210] =	vst v12  }
0x9b: {  	v9 =	vld.idx.msk [tilespmem:v6+s13+$0x0], $0xffff;
	[tilespmem:s10+$0x320] =	vst v13  }
0x9c: {  	v13 =	vld.idx.msk [tilespmem:v1+s4+$0x0], $0xffff;
	[tilespmem:s11+$0xFFFFFC10] =	vst v14  }
0x9d: {  	v12 =	vld.idx.msk [tilespmem:v7+s16+$0x0], $0xffff;
	[tilespmem:s10+$0xFFFFFD30] =	vst v11  }
0x9e: {  	[tilespmem:s11+$0x10] =	vst v15;
	v14 =	vld.idx.msk [tilespmem:v5+s16+$0x0], $0xffff  }
0x9f: {  	[tilespmem:s10+$0x140] =	vst v10;
	v11 =	vld.idx.msk [tilespmem:v2+s4+$0x0], $0xffff  }
0xa0: {  	v15 =	vld.idx.msk [tilespmem:v4+s16+$0x0], $0xffff;
	[tilespmem:s11+$0xFFFFFE10] =	vst v9  }
0xa1: {  	v10 =	vld.idx.msk [tilespmem:v8+s7+$0x0], $0xffff;
	[tilespmem:s10+$0xFFFFFF30] =	vst v13  }
0xa2: {  	v9 =	vld.idx.msk [tilespmem:v6+s16+$0x0], $0xffff;
	[tilespmem:s11+$0x220] =	vst v12  }
0xa3: {  	v13 =	vld.idx.msk [tilespmem:v3+s6+$0x0], $0xffff;
	[tilespmem:s11+$0xFFFFFC20] =	vst v14  }
0xa4: {  	v12 =	vld.idx.msk [tilespmem:v7+s17+$0x0], $0xffff;
	[tilespmem:s10+$0x330] =	vst v11  }
0xa5: {  	v11 =	vld.idx.msk [tilespmem:v1+s6+$0x0], $0xffff;
	[tilespmem:s11+$0x20] =	vst v15  }
0xa6: {  	[tilespmem:s10+$0x150] =	vst v10;
	v14 =	vld.idx.msk [tilespmem:v5+s17+$0x0], $0xffff  }
0xa7: {  	s9 =	simm.s32 $0x6560;
	v15 =	vld.idx.msk [tilespmem:v4+s17+$0x0], $0xffff;
	[tilespmem:s11+$0xFFFFFE20] =	vst v9  }
0xa8: {  	v10 =	vld.idx.msk [tilespmem:v8+s9+$0x0], $0xffff;
	[tilespmem:s10+$0xFFFFFD40] =	vst v13  }
0xa9: {  	v9 =	vld.idx.msk [tilespmem:v6+s17+$0x0], $0xffff;
	[tilespmem:s11+$0x230] =	vst v12  }
0xaa: {  	v13 =	vld.idx.msk [tilespmem:v2+s6+$0x0], $0xffff;
	[tilespmem:s10+$0xFFFFFF40] =	vst v11  }
0xab: {  	v11 =	vld.idx.msk [tilespmem:v3+s7+$0x0], $0xffff;
	[tilespmem:s11+$0xFFFFFC30] =	vst v14  }
0xac: {  	v12 =	vld.idx.msk [tilespmem:v7+s18+$0x0], $0xffff;
	[tilespmem:s11+$0x30] =	vst v15  }
0xad: {  	[tilespmem:s10+$0x160] =	vst v10;
	v14 =	vld.idx.msk [tilespmem:v5+s18+$0x0], $0xffff  }
0xae: {  	v15 =	vld.idx.msk [tilespmem:v4+s18+$0x0], $0xffff;
	[tilespmem:s11+$0xFFFFFE30] =	vst v9  }
0xaf: {  	v10 =	vld.idx.msk [tilespmem:v8+s30+$0x0], $0xffff;
	[tilespmem:s10+$0x340] =	vst v13  }
0xb0: {  	v9 =	vld.idx.msk [tilespmem:v6+s18+$0x0], $0xffff;
	[tilespmem:s10+$0xFFFFFD50] =	vst v11  }
0xb1: {  	v13 =	vld.idx.msk [tilespmem:v1+s7+$0x0], $0xffff;
	[tilespmem:s11+$0x240] =	vst v12  }
0xb2: {  	v11 =	vld.idx.msk [tilespmem:v2+s7+$0x0], $0xffff;
	[tilespmem:s11+$0xFFFFFC40] =	vst v14  }
0xb3: {  	v12 =	vld.idx.msk [tilespmem:v7+s19+$0x0], $0xffff;
	[tilespmem:s11+$0x40] =	vst v15  }
0xb4: {  	[tilespmem:s10+$0x170] =	vst v10;
	v14 =	vld.idx.msk [tilespmem:v5+s19+$0x0], $0xffff  }
0xb5: {  	s29 =	simm.s32 $0x6580;
	v15 =	vld.idx.msk [tilespmem:v4+s19+$0x0], $0xffff;
	[tilespmem:s11+$0xFFFFFE40] =	vst v9  }
0xb6: {  	v10 =	vld.idx.msk [tilespmem:v8+s29+$0x0], $0xffff;
	[tilespmem:s10+$0xFFFFFF50] =	vst v13  }
0xb7: {  	v13 =	vld.idx.msk [tilespmem:v3+s9+$0x0], $0xffff;
	[tilespmem:s10+$0x350] =	vst v11  }
0xb8: {  	v9 =	vld.idx.msk [tilespmem:v6+s19+$0x0], $0xffff;
	[tilespmem:s11+$0x250] =	vst v12  }
0xb9: {  	v11 =	vld.idx.msk [tilespmem:v1+s9+$0x0], $0xffff;
	[tilespmem:s11+$0xFFFFFC50] =	vst v14  }
0xba: {  	v12 =	vld.idx.msk [tilespmem:v7+s20+$0x0], $0xffff;
	[tilespmem:s11+$0x50] =	vst v15  }
0xbb: {  	[tilespmem:s10+$0x180] =	vst v10;
	v14 =	vld.idx.msk [tilespmem:v5+s20+$0x0], $0xffff  }
0xbc: {  	[tilespmem:s10+$0xFFFFFD60] =	vst v13;
	v13 =	vld.idx.msk [tilespmem:v2+s9+$0x0], $0xffff  }
0xbd: {  	s18 =	simm.s32 $0x6590;
	v15 =	vld.idx.msk [tilespmem:v4+s20+$0x0], $0xffff;
	[tilespmem:s11+$0xFFFFFE50] =	vst v9  }
0xbe: {  	v10 =	vld.idx.msk [tilespmem:v8+s18+$0x0], $0xffff;
	[tilespmem:s10+$0xFFFFFF60] =	vst v11  }
0xbf: {  	v11 =	vld.idx.msk [tilespmem:v3+s30+$0x0], $0xffff;
	[tilespmem:s11+$0x260] =	vst v12  }
0xc0: {  	s3 =	simm.s32 $0x6470;
	v9 =	vld.idx.msk [tilespmem:v6+s20+$0x0], $0xffff;
	[tilespmem:s11+$0xFFFFFC60] =	vst v14  }
0xc1: {  	v12 =	vld.idx.msk [tilespmem:v7+s3+$0x0], $0xffff;
	[tilespmem:s10+$0x360] =	vst v13  }
0xc2: {  	v13 =	vld.idx.msk [tilespmem:v1+s30+$0x0], $0xffff;
	[tilespmem:s11+$0x60] =	vst v15  }
0xc3: {  	[tilespmem:s10+$0x190] =	vst v10;
	v14 =	vld.idx.msk [tilespmem:v5+s3+$0x0], $0xffff  }
0xc4: {  	[tilespmem:s10+$0xFFFFFD70] =	vst v11;
	v11 =	vld.idx.msk [tilespmem:v2+s30+$0x0], $0xffff  }
0xc5: {  	v15 =	vld.idx.msk [tilespmem:v4+s3+$0x0], $0xffff;
	[tilespmem:s11+$0xFFFFFE60] =	vst v9  }
0xc6: {  	v10 =	vld.idx.msk [tilespmem:v8+s23+$0x0], $0xffff;
	[tilespmem:s11+$0x270] =	vst v12  }
0xc7: {  	v9 =	vld.idx.msk [tilespmem:v6+s3+$0x0], $0xffff;
	[tilespmem:s10+$0xFFFFFF70] =	vst v13  }
0xc8: {  	s21 =	simm.s32 $0x6480;
	v13 =	vld.idx.msk [tilespmem:v3+s29+$0x0], $0xffff;
	[tilespmem:s11+$0xFFFFFC70] =	vst v14  }
0xc9: {  	v12 =	vld.idx.msk [tilespmem:v7+s21+$0x0], $0xffff;
	[tilespmem:s10+$0x370] =	vst v11  }
0xca: {  	[tilespmem:s11+$0x70] =	vst v15;
	v14 =	vld.idx.msk [tilespmem:v5+s21+$0x0], $0xffff  }
0xcb: {  	s19 =	simm.s32 $0x65B0;
	[tilespmem:s10+$0x1A0] =	vst v10;
	v15 =	vld.idx.msk [tilespmem:v4+s21+$0x0], $0xffff  }
0xcc: {  	v10 =	vld.idx.msk [tilespmem:v8+s19+$0x0], $0xffff;
	[tilespmem:s11+$0xFFFFFE70] =	vst v9  }
0xcd: {  	v9 =	vld.idx.msk [tilespmem:v6+s21+$0x0], $0xffff;
	[tilespmem:s10+$0xFFFFFD80] =	vst v13  }
0xce: {  	s5 =	simm.s32 $0x6490;
	v11 =	vld.idx.msk [tilespmem:v1+s29+$0x0], $0xffff;
	[tilespmem:s11+$0x280] =	vst v12  }
0xcf: {  	[tilespmem:s11+$0xFFFFFC80] =	vst v14;
	v12 =	vld.idx.msk [tilespmem:v7+s5+$0x0], $0xffff  }
0xd0: {  	[tilespmem:s11+$0x80] =	vst v15;
	v14 =	vld.idx.msk [tilespmem:v5+s5+$0x0], $0xffff  }
0xd1: {  	s20 =	simm.s32 $0x65C0;
	[tilespmem:s10+$0x1B0] =	vst v10;
	v15 =	vld.idx.msk [tilespmem:v4+s5+$0x0], $0xffff  }
0xd2: {  	v10 =	vld.idx.msk [tilespmem:v8+s20+$0x0], $0xffff;
	[tilespmem:s11+$0xFFFFFE80] =	vst v9  }
0xd3: {  	[tilespmem:s10+$0xFFFFFF80] =	vst v11;
	v9 =	vld.idx.msk [tilespmem:v6+s5+$0x0], $0xffff  }
0xd4: {  	v13 =	vld.idx.msk [tilespmem:v2+s29+$0x0], $0xffff;
	[tilespmem:s11+$0x290] =	vst v12  }
0xd5: {  	[tilespmem:s11+$0xFFFFFC90] =	vst v14;
	v12 =	vld.idx.msk [tilespmem:v7+s22+$0x0], $0xffff  }
0xd6: {  	[tilespmem:s11+$0x90] =	vst v15;
	v14 =	vld.idx.msk [tilespmem:v5+s22+$0x0], $0xffff  }
0xd7: {  	s21 =	simm.s32 $0x65D0;
	[tilespmem:s10+$0x1C0] =	vst v10;
	v15 =	vld.idx.msk [tilespmem:v4+s22+$0x0], $0xffff  }
0xd8: {  	v10 =	vld.idx.msk [tilespmem:v8+s21+$0x0], $0xffff;
	[tilespmem:s11+$0xFFFFFE90] =	vst v9  }
0xd9: {  	[tilespmem:s10+$0x380] =	vst v13;
	v9 =	vld.idx.msk [tilespmem:v6+s22+$0x0], $0xffff;
	s22 =	simm.s32 $0x6590  }
0xda: {  	v11 =	vld.idx.msk [tilespmem:v3+s22+$0x0], $0xffff;
	[tilespmem:s11+$0x2A0] =	vst v12  }
0xdb: {  	v13 =	vld.idx.msk [tilespmem:v1+s22+$0x0], $0xffff;
	[tilespmem:s11+$0xFFFFFCA0] =	vst v14  }
0xdc: {  	v12 =	vld.idx.msk [tilespmem:v7+s2+$0x0], $0xffff;
	[tilespmem:s11+$0xA0] =	vst v15  }
0xdd: {  	[tilespmem:s10+$0x1D0] =	vst v10;
	v14 =	vld.idx.msk [tilespmem:v5+s2+$0x0], $0xffff  }
0xde: {  	s29 =	simm.s32 $0x65E0;
	v15 =	vld.idx.msk [tilespmem:v4+s2+$0x0], $0xffff;
	[tilespmem:s11+$0xFFFFFEA0] =	vst v9  }
0xdf: {  	v10 =	vld.idx.msk [tilespmem:v8+s29+$0x0], $0xffff;
	[tilespmem:s10+$0xFFFFFD90] =	vst v11  }
0xe0: {  	s28 =	simm.s32 $0x6590;
	v9 =	vld.idx.msk [tilespmem:v6+s2+$0x0], $0xffff;
	[tilespmem:s10+$0xFFFFFF90] =	vst v13  }
0xe1: {  	v11 =	vld.idx.msk [tilespmem:v2+s28+$0x0], $0xffff;
	[tilespmem:s11+$0x2B0] =	vst v12  }
0xe2: {  	v13 =	vld.idx.msk [tilespmem:v3+s23+$0x0], $0xffff;
	[tilespmem:s11+$0xFFFFFCB0] =	vst v14  }
0xe3: {  	v12 =	vld.idx.msk [tilespmem:v7+s24+$0x0], $0xffff;
	[tilespmem:s11+$0xB0] =	vst v15  }
0xe4: {  	[tilespmem:s10+$0x1E0] =	vst v10;
	v10 =	vld.idx.msk [tilespmem:v5+s24+$0x0], $0xffff  }
0xe5: {  	s30 =	simm.s32 $0x65F0;
	v15 =	vld.idx.msk [tilespmem:v4+s24+$0x0], $0xffff;
	[tilespmem:s11+$0xFFFFFEB0] =	vst v9  }
0xe6: {  	v8 =	vld.idx.msk [tilespmem:v8+s30+$0x0], $0xffff;
	[tilespmem:s10+$0x390] =	vst v11  }
0xe7: {  	v11 =	vld.idx.msk [tilespmem:v1+s23+$0x0], $0xffff;
	[tilespmem:s10+$0xFFFFFDA0] =	vst v13  }
0xe8: {  	v9 =	vld.idx.msk [tilespmem:v6+s24+$0x0], $0xffff;
	[tilespmem:s11+$0x2C0] =	vst v12  }
0xe9: {  	v13 =	vld.idx.msk [tilespmem:v2+s23+$0x0], $0xffff;
	[tilespmem:s11+$0xFFFFFCC0] =	vst v10  }
0xea: {  	v12 =	vld.idx.msk [tilespmem:v7+s8+$0x0], $0xffff;
	[tilespmem:s11+$0xC0] =	vst v15  }
0xeb: {  	[tilespmem:s10+$0x1F0] =	vst v8;
	v8 =	vld.idx.msk [tilespmem:v3+s19+$0x0], $0xffff  }
0xec: {  	v10 =	vld.idx.msk [tilespmem:v5+s8+$0x0], $0xffff;
	[tilespmem:s10+$0xFFFFFFA0] =	vst v11  }
0xed: {  	v14 =	vld.idx.msk [tilespmem:v4+s8+$0x0], $0xffff;
	[tilespmem:s11+$0xFFFFFEC0] =	vst v9  }
0xee: {  	v11 =	vld.idx.msk [tilespmem:v1+s19+$0x0], $0xffff;
	[tilespmem:s10+$0x3A0] =	vst v13  }
0xef: {  	v9 =	vld.idx.msk [tilespmem:v6+s8+$0x0], $0xffff;
	[tilespmem:s11+$0x2D0] =	vst v12  }
0xf0: {  	v13 =	vld.idx.msk [tilespmem:v2+s19+$0x0], $0xffff;
	[tilespmem:s10+$0xFFFFFDB0] =	vst v8  }
0xf1: {  	[tilespmem:s11+$0xFFFFFCD0] =	vst v10;
	v15 =	vld.idx.msk [tilespmem:v7+s26+$0x0], $0xffff  }
0xf2: {  	[tilespmem:s11+$0xD0] =	vst v14;
	v8 =	vld.idx.msk [tilespmem:v3+s20+$0x0], $0xffff  }
0xf3: {  	v10 =	vld.idx.msk [tilespmem:v5+s26+$0x0], $0xffff;
	[tilespmem:s10+$0xFFFFFFB0] =	vst v11  }
0xf4: {  	v14 =	vld.idx.msk [tilespmem:v4+s26+$0x0], $0xffff;
	[tilespmem:s11+$0xFFFFFED0] =	vst v9  }
0xf5: {  	[tilespmem:s10+$0x3B0] =	vst v13;
	v9 =	vld.idx.msk [tilespmem:v6+s26+$0x0], $0xffff  }
0xf6: {  	[tilespmem:s11+$0x2E0] =	vst v15  }
0xf7: {  	[tilespmem:s10+$0xFFFFFDC0] =	vst v8  }
0xf8: {  	s12 =	simm.s32 $0x4;
	[tilespmem:s11+$0xFFFFFCE0] =	vst v10  }
0xf9: {  	s1 =	simm.s32 $0x6500;
	s4 =	simm.s32 $0x6520;
	s16 =	simm.s32 $0x6410;
	v16 =	vld.idx.msk [tilespmem:v1+s20+$0x0], $0xffff;
	[tilespmem:s11+$0xE0] =	vst v14  }
0xfa: {  	s17 =	simm.s32 $0x6420;
	s6 =	simm.s32 $0x6530;
	s7 =	simm.s32 $0x6540;
	v14 =	vld.idx.msk [tilespmem:v2+s20+$0x0], $0xffff;
	[tilespmem:s11+$0xFFFFFEE0] =	vst v9  }
0xfb: {  	s9 =	simm.s32 $0x6550;
	s18 =	simm.s32 $0x6430;
	v12 =	vld.idx.msk [tilespmem:v3+s21+$0x0], $0xffff;
	s31 =	rddreg [dreg:$0xa]  }
0xfc: {  	s3 =	simm.s32 $0x6560;
	s5 =	simm.s32 $0x6570;
	v13 =	vld.idx.msk [tilespmem:v4+s25+$0x0], $0xffff;
	s0 =	smul.u32 $0xA0, s31  }
0xfd: {  	s22 =	simm.s32 $0x6470;
	s2 =	simm.s32 $0x6580;
	s24 =	simm.s32 $0x6490;
	v11 =	vld.idx.msk [tilespmem:v5+s25+$0x0], $0xffff  }
0xfe: {  	s23 =	simm.s32 $0x6480;
	s19 =	simm.s32 $0x6440;
	v9 =	vld.idx.msk [tilespmem:v6+s25+$0x0], $0xffff;
	[dreg:$0xb] =	wrdreg s0  }
0xff: {  	v8 =	vmov v5;
	s21 =	simm.s32 $0x6460;
	s20 =	simm.s32 $0x6450;
	s0 =	simm.s32 $0x6510;
	v10 =	vld.idx.msk [tilespmem:v7+s25+$0x0], $0xffff;
	[tilespmem:s10+$0xFFFFFFC0] =	vst v16  }
.LBB2_3:
0x100: {  	s13 =	rddreg [dreg:$0x3];
	s31 =	simm.s32 $0x65D0;
	[tilespmem:s10+$0x3C0] =	vst v14  }
0x101: {  	s13 =	sadd.s32 s12, s13;
	v15 =	vld.idx.msk [tilespmem:v1+s31+$0x0], $0xffff;
	[tilespmem:s11+$0xF0] =	vst v13  }
0x102: {  	s15 =	sadd.s32 $0x6, s13;
	v13 =	vld.idx.msk [tilespmem:v2+s31+$0x0], $0xffff;
	[tilespmem:s10+$0xFFFFFDD0] =	vst v12  }
0x103: {  	s29 =	simm.s32 $0x65E0;
	s14 =	sadd.s32 $0x4, s13;
	v16 =	vmov s15;
	[tilespmem:s11+$0xFFFFFCF0] =	vst v11;
	v17 =	vld.idx.msk [tilespmem:v4+s1+$0x0], $0xffff  }
0x104: {  	v14 =	vmov s14;
	v16 =	vand.u32 $0xFFFFFFFE, v16;
	v11 =	vld.idx.msk [tilespmem:v3+s29+$0x0], $0xffff  }
0x105: {  	s25 =	sadd.s32 $0x5, s13;
	v12 =	vand.u32 $0xFFFFFFFC, v14;
	[tilespmem:s11+$0xFFFFFEF0] =	vst v9;
	v16 =	vbroadcast v16, $0x0;
	v18 =	vld.idx.msk [tilespmem:v5+s1+$0x0], $0xffff  }
0x106: {  	v14 =	vmov s25;
	[tilespmem:s11+$0x2F0] =	vst v10;
	v12 =	vbroadcast v12, $0x0;
	v19 =	vld.idx.msk [tilespmem:v6+s1+$0x0], $0xffff  }
0x107: {  	s13 =	sadd.s32 $0x7, s13;
	v14 =	vand.u32 $0xFFFFFFFD, v14;
	v10 =	vld.idx.msk [tilespmem:v7+s1+$0x0], $0xffff;
	[tilespmem:s10+$0xFFFFFFD0] =	vst v15  }
0x108: {  	v9 =	vbroadcast v14, $0x0;
	v14 =	vmov s13;
	v15 =	vld.idx.msk [tilespmem:v1+s29+$0x0], $0xffff;
	[tilespmem:s10+$0x3D0] =	vst v13  }
0x109: {  	[tilespmem:s11+$0x100] =	vst v17;
	v13 =	vld.idx.msk [tilespmem:v2+s29+$0x0], $0xffff  }
0x10a: {  	s14 =	simm.s32 $0x0;
	[tilespmem:s10+$0xFFFFFDE0] =	vst v11;
	v17 =	vld.idx.msk [tilespmem:v4+s0+$0x0], $0xffff  }
0x10b: {  	[tilespmem:s11+$0xFFFFFD00] =	vst v18;
	v11 =	vld.idx.msk [tilespmem:v16+s14+$0x0], $0xffff  }
0x10c: {  	[tilespmem:s11+$0x300] =	vst v10;
	v12 =	vld.idx.msk [tilespmem:v12+s14+$0x0], $0xffff  }
0x10d: {  	v10 =	vld.idx.msk [tilespmem:v14+s14+$0x0], $0xffff  }
0x10e: {  	[tilespmem:s11+$0xFFFFFF00] =	vst v19;
	v14 =	vld.idx.msk [tilespmem:v5+s0+$0x0], $0xffff  }
0x10f: {  	s30 =	simm.s32 $0x65F0;
	v60 =	vld.idx.msk [tilespmem:v9+s14+$0x0], $0xffff  }
0x110: {  	v61 =	vld.idx.msk [tilespmem:v3+s30+$0x0], $0xffff;
	[tilespmem:s10+$0xFFFFFFE0] =	vst v15  }
0x111: {  	[tilespmem:s10+$0x3E0] =	vst v13;
	v13 =	vld.idx.msk [tilespmem:v6+s0+$0x0], $0xffff;
	v9 =	vshll.u32 v11, $0x9  }
0x112: {  	[tilespmem:s11+$0x110] =	vst v17;
	v12 =	vshll.u32 v12, $0x9;
	v15 =	vld.idx.msk [tilespmem:v7+s0+$0x0], $0xffff;
	v9 =	vor.u32 v0, v9  }
0x113: {  	v3 =	vmov v5;
	v11 =	vld.idx.msk [tilespmem:v4+s4+$0x0], $0xffff;
	v5 =	vor.u32 v0, v12  }
0x114: {  	[tilespmem:s11+$0xFFFFFD10] =	vst v14;
	v14 =	vld.idx.msk [tilespmem:v2+s30+$0x0], $0xffff;
	v16 =	vshll.u32 v60, $0x9  }
0x115: {  	v10 =	vshll.u32 v10, $0x9;
	v12 =	vld.idx.msk [tilespmem:v1+s30+$0x0], $0xffff;
	v1 =	vmov v6;
	v6 =	vor.u32 v0, v16  }
0x116: {  	s15 =	simm.s32 $0x6400;
	v2 =	vmov v7;
	v7 =	vor.u32 v0, v10;
	v10 =	vld.idx.msk [tilespmem:v8+s4+$0x0], $0xffff;
	[tilespmem:s11+$0xFFFFFF10] =	vst v13  }
0x117: {  	[tilespmem:s11+$0x310] =	vst v15;
	v13 =	vld.idx.msk [tilespmem:v9+s15+$0x0], $0xffff  }
0x118: {  	[tilespmem:s11+$0x120] =	vst v11;
	v15 =	vld.idx.msk [tilespmem:v5+s15+$0x0], $0xffff  }
0x119: {  	[tilespmem:s10+$0xFFFFFDF0] =	vst v61;
	v11 =	vld.idx.msk [tilespmem:v4+s6+$0x0], $0xffff  }
0x11a: {  	v16 =	vld.idx.msk [tilespmem:v6+s15+$0x0], $0xffff;
	[tilespmem:s10+$0xFFFFFFF0] =	vst v12  }
0x11b: {  	v12 =	vld.idx.msk [tilespmem:v7+s15+$0x0], $0xffff;
	[tilespmem:s10+$0x3F0] =	vst v14;
	s10 =	smov.u32 s11  }
0x11c: {  	s11 =	sadd.s32 $0x800, s11;
	[tilespmem:s10+$0xFFFFFD20] =	vst v10;
	v10 =	vld.idx.msk [tilespmem:v1+s4+$0x0], $0xffff  }
0x11d: {  	[tilespmem:s11+$0x0] =	vst v13;
	v13 =	vld.idx.msk [tilespmem:v2+s4+$0x0], $0xffff  }
0x11e: {  	[tilespmem:s11+$0xFFFFFC00] =	vst v15;
	v14 =	vld.idx.msk [tilespmem:v9+s16+$0x0], $0xffff  }
0x11f: {  	[tilespmem:s10+$0x130] =	vst v11;
	v15 =	vld.idx.msk [tilespmem:v5+s16+$0x0], $0xffff  }
0x120: {  	[tilespmem:s11+$0xFFFFFE00] =	vst v16;
	v11 =	vld.idx.msk [tilespmem:v4+s7+$0x0], $0xffff  }
0x121: {  	[tilespmem:s11+$0x200] =	vst v12;
	v16 =	vld.idx.msk [tilespmem:v6+s16+$0x0], $0xffff  }
0x122: {  	v12 =	vld.idx.msk [tilespmem:v7+s16+$0x0], $0xffff;
	[tilespmem:s10+$0xFFFFFF20] =	vst v10  }
0x123: {  	v10 =	vld.idx.msk [tilespmem:v3+s6+$0x0], $0xffff;
	[tilespmem:s10+$0x320] =	vst v13  }
0x124: {  	v13 =	vld.idx.msk [tilespmem:v1+s6+$0x0], $0xffff;
	[tilespmem:s11+$0x10] =	vst v14  }
0x125: {  	[tilespmem:s11+$0xFFFFFC10] =	vst v15;
	v14 =	vld.idx.msk [tilespmem:v9+s17+$0x0], $0xffff  }
0x126: {  	[tilespmem:s10+$0x140] =	vst v11;
	v15 =	vld.idx.msk [tilespmem:v5+s17+$0x0], $0xffff  }
0x127: {  	[tilespmem:s11+$0xFFFFFE10] =	vst v16;
	v11 =	vld.idx.msk [tilespmem:v4+s9+$0x0], $0xffff  }
0x128: {  	[tilespmem:s11+$0x210] =	vst v12;
	v16 =	vld.idx.msk [tilespmem:v6+s17+$0x0], $0xffff  }
0x129: {  	[tilespmem:s10+$0xFFFFFD30] =	vst v10;
	v12 =	vld.idx.msk [tilespmem:v7+s17+$0x0], $0xffff  }
0x12a: {  	v10 =	vld.idx.msk [tilespmem:v2+s6+$0x0], $0xffff;
	[tilespmem:s10+$0xFFFFFF30] =	vst v13  }
0x12b: {  	v13 =	vld.idx.msk [tilespmem:v3+s7+$0x0], $0xffff;
	[tilespmem:s11+$0x20] =	vst v14  }
0x12c: {  	[tilespmem:s11+$0xFFFFFC20] =	vst v15;
	v14 =	vld.idx.msk [tilespmem:v9+s18+$0x0], $0xffff  }
0x12d: {  	[tilespmem:s10+$0x150] =	vst v11;
	v15 =	vld.idx.msk [tilespmem:v5+s18+$0x0], $0xffff  }
0x12e: {  	[tilespmem:s11+$0xFFFFFE20] =	vst v16;
	v11 =	vld.idx.msk [tilespmem:v4+s3+$0x0], $0xffff  }
0x12f: {  	[tilespmem:s11+$0x220] =	vst v12;
	v16 =	vld.idx.msk [tilespmem:v6+s18+$0x0], $0xffff  }
0x130: {  	v12 =	vld.idx.msk [tilespmem:v7+s18+$0x0], $0xffff;
	[tilespmem:s10+$0x330] =	vst v10  }
0x131: {  	v10 =	vld.idx.msk [tilespmem:v1+s7+$0x0], $0xffff;
	[tilespmem:s10+$0xFFFFFD40] =	vst v13  }
0x132: {  	v13 =	vld.idx.msk [tilespmem:v2+s7+$0x0], $0xffff;
	[tilespmem:s11+$0x30] =	vst v14  }
0x133: {  	[tilespmem:s11+$0xFFFFFC30] =	vst v15;
	v14 =	vld.idx.msk [tilespmem:v9+s19+$0x0], $0xffff  }
0x134: {  	[tilespmem:s10+$0x160] =	vst v11;
	v15 =	vld.idx.msk [tilespmem:v5+s19+$0x0], $0xffff  }
0x135: {  	[tilespmem:s11+$0xFFFFFE30] =	vst v16;
	v11 =	vld.idx.msk [tilespmem:v4+s5+$0x0], $0xffff  }
0x136: {  	[tilespmem:s11+$0x230] =	vst v12;
	v16 =	vld.idx.msk [tilespmem:v6+s19+$0x0], $0xffff  }
0x137: {  	v12 =	vld.idx.msk [tilespmem:v7+s19+$0x0], $0xffff;
	[tilespmem:s10+$0xFFFFFF40] =	vst v10  }
0x138: {  	v10 =	vld.idx.msk [tilespmem:v3+s9+$0x0], $0xffff;
	[tilespmem:s10+$0x340] =	vst v13  }
0x139: {  	v13 =	vld.idx.msk [tilespmem:v1+s9+$0x0], $0xffff;
	[tilespmem:s11+$0x40] =	vst v14  }
0x13a: {  	[tilespmem:s11+$0xFFFFFC40] =	vst v15;
	v14 =	vld.idx.msk [tilespmem:v9+s20+$0x0], $0xffff  }
0x13b: {  	[tilespmem:s10+$0x170] =	vst v11;
	v15 =	vld.idx.msk [tilespmem:v5+s20+$0x0], $0xffff  }
0x13c: {  	[tilespmem:s11+$0xFFFFFE40] =	vst v16;
	v11 =	vld.idx.msk [tilespmem:v4+s2+$0x0], $0xffff  }
0x13d: {  	[tilespmem:s11+$0x240] =	vst v12;
	v16 =	vld.idx.msk [tilespmem:v6+s20+$0x0], $0xffff  }
0x13e: {  	[tilespmem:s10+$0xFFFFFD50] =	vst v10;
	v12 =	vld.idx.msk [tilespmem:v7+s20+$0x0], $0xffff  }
0x13f: {  	[tilespmem:s10+$0xFFFFFF50] =	vst v13;
	v10 =	vld.idx.msk [tilespmem:v2+s9+$0x0], $0xffff  }
0x140: {  	v13 =	vld.idx.msk [tilespmem:v3+s3+$0x0], $0xffff;
	[tilespmem:s11+$0x50] =	vst v14  }
0x141: {  	[tilespmem:s11+$0xFFFFFC50] =	vst v15;
	v14 =	vld.idx.msk [tilespmem:v9+s21+$0x0], $0xffff  }
0x142: {  	s26 =	simm.s32 $0x6590;
	[tilespmem:s10+$0x180] =	vst v11;
	v15 =	vld.idx.msk [tilespmem:v5+s21+$0x0], $0xffff  }
0x143: {  	[tilespmem:s11+$0xFFFFFE50] =	vst v16;
	v11 =	vld.idx.msk [tilespmem:v4+s26+$0x0], $0xffff  }
0x144: {  	[tilespmem:s11+$0x250] =	vst v12;
	v16 =	vld.idx.msk [tilespmem:v6+s21+$0x0], $0xffff  }
0x145: {  	[tilespmem:s10+$0xFFFFFD60] =	vst v13;
	v12 =	vld.idx.msk [tilespmem:v7+s21+$0x0], $0xffff  }
0x146: {  	[tilespmem:s10+$0x350] =	vst v10;
	v10 =	vld.idx.msk [tilespmem:v1+s3+$0x0], $0xffff  }
0x147: {  	v13 =	vld.idx.msk [tilespmem:v2+s3+$0x0], $0xffff;
	[tilespmem:s11+$0x60] =	vst v14  }
0x148: {  	[tilespmem:s11+$0xFFFFFC60] =	vst v15;
	v14 =	vld.idx.msk [tilespmem:v9+s22+$0x0], $0xffff  }
0x149: {  	s8 =	simm.s32 $0x65A0;
	[tilespmem:s10+$0x190] =	vst v11;
	v15 =	vld.idx.msk [tilespmem:v5+s22+$0x0], $0xffff  }
0x14a: {  	[tilespmem:s11+$0xFFFFFE60] =	vst v16;
	v11 =	vld.idx.msk [tilespmem:v4+s8+$0x0], $0xffff  }
0x14b: {  	[tilespmem:s11+$0x260] =	vst v12;
	v16 =	vld.idx.msk [tilespmem:v6+s22+$0x0], $0xffff  }
0x14c: {  	v12 =	vld.idx.msk [tilespmem:v7+s22+$0x0], $0xffff;
	[tilespmem:s10+$0xFFFFFF60] =	vst v10  }
0x14d: {  	v10 =	vld.idx.msk [tilespmem:v3+s5+$0x0], $0xffff;
	[tilespmem:s10+$0x360] =	vst v13  }
0x14e: {  	v13 =	vld.idx.msk [tilespmem:v1+s5+$0x0], $0xffff;
	[tilespmem:s11+$0x70] =	vst v14  }
0x14f: {  	[tilespmem:s11+$0xFFFFFC70] =	vst v15;
	v14 =	vld.idx.msk [tilespmem:v9+s23+$0x0], $0xffff  }
0x150: {  	s13 =	simm.s32 $0x65B0;
	[tilespmem:s10+$0x1A0] =	vst v11;
	v15 =	vld.idx.msk [tilespmem:v5+s23+$0x0], $0xffff  }
0x151: {  	[tilespmem:s11+$0xFFFFFE70] =	vst v16;
	v11 =	vld.idx.msk [tilespmem:v4+s13+$0x0], $0xffff  }
0x152: {  	[tilespmem:s11+$0x270] =	vst v12;
	v16 =	vld.idx.msk [tilespmem:v6+s23+$0x0], $0xffff  }
0x153: {  	[tilespmem:s10+$0xFFFFFD70] =	vst v10;
	v12 =	vld.idx.msk [tilespmem:v7+s23+$0x0], $0xffff  }
0x154: {  	[tilespmem:s10+$0xFFFFFF70] =	vst v13;
	v10 =	vld.idx.msk [tilespmem:v2+s5+$0x0], $0xffff  }
0x155: {  	v13 =	vld.idx.msk [tilespmem:v3+s2+$0x0], $0xffff;
	[tilespmem:s11+$0x80] =	vst v14  }
0x156: {  	[tilespmem:s11+$0xFFFFFC80] =	vst v15;
	v14 =	vld.idx.msk [tilespmem:v9+s24+$0x0], $0xffff  }
0x157: {  	s28 =	simm.s32 $0x65C0;
	[tilespmem:s10+$0x1B0] =	vst v11;
	v15 =	vld.idx.msk [tilespmem:v5+s24+$0x0], $0xffff  }
0x158: {  	[tilespmem:s11+$0xFFFFFE80] =	vst v16;
	v11 =	vld.idx.msk [tilespmem:v4+s28+$0x0], $0xffff  }
0x159: {  	[tilespmem:s11+$0x280] =	vst v12;
	v16 =	vld.idx.msk [tilespmem:v6+s24+$0x0], $0xffff  }
0x15a: {  	[tilespmem:s10+$0xFFFFFD80] =	vst v13;
	v12 =	vld.idx.msk [tilespmem:v7+s24+$0x0], $0xffff  }
0x15b: {  	[tilespmem:s10+$0x370] =	vst v10;
	v10 =	vld.idx.msk [tilespmem:v1+s2+$0x0], $0xffff  }
0x15c: {  	s25 =	simm.s32 $0x64A0;
	v13 =	vld.idx.msk [tilespmem:v2+s2+$0x0], $0xffff;
	[tilespmem:s11+$0x90] =	vst v14  }
0x15d: {  	[tilespmem:s11+$0xFFFFFC90] =	vst v15;
	v14 =	vld.idx.msk [tilespmem:v9+s25+$0x0], $0xffff  }
0x15e: {  	[tilespmem:s10+$0x1C0] =	vst v11;
	v15 =	vld.idx.msk [tilespmem:v5+s25+$0x0], $0xffff  }
0x15f: {  	[tilespmem:s11+$0xFFFFFE90] =	vst v16;
	v11 =	vld.idx.msk [tilespmem:v4+s31+$0x0], $0xffff  }
0x160: {  	[tilespmem:s11+$0x290] =	vst v12;
	v16 =	vld.idx.msk [tilespmem:v6+s25+$0x0], $0xffff  }
0x161: {  	v12 =	vld.idx.msk [tilespmem:v7+s25+$0x0], $0xffff;
	[tilespmem:s10+$0xFFFFFF80] =	vst v10  }
0x162: {  	v10 =	vld.idx.msk [tilespmem:v3+s26+$0x0], $0xffff;
	[tilespmem:s10+$0x380] =	vst v13  }
0x163: {  	s25 =	simm.s32 $0x64B0;
	v13 =	vld.idx.msk [tilespmem:v1+s26+$0x0], $0xffff;
	[tilespmem:s11+$0xA0] =	vst v14  }
0x164: {  	[tilespmem:s11+$0xFFFFFCA0] =	vst v15;
	v14 =	vld.idx.msk [tilespmem:v9+s25+$0x0], $0xffff  }
0x165: {  	[tilespmem:s10+$0x1D0] =	vst v11;
	v15 =	vld.idx.msk [tilespmem:v5+s25+$0x0], $0xffff  }
0x166: {  	[tilespmem:s11+$0xFFFFFEA0] =	vst v16;
	v11 =	vld.idx.msk [tilespmem:v4+s29+$0x0], $0xffff  }
0x167: {  	[tilespmem:s11+$0x2A0] =	vst v12;
	v16 =	vld.idx.msk [tilespmem:v6+s25+$0x0], $0xffff  }
0x168: {  	[tilespmem:s10+$0xFFFFFD90] =	vst v10;
	v12 =	vld.idx.msk [tilespmem:v7+s25+$0x0], $0xffff  }
0x169: {  	[tilespmem:s10+$0xFFFFFF90] =	vst v13;
	v10 =	vld.idx.msk [tilespmem:v2+s26+$0x0], $0xffff  }
0x16a: {  	v13 =	vld.idx.msk [tilespmem:v3+s8+$0x0], $0xffff;
	s26 =	simm.s32 $0x64C0;
	[tilespmem:s11+$0xB0] =	vst v14  }
0x16b: {  	v14 =	vld.idx.msk [tilespmem:v9+s26+$0x0], $0xffff;
	[tilespmem:s10+$0x1E0] =	vst v11  }
0x16c: {  	[tilespmem:s11+$0xFFFFFCB0] =	vst v15;
	v11 =	vld.idx.msk [tilespmem:v4+s30+$0x0], $0xffff  }
0x16d: {  	[tilespmem:s11+$0xFFFFFEB0] =	vst v16;
	v4 =	vmov v9;
	v9 =	vld.idx.msk [tilespmem:v5+s26+$0x0], $0xffff  }
0x16e: {  	[tilespmem:s11+$0x2B0] =	vst v12;
	v15 =	vld.idx.msk [tilespmem:v6+s26+$0x0], $0xffff  }
0x16f: {  	v12 =	vld.idx.msk [tilespmem:v7+s26+$0x0], $0xffff;
	[tilespmem:s10+$0x390] =	vst v10  }
0x170: {  	[tilespmem:s10+$0xFFFFFDA0] =	vst v13;
	v10 =	vld.idx.msk [tilespmem:v1+s8+$0x0], $0xffff  }
0x171: {  	s25 =	simm.s32 $0x64D0;
	v13 =	vld.idx.msk [tilespmem:v2+s8+$0x0], $0xffff;
	[tilespmem:s11+$0xC0] =	vst v14  }
0x172: {  	v14 =	vld.idx.msk [tilespmem:v4+s25+$0x0], $0xffff;
	[tilespmem:s10+$0x1F0] =	vst v11  }
0x173: {  	[tilespmem:s11+$0xFFFFFCC0] =	vst v9  }
0x174: {  	[tilespmem:s11+$0xFFFFFEC0] =	vst v15;
	v9 =	vld.idx.msk [tilespmem:v3+s13+$0x0], $0xffff  }
0x175: {  	[tilespmem:s11+$0x2C0] =	vst v12;
	v11 =	vld.idx.msk [tilespmem:v5+s25+$0x0], $0xffff  }
0x176: {  	v15 =	vld.idx.msk [tilespmem:v6+s25+$0x0], $0xffff;
	[tilespmem:s10+$0xFFFFFFA0] =	vst v10  }
0x177: {  	v12 =	vld.idx.msk [tilespmem:v7+s25+$0x0], $0xffff;
	[tilespmem:s10+$0x3A0] =	vst v13  }
0x178: {  	v10 =	vld.idx.msk [tilespmem:v1+s13+$0x0], $0xffff;
	[tilespmem:s11+$0xD0] =	vst v14  }
0x179: {  	s26 =	simm.s32 $0x64E0;
	v13 =	vld.idx.msk [tilespmem:v2+s13+$0x0], $0xffff;
	[tilespmem:s10+$0xFFFFFDB0] =	vst v9  }
0x17a: {  	v14 =	vld.idx.msk [tilespmem:v4+s26+$0x0], $0xffff;
	[tilespmem:s11+$0xFFFFFCD0] =	vst v11  }
0x17b: {  	[tilespmem:s11+$0xFFFFFED0] =	vst v15;
	v9 =	vld.idx.msk [tilespmem:v3+s28+$0x0], $0xffff  }
0x17c: {  	[tilespmem:s11+$0x2D0] =	vst v12;
	v11 =	vld.idx.msk [tilespmem:v5+s26+$0x0], $0xffff  }
0x17d: {  	v15 =	vld.idx.msk [tilespmem:v6+s26+$0x0], $0xffff;
	[tilespmem:s10+$0xFFFFFFB0] =	vst v10  }
0x17e: {  	v62 =	vld.idx.msk [tilespmem:v7+s26+$0x0], $0xffff;
	[tilespmem:s10+$0x3B0] =	vst v13  }
0x17f: {  	s12 =	sadd.s32 $0x4, s12;
	v63 =	vld.idx.msk [tilespmem:v1+s28+$0x0], $0xffff;
	[tilespmem:s11+$0xE0] =	vst v14  }
0x180: {  	p1 =	slt.u32 s12, $0x4C;
	s30 =	simm.s32 $0x64F0;
	v14 =	vld.idx.msk [tilespmem:v2+s28+$0x0], $0xffff;
	[tilespmem:s10+$0xFFFFFDC0] =	vst v9  }
.Ltmp0:
0x181: {  	v13 =	vld.idx.msk [tilespmem:v4+s30+$0x0], $0xffff;
	[tilespmem:s11+$0xFFFFFCE0] =	vst v11;
	(pc) =	sbr.rel @p1 .LBB2_3-.Ltmp0, $4  }
0x182: {  	v12 =	vld.idx.msk [tilespmem:v3+s31+$0x0], $0xffff  }
0x183: {  	[tilespmem:s11+$0xFFFFFEE0] =	vst v15;
	v11 =	vld.idx.msk [tilespmem:v5+s30+$0x0], $0xffff  }
0x184: {  	[tilespmem:s11+$0x2E0] =	vst v62;
	v9 =	vld.idx.msk [tilespmem:v6+s30+$0x0], $0xffff  }
0x185: {  	v8 =	vmov v5;
	v10 =	vld.idx.msk [tilespmem:v7+s30+$0x0], $0xffff;
	[tilespmem:s10+$0xFFFFFFC0] =	vst v63  }
0x186: {  	_ =	sdelay $0x2  }
0x187: {  	[tilespmem:s10+$0x3C0] =	vst v14;
	s8 =	simm.s32 $0x65D0  }
0x188: {  	[tilespmem:s11+$0xF0] =	vst v13;
	v14 =	vld.idx.msk [tilespmem:v1+s8+$0x0], $0xffff  }
0x189: {  	v13 =	vld.idx.msk [tilespmem:v2+s8+$0x0], $0xffff;
	[tilespmem:s10+$0xFFFFFDD0] =	vst v12  }
0x18a: {  	v12 =	vld.idx.msk [tilespmem:v4+s1+$0x0], $0xffff;
	[tilespmem:s11+$0xFFFFFCF0] =	vst v11  }
0x18b: {  	[tilespmem:s11+$0xFFFFFEF0] =	vst v9;
	v9 =	vld.idx.msk [tilespmem:v5+s1+$0x0], $0xffff  }
0x18c: {  	s30 =	simm.s32 $0x65E0;
	[tilespmem:s11+$0x2F0] =	vst v10;
	v10 =	vld.idx.msk [tilespmem:v6+s1+$0x0], $0xffff  }
0x18d: {  	v11 =	vld.idx.msk [tilespmem:v3+s30+$0x0], $0xffff;
	[tilespmem:s10+$0xFFFFFFD0] =	vst v14  }
0x18e: {  	[tilespmem:s10+$0x3D0] =	vst v13  }
0x18f: {  	v14 =	vld.idx.msk [tilespmem:v7+s1+$0x0], $0xffff;
	[tilespmem:s11+$0x100] =	vst v12  }
0x190: {  	v13 =	vld.idx.msk [tilespmem:v1+s30+$0x0], $0xffff;
	[tilespmem:s11+$0xFFFFFD00] =	vst v9  }
0x191: {  	[tilespmem:s11+$0xFFFFFF00] =	vst v10;
	v10 =	vld.idx.msk [tilespmem:v4+s0+$0x0], $0xffff  }
0x192: {  	[tilespmem:s10+$0xFFFFFDE0] =	vst v11;
	v11 =	vld.idx.msk [tilespmem:v5+s0+$0x0], $0xffff;
	_ =	sdelay $0x1  }
0x193: {  	v9 =	vld.idx.msk [tilespmem:v2+s30+$0x0], $0xffff;
	[tilespmem:s11+$0x300] =	vst v14  }
0x194: {  	v12 =	vld.idx.msk [tilespmem:v6+s0+$0x0], $0xffff;
	[tilespmem:s10+$0xFFFFFFE0] =	vst v13  }
0x195: {  	v13 =	vld.idx.msk [tilespmem:v7+s0+$0x0], $0xffff;
	[tilespmem:s11+$0x110] =	vst v10  }
0x196: {  	v10 =	vld.idx.msk [tilespmem:v4+s4+$0x0], $0xffff;
	[tilespmem:s11+$0xFFFFFD10] =	vst v11  }
0x197: {  	v8 =	vld.idx.msk [tilespmem:v8+s4+$0x0], $0xffff;
	_ =	sdelay $0x1  }
0x198: {  	[tilespmem:s11+$0xFFFFFF10] =	vst v12  }
0x199: {  	v11 =	vld.idx.msk [tilespmem:v6+s4+$0x0], $0xffff;
	[tilespmem:s11+$0x310] =	vst v13  }
0x19a: {  	v12 =	vld.idx.msk [tilespmem:v7+s4+$0x0], $0xffff;
	[tilespmem:s11+$0x120] =	vst v10  }
0x19b: {  	v10 =	vld.idx.msk [tilespmem:v4+s6+$0x0], $0xffff;
	[tilespmem:s11+$0xFFFFFD20] =	vst v8  }
0x19c: {  	v8 =	vld.idx.msk [tilespmem:v5+s6+$0x0], $0xffff;
	_ =	sdelay $0x1  }
0x19d: {  	[tilespmem:s11+$0xFFFFFF20] =	vst v11  }
0x19e: {  	v11 =	vld.idx.msk [tilespmem:v6+s6+$0x0], $0xffff;
	[tilespmem:s11+$0x320] =	vst v12  }
0x19f: {  	v12 =	vld.idx.msk [tilespmem:v7+s6+$0x0], $0xffff;
	[tilespmem:s11+$0x130] =	vst v10  }
0x1a0: {  	v10 =	vld.idx.msk [tilespmem:v4+s7+$0x0], $0xffff;
	[tilespmem:s11+$0xFFFFFD30] =	vst v8  }
0x1a1: {  	v8 =	vld.idx.msk [tilespmem:v5+s7+$0x0], $0xffff;
	_ =	sdelay $0x1  }
0x1a2: {  	[tilespmem:s11+$0xFFFFFF30] =	vst v11  }
0x1a3: {  	v11 =	vld.idx.msk [tilespmem:v6+s7+$0x0], $0xffff;
	[tilespmem:s11+$0x330] =	vst v12  }
0x1a4: {  	v12 =	vld.idx.msk [tilespmem:v7+s7+$0x0], $0xffff;
	[tilespmem:s11+$0x140] =	vst v10  }
0x1a5: {  	v10 =	vld.idx.msk [tilespmem:v4+s9+$0x0], $0xffff;
	[tilespmem:s11+$0xFFFFFD40] =	vst v8  }
0x1a6: {  	v8 =	vld.idx.msk [tilespmem:v5+s9+$0x0], $0xffff;
	_ =	sdelay $0x1  }
0x1a7: {  	[tilespmem:s11+$0xFFFFFF40] =	vst v11  }
0x1a8: {  	v11 =	vld.idx.msk [tilespmem:v6+s9+$0x0], $0xffff;
	[tilespmem:s11+$0x340] =	vst v12  }
0x1a9: {  	v12 =	vld.idx.msk [tilespmem:v7+s9+$0x0], $0xffff;
	[tilespmem:s11+$0x150] =	vst v10  }
0x1aa: {  	v10 =	vld.idx.msk [tilespmem:v4+s3+$0x0], $0xffff;
	[tilespmem:s11+$0xFFFFFD50] =	vst v8  }
0x1ab: {  	v8 =	vld.idx.msk [tilespmem:v5+s3+$0x0], $0xffff;
	_ =	sdelay $0x1  }
0x1ac: {  	[tilespmem:s11+$0xFFFFFF50] =	vst v11  }
0x1ad: {  	v11 =	vld.idx.msk [tilespmem:v6+s3+$0x0], $0xffff;
	[tilespmem:s11+$0x350] =	vst v12  }
0x1ae: {  	v12 =	vld.idx.msk [tilespmem:v7+s3+$0x0], $0xffff;
	[tilespmem:s11+$0x160] =	vst v10  }
0x1af: {  	v10 =	vld.idx.msk [tilespmem:v4+s5+$0x0], $0xffff;
	[tilespmem:s11+$0xFFFFFD60] =	vst v8  }
0x1b0: {  	v8 =	vld.idx.msk [tilespmem:v5+s5+$0x0], $0xffff;
	_ =	sdelay $0x1  }
0x1b1: {  	[tilespmem:s11+$0xFFFFFF60] =	vst v11  }
0x1b2: {  	v11 =	vld.idx.msk [tilespmem:v6+s5+$0x0], $0xffff;
	[tilespmem:s11+$0x360] =	vst v12  }
0x1b3: {  	v12 =	vld.idx.msk [tilespmem:v7+s5+$0x0], $0xffff;
	[tilespmem:s11+$0x170] =	vst v10  }
0x1b4: {  	v10 =	vld.idx.msk [tilespmem:v4+s2+$0x0], $0xffff;
	[tilespmem:s11+$0xFFFFFD70] =	vst v8  }
0x1b5: {  	v8 =	vld.idx.msk [tilespmem:v5+s2+$0x0], $0xffff;
	_ =	sdelay $0x1  }
0x1b6: {  	[tilespmem:s11+$0xFFFFFF70] =	vst v11  }
0x1b7: {  	v11 =	vld.idx.msk [tilespmem:v6+s2+$0x0], $0xffff;
	[tilespmem:s11+$0x370] =	vst v12  }
0x1b8: {  	s31 =	simm.s32 $0x6590;
	v12 =	vld.idx.msk [tilespmem:v7+s2+$0x0], $0xffff;
	[tilespmem:s11+$0x180] =	vst v10  }
0x1b9: {  	v10 =	vld.idx.msk [tilespmem:v4+s31+$0x0], $0xffff;
	[tilespmem:s11+$0xFFFFFD80] =	vst v8  }
0x1ba: {  	v8 =	vld.idx.msk [tilespmem:v5+s31+$0x0], $0xffff;
	_ =	sdelay $0x1  }
0x1bb: {  	[tilespmem:s11+$0xFFFFFF80] =	vst v11  }
0x1bc: {  	v11 =	vld.idx.msk [tilespmem:v6+s31+$0x0], $0xffff;
	[tilespmem:s11+$0x380] =	vst v12  }
0x1bd: {  	s12 =	simm.s32 $0x65A0;
	v12 =	vld.idx.msk [tilespmem:v7+s31+$0x0], $0xffff;
	[tilespmem:s11+$0x190] =	vst v10  }
0x1be: {  	v10 =	vld.idx.msk [tilespmem:v4+s12+$0x0], $0xffff;
	[tilespmem:s11+$0xFFFFFD90] =	vst v8  }
0x1bf: {  	v8 =	vld.idx.msk [tilespmem:v5+s12+$0x0], $0xffff;
	_ =	sdelay $0x1  }
0x1c0: {  	[tilespmem:s11+$0xFFFFFF90] =	vst v11  }
0x1c1: {  	v11 =	vld.idx.msk [tilespmem:v6+s12+$0x0], $0xffff;
	[tilespmem:s11+$0x390] =	vst v12  }
0x1c2: {  	v12 =	vld.idx.msk [tilespmem:v7+s12+$0x0], $0xffff;
	[tilespmem:s11+$0x1A0] =	vst v10  }
0x1c3: {  	v10 =	vld.idx.msk [tilespmem:v4+s13+$0x0], $0xffff;
	[tilespmem:s11+$0xFFFFFDA0] =	vst v8  }
0x1c4: {  	v8 =	vld.idx.msk [tilespmem:v5+s13+$0x0], $0xffff;
	_ =	sdelay $0x1  }
0x1c5: {  	[tilespmem:s11+$0xFFFFFFA0] =	vst v11  }
0x1c6: {  	v11 =	vld.idx.msk [tilespmem:v6+s13+$0x0], $0xffff;
	[tilespmem:s11+$0x3A0] =	vst v12  }
0x1c7: {  	v12 =	vld.idx.msk [tilespmem:v7+s13+$0x0], $0xffff;
	s13 =	simm.s32 $0x65C0;
	[tilespmem:s11+$0x1B0] =	vst v10  }
0x1c8: {  	v10 =	vld.idx.msk [tilespmem:v4+s13+$0x0], $0xffff;
	[tilespmem:s11+$0xFFFFFDB0] =	vst v8  }
0x1c9: {  	v8 =	vld.idx.msk [tilespmem:v5+s13+$0x0], $0xffff;
	_ =	sdelay $0x1  }
0x1ca: {  	[tilespmem:s11+$0xFFFFFFB0] =	vst v11  }
0x1cb: {  	v11 =	vld.idx.msk [tilespmem:v6+s13+$0x0], $0xffff;
	[tilespmem:s11+$0x3B0] =	vst v12  }
0x1cc: {  	s25 =	simm.s32 $0x65D0;
	v12 =	vld.idx.msk [tilespmem:v7+s13+$0x0], $0xffff;
	[tilespmem:s11+$0x1C0] =	vst v10  }
0x1cd: {  	v10 =	vld.idx.msk [tilespmem:v4+s25+$0x0], $0xffff;
	[tilespmem:s11+$0xFFFFFDC0] =	vst v8  }
0x1ce: {  	v8 =	vld.idx.msk [tilespmem:v5+s25+$0x0], $0xffff  }
0x1cf: {  	s12 =	simm.s32 $0x65F0  }
0x1d0: {  	v3 =	vld.idx.msk [tilespmem:v3+s12+$0x0], $0xffff;
	[tilespmem:s11+$0xFFFFFFC0] =	vst v11  }
0x1d1: {  	v11 =	vld.idx.msk [tilespmem:v6+s25+$0x0], $0xffff;
	[tilespmem:s11+$0x3C0] =	vst v12  }
0x1d2: {  	s26 =	simm.s32 $0x65E0;
	v12 =	vld.idx.msk [tilespmem:v7+s25+$0x0], $0xffff;
	[tilespmem:s11+$0x1D0] =	vst v10  }
0x1d3: {  	v10 =	vld.idx.msk [tilespmem:v4+s26+$0x0], $0xffff;
	[tilespmem:s11+$0xFFFFFDD0] =	vst v8  }
0x1d4: {  	[tilespmem:s10+$0x3E0] =	vst v9;
	v8 =	vld.idx.msk [tilespmem:v5+s26+$0x0], $0xffff  }
0x1d5: {  	v1 =	vld.idx.msk [tilespmem:v1+s12+$0x0], $0xffff;
	[tilespmem:s10+$0xFFFFFDF0] =	vst v3  }
0x1d6: {  	v2 =	vld.idx.msk [tilespmem:v2+s12+$0x0], $0xffff;
	[tilespmem:s11+$0xFFFFFFD0] =	vst v11  }
0x1d7: {  	v11 =	vld.idx.msk [tilespmem:v6+s26+$0x0], $0xffff;
	[tilespmem:s11+$0x3D0] =	vst v12  }
0x1d8: {  	v9 =	vld.idx.msk [tilespmem:v7+s26+$0x0], $0xffff;
	[tilespmem:s11+$0x1E0] =	vst v10  }
0x1d9: {  	v3 =	vld.idx.msk [tilespmem:v4+s12+$0x0], $0xffff;
	[tilespmem:s11+$0xFFFFFDE0] =	vst v8  }
0x1da: {  	[tilespmem:s10+$0xFFFFFFF0] =	vst v1;
	v4 =	vld.idx.msk [tilespmem:v5+s12+$0x0], $0xffff  }
0x1db: {  	[tilespmem:s10+$0x3F0] =	vst v2  }
0x1dc: {  	[tilespmem:s11+$0xFFFFFFE0] =	vst v11  }
0x1dd: {  	[tilespmem:s11+$0x3E0] =	vst v9  }
0x1de: {  	v5 =	vld.idx.msk [tilespmem:v6+s12+$0x0], $0xffff;
	[tilespmem:s11+$0x1F0] =	vst v3  }
0x1df: {  	v1 =	vld.idx.msk [tilespmem:v7+s12+$0x0], $0xffff;
	[tilespmem:s11+$0xFFFFFDF0] =	vst v4  }
0x1e0: {  	s10 =	rddreg [dreg:$0x4]  }
0x1e1: {  	s30 =	rddreg [dreg:$0x3]  }
0x1e2: {  	s28 =	rddreg [dreg:$0xb];
	s29 =	sadd.s32 $0xFFFFFFFC, s30  }
0x1e3: {  	[tilespmem:s11+$0xFFFFFFF0] =	vst v5;
	s10 =	sadd.s32 s10, s28;
	s8 =	sadd.s32 $0x56, s29  }
0x1e4: {  	[tilespmem:s11+$0x3F0] =	vst v1;
	s10 =	sshll.u32 s10, $0x6;
	s26 =	sadd.s32 $0x54, s29;
	v1 =	vmov s8  }
0x1e5: {  	s11 =	rddreg [dreg:$0x6];
	s28 =	sadd.s32 $0x55, s29;
	s29 =	sadd.s32 $0x57, s29;
	v2 =	vmov s26;
	v1 =	vand.u32 $0xFFFFFFFE, v1  }
0x1e6: {  	s25 =	simm.s32 $0x9400;
	s10 =	sadd.s32 s11, s10;
	s11 =	simm.s32 @!p0 $0x2;
	v4 =	vmov s29;
	v2 =	vand.u32 $0xFFFFFFFC, v2;
	v1 =	vbroadcast v1, $0x0  }
0x1e7: {  	[hbm4b:s10+s14] =	stream.linear.scatter [tilespmem:s25], [sflag:$0x1], $0xA000, $0x38;
	v2 =	vbroadcast v2, $0x0;
	[tilespmem:$0x1D400] =	vst v63  }
0x1e8: {  	_ =	swait.ge @!p0 [sflag:s11], $0xA000  }
0x1e9: {  	v3 =	vmov s28;
	[sflag:s11] =	ssyncset.done @!p0 $0x0  }
0x1ea: {  	v3 =	vand.u32 $0xFFFFFFFD, v3;
	[sflag:s11] =	ssyncadd.s32 @!p0 $0xFFFF6000  }
0x1eb: {  	v3 =	vbroadcast v3, $0x0;
	v4 =	vld.idx.msk [tilespmem:v4+s14+$0x0], $0xffff  }
0x1ec: {  	v1 =	vld.idx.msk [tilespmem:v1+s14+$0x0], $0xffff  }
0x1ed: {  	v2 =	vld.idx.msk [tilespmem:v2+s14+$0x0], $0xffff;
	_ =	sdelay $0x3  }
0x1ee: {  	v5 =	vld.idx.msk [tilespmem:v3+s14+$0x0], $0xffff;
	v1 =	vshll.u32 v1, $0x9  }
0x1ef: {  	v8 =	vor.u32 v0, v1;
	v1 =	vshll.u32 v2, $0x9;
	v2 =	vshll.u32 v4, $0x9  }
0x1f0: {  	v2 =	vor.u32 v0, v2;
	_ =	sdelay $0x1  }
0x1f1: {  	v3 =	vor.u32 v0, v1  }
0x1f2: {  	v1 =	vshll.u32 v5, $0x9  }
0x1f3: {  	v1 =	vor.u32 v0, v1;
	v4 =	vld.idx.msk [tilespmem:v8+s15+$0x0], $0xffff  }
0x1f4: {  	v7 =	vld.idx.msk [tilespmem:v2+s15+$0x0], $0xffff;
	_ =	sdelay $0x1  }
0x1f5: {  	v5 =	vld.idx.msk [tilespmem:v3+s15+$0x0], $0xffff  }
0x1f6: {  	s10 =	simm.s32 $0x13BF0  }
0x1f7: {  	v6 =	vld.idx.msk [tilespmem:v1+s15+$0x0], $0xffff;
	[tilespmem:s10+$0xFFFFFC10] =	vst v4  }
0x1f8: {  	v4 =	vld.idx.msk [tilespmem:v8+s16+$0x0], $0xffff;
	[tilespmem:s10+$0xFFFFFE10] =	vst v7  }
0x1f9: {  	v7 =	vld.idx.msk [tilespmem:v2+s16+$0x0], $0xffff  }
0x1fa: {  	[tilespmem:s10+$0xFFFFF810] =	vst v5  }
0x1fb: {  	v5 =	vld.idx.msk [tilespmem:v3+s16+$0x0], $0xffff  }
0x1fc: {  	[tilespmem:s10+$0xFFFFFA10] =	vst v6  }
0x1fd: {  	v6 =	vld.idx.msk [tilespmem:v1+s16+$0x0], $0xffff;
	[tilespmem:s10+$0xFFFFFC20] =	vst v4  }
0x1fe: {  	v4 =	vld.idx.msk [tilespmem:v8+s17+$0x0], $0xffff;
	[tilespmem:s10+$0xFFFFFE20] =	vst v7  }
0x1ff: {  	v7 =	vld.idx.msk [tilespmem:v2+s17+$0x0], $0xffff  }
0x200: {  	[tilespmem:s10+$0xFFFFF820] =	vst v5  }
0x201: {  	v5 =	vld.idx.msk [tilespmem:v3+s17+$0x0], $0xffff  }
0x202: {  	[tilespmem:s10+$0xFFFFFA20] =	vst v6  }
0x203: {  	v6 =	vld.idx.msk [tilespmem:v1+s17+$0x0], $0xffff;
	[tilespmem:s10+$0xFFFFFC30] =	vst v4  }
0x204: {  	v4 =	vld.idx.msk [tilespmem:v8+s18+$0x0], $0xffff;
	[tilespmem:s10+$0xFFFFFE30] =	vst v7  }
0x205: {  	v7 =	vld.idx.msk [tilespmem:v2+s18+$0x0], $0xffff  }
0x206: {  	[tilespmem:s10+$0xFFFFF830] =	vst v5  }
0x207: {  	v5 =	vld.idx.msk [tilespmem:v3+s18+$0x0], $0xffff  }
0x208: {  	[tilespmem:s10+$0xFFFFFA30] =	vst v6  }
0x209: {  	v6 =	vld.idx.msk [tilespmem:v1+s18+$0x0], $0xffff;
	[tilespmem:s10+$0xFFFFFC40] =	vst v4  }
0x20a: {  	v4 =	vld.idx.msk [tilespmem:v8+s19+$0x0], $0xffff;
	[tilespmem:s10+$0xFFFFFE40] =	vst v7  }
0x20b: {  	v7 =	vld.idx.msk [tilespmem:v2+s19+$0x0], $0xffff  }
0x20c: {  	[tilespmem:s10+$0xFFFFF840] =	vst v5  }
0x20d: {  	v5 =	vld.idx.msk [tilespmem:v3+s19+$0x0], $0xffff  }
0x20e: {  	[tilespmem:s10+$0xFFFFFA40] =	vst v6  }
0x20f: {  	v6 =	vld.idx.msk [tilespmem:v1+s19+$0x0], $0xffff;
	[tilespmem:s10+$0xFFFFFC50] =	vst v4  }
0x210: {  	v4 =	vld.idx.msk [tilespmem:v8+s20+$0x0], $0xffff;
	[tilespmem:s10+$0xFFFFFE50] =	vst v7  }
0x211: {  	v7 =	vld.idx.msk [tilespmem:v2+s20+$0x0], $0xffff  }
0x212: {  	[tilespmem:s10+$0xFFFFF850] =	vst v5  }
0x213: {  	v5 =	vld.idx.msk [tilespmem:v3+s20+$0x0], $0xffff  }
0x214: {  	[tilespmem:s10+$0xFFFFFA50] =	vst v6  }
0x215: {  	v6 =	vld.idx.msk [tilespmem:v1+s20+$0x0], $0xffff;
	[tilespmem:s10+$0xFFFFFC60] =	vst v4  }
0x216: {  	v4 =	vld.idx.msk [tilespmem:v8+s21+$0x0], $0xffff;
	[tilespmem:s10+$0xFFFFFE60] =	vst v7  }
0x217: {  	v7 =	vld.idx.msk [tilespmem:v2+s21+$0x0], $0xffff  }
0x218: {  	[tilespmem:s10+$0xFFFFF860] =	vst v5  }
0x219: {  	v5 =	vld.idx.msk [tilespmem:v3+s21+$0x0], $0xffff  }
0x21a: {  	[tilespmem:s10+$0xFFFFFA60] =	vst v6  }
0x21b: {  	v6 =	vld.idx.msk [tilespmem:v1+s21+$0x0], $0xffff;
	[tilespmem:s10+$0xFFFFFC70] =	vst v4  }
0x21c: {  	v4 =	vld.idx.msk [tilespmem:v8+s22+$0x0], $0xffff;
	[tilespmem:s10+$0xFFFFFE70] =	vst v7  }
0x21d: {  	v7 =	vld.idx.msk [tilespmem:v2+s22+$0x0], $0xffff  }
0x21e: {  	[tilespmem:s10+$0xFFFFF870] =	vst v5  }
0x21f: {  	v5 =	vld.idx.msk [tilespmem:v3+s22+$0x0], $0xffff  }
0x220: {  	[tilespmem:s10+$0xFFFFFA70] =	vst v6  }
0x221: {  	v6 =	vld.idx.msk [tilespmem:v1+s22+$0x0], $0xffff;
	[tilespmem:s10+$0xFFFFFC80] =	vst v4  }
0x222: {  	v4 =	vld.idx.msk [tilespmem:v8+s23+$0x0], $0xffff;
	[tilespmem:s10+$0xFFFFFE80] =	vst v7  }
0x223: {  	v7 =	vld.idx.msk [tilespmem:v2+s23+$0x0], $0xffff  }
0x224: {  	[tilespmem:s10+$0xFFFFF880] =	vst v5  }
0x225: {  	v5 =	vld.idx.msk [tilespmem:v3+s23+$0x0], $0xffff  }
0x226: {  	[tilespmem:s10+$0xFFFFFA80] =	vst v6  }
0x227: {  	v6 =	vld.idx.msk [tilespmem:v1+s23+$0x0], $0xffff;
	[tilespmem:s10+$0xFFFFFC90] =	vst v4  }
0x228: {  	v4 =	vld.idx.msk [tilespmem:v8+s24+$0x0], $0xffff;
	[tilespmem:s10+$0xFFFFFE90] =	vst v7  }
0x229: {  	v7 =	vld.idx.msk [tilespmem:v2+s24+$0x0], $0xffff  }
0x22a: {  	[tilespmem:s10+$0xFFFFF890] =	vst v5  }
0x22b: {  	v5 =	vld.idx.msk [tilespmem:v3+s24+$0x0], $0xffff  }
0x22c: {  	[tilespmem:s10+$0xFFFFFA90] =	vst v6  }
0x22d: {  	s25 =	simm.s32 $0x64A0;
	v6 =	vld.idx.msk [tilespmem:v1+s24+$0x0], $0xffff;
	[tilespmem:s10+$0xFFFFFCA0] =	vst v4  }
0x22e: {  	v4 =	vld.idx.msk [tilespmem:v8+s25+$0x0], $0xffff;
	[tilespmem:s10+$0xFFFFFEA0] =	vst v7  }
0x22f: {  	v7 =	vld.idx.msk [tilespmem:v2+s25+$0x0], $0xffff  }
0x230: {  	[tilespmem:s10+$0xFFFFF8A0] =	vst v5  }
0x231: {  	v5 =	vld.idx.msk [tilespmem:v3+s25+$0x0], $0xffff  }
0x232: {  	[tilespmem:s10+$0xFFFFFAA0] =	vst v6  }
0x233: {  	s26 =	simm.s32 $0x64B0;
	v6 =	vld.idx.msk [tilespmem:v1+s25+$0x0], $0xffff;
	[tilespmem:s10+$0xFFFFFCB0] =	vst v4  }
0x234: {  	v4 =	vld.idx.msk [tilespmem:v8+s26+$0x0], $0xffff;
	[tilespmem:s10+$0xFFFFFEB0] =	vst v7  }
0x235: {  	v7 =	vld.idx.msk [tilespmem:v2+s26+$0x0], $0xffff  }
0x236: {  	[tilespmem:s10+$0xFFFFF8B0] =	vst v5  }
0x237: {  	v5 =	vld.idx.msk [tilespmem:v3+s26+$0x0], $0xffff  }
0x238: {  	[tilespmem:s10+$0xFFFFFAB0] =	vst v6  }
0x239: {  	s8 =	simm.s32 $0x64C0;
	v6 =	vld.idx.msk [tilespmem:v1+s26+$0x0], $0xffff;
	[tilespmem:s10+$0xFFFFFCC0] =	vst v4  }
0x23a: {  	v4 =	vld.idx.msk [tilespmem:v8+s8+$0x0], $0xffff;
	[tilespmem:s10+$0xFFFFFEC0] =	vst v7  }
0x23b: {  	v7 =	vld.idx.msk [tilespmem:v2+s8+$0x0], $0xffff  }
0x23c: {  	[tilespmem:s10+$0xFFFFF8C0] =	vst v5  }
0x23d: {  	v5 =	vld.idx.msk [tilespmem:v3+s8+$0x0], $0xffff  }
0x23e: {  	[tilespmem:s10+$0xFFFFFAC0] =	vst v6  }
0x23f: {  	s13 =	simm.s32 $0x64D0;
	v6 =	vld.idx.msk [tilespmem:v1+s8+$0x0], $0xffff;
	[tilespmem:s10+$0xFFFFFCD0] =	vst v4  }
0x240: {  	v4 =	vld.idx.msk [tilespmem:v8+s13+$0x0], $0xffff;
	[tilespmem:s10+$0xFFFFFED0] =	vst v7  }
0x241: {  	v7 =	vld.idx.msk [tilespmem:v2+s13+$0x0], $0xffff  }
0x242: {  	[tilespmem:s10+$0xFFFFF8D0] =	vst v5  }
0x243: {  	v5 =	vld.idx.msk [tilespmem:v3+s13+$0x0], $0xffff  }
0x244: {  	[tilespmem:s10+$0xFFFFFAD0] =	vst v6  }
0x245: {  	s28 =	simm.s32 $0x64E0;
	v6 =	vld.idx.msk [tilespmem:v1+s13+$0x0], $0xffff;
	[tilespmem:s10+$0xFFFFFCE0] =	vst v4  }
0x246: {  	v4 =	vld.idx.msk [tilespmem:v8+s28+$0x0], $0xffff;
	[tilespmem:s10+$0xFFFFFEE0] =	vst v7  }
0x247: {  	v7 =	vld.idx.msk [tilespmem:v2+s28+$0x0], $0xffff  }
0x248: {  	[tilespmem:s10+$0xFFFFF8E0] =	vst v5  }
0x249: {  	v5 =	vld.idx.msk [tilespmem:v3+s28+$0x0], $0xffff  }
0x24a: {  	s11 =	sadd.s32 $0x0, s30;
	[tilespmem:s10+$0xFFFFFAE0] =	vst v6  }
0x24b: {  	s29 =	simm.s32 $0x64F0;
	s30 =	sadd.s32 $0x56, s11;
	v6 =	vld.idx.msk [tilespmem:v1+s28+$0x0], $0xffff;
	[tilespmem:s10+$0xFFFFFCF0] =	vst v4  }
0x24c: {  	v9 =	vmov s30;
	v4 =	vld.idx.msk [tilespmem:v8+s29+$0x0], $0xffff;
	[tilespmem:s10+$0xFFFFFEF0] =	vst v7  }
0x24d: {  	v9 =	vand.u32 $0xFFFFFFFE, v9;
	v7 =	vld.idx.msk [tilespmem:v2+s29+$0x0], $0xffff  }
0x24e: {  	v9 =	vbroadcast v9, $0x0;
	[tilespmem:s10+$0xFFFFF8F0] =	vst v5  }
0x24f: {  	v5 =	vld.idx.msk [tilespmem:v3+s29+$0x0], $0xffff  }
0x250: {  	s30 =	sadd.s32 $0x54, s11;
	[tilespmem:s10+$0xFFFFFAF0] =	vst v6  }
0x251: {  	[tilespmem:s10+$0xFFFFFD00] =	vst v4;
	v4 =	vmov s30;
	s30 =	sadd.s32 $0x55, s11;
	s11 =	sadd.s32 $0x57, s11  }
0x252: {  	v10 =	vld.idx.msk [tilespmem:v8+s1+$0x0], $0xffff;
	[tilespmem:s10+$0xFFFFFF00] =	vst v7;
	v7 =	vmov s11  }
0x253: {  	v6 =	vld.idx.msk [tilespmem:v1+s29+$0x0], $0xffff;
	v4 =	vand.u32 $0xFFFFFFFC, v4  }
0x254: {  	v9 =	vld.idx.msk [tilespmem:v9+s14+$0x0], $0xffff;
	v11 =	vmov s30;
	[tilespmem:s10+$0xFFFFF900] =	vst v5;
	v4 =	vbroadcast v4, $0x0  }
0x255: {  	v5 =	vand.u32 $0xFFFFFFFD, v11;
	v11 =	vld.idx.msk [tilespmem:v3+s1+$0x0], $0xffff  }
0x256: {  	v12 =	vld.idx.msk [tilespmem:v2+s1+$0x0], $0xffff  }
0x257: {  	v5 =	vbroadcast v5, $0x0;
	[tilespmem:s10+$0xFFFFFD10] =	vst v10;
	v7 =	vld.idx.msk [tilespmem:v7+s14+$0x0], $0xffff  }
0x258: {  	[tilespmem:s10+$0xFFFFFB00] =	vst v6;
	v10 =	vld.idx.msk [tilespmem:v8+s0+$0x0], $0xffff  }
0x259: {  	v6 =	vld.idx.msk [tilespmem:v1+s1+$0x0], $0xffff  }
0x25a: {  	[tilespmem:s10+$0xFFFFF910] =	vst v11;
	v13 =	vld.idx.msk [tilespmem:v4+s14+$0x0], $0xffff  }
0x25b: {  	[tilespmem:s10+$0xFFFFFF10] =	vst v12;
	v11 =	vld.idx.msk [tilespmem:v3+s0+$0x0], $0xffff  }
0x25c: {  	v4 =	vshll.u32 v9, $0x9;
	v12 =	vld.idx.msk [tilespmem:v2+s0+$0x0], $0xffff  }
0x25d: {  	v14 =	vld.idx.msk [tilespmem:v5+s14+$0x0], $0xffff;
	v4 =	vor.u32 v0, v4;
	v7 =	vshll.u32 v7, $0x9;
	[tilespmem:s10+$0xFFFFFD20] =	vst v10  }
0x25e: {  	v7 =	vor.u32 v0, v7;
	v9 =	vld.idx.msk [tilespmem:v8+s4+$0x0], $0xffff  }
0x25f: {  	[tilespmem:s10+$0xFFFFFB10] =	vst v6;
	v5 =	vshll.u32 v13, $0x9  }
0x260: {  	v10 =	vld.idx.msk [tilespmem:v1+s0+$0x0], $0xffff;
	[tilespmem:s10+$0xFFFFF920] =	vst v11;
	v5 =	vor.u32 v0, v5  }
0x261: {  	v11 =	vld.idx.msk [tilespmem:v3+s4+$0x0], $0xffff  }
0x262: {  	[tilespmem:s10+$0xFFFFFF20] =	vst v12;
	v6 =	vshll.u32 v14, $0x9;
	v13 =	vld.idx.msk [tilespmem:v4+s15+$0x0], $0xffff  }
0x263: {  	v6 =	vor.u32 v0, v6;
	v12 =	vld.idx.msk [tilespmem:v7+s15+$0x0], $0xffff;
	[tilespmem:s10+$0xFFFFFD30] =	vst v9  }
0x264: {  	v9 =	vld.idx.msk [tilespmem:v8+s6+$0x0], $0xffff  }
0x265: {  	[tilespmem:s10+$0xFFFFFB20] =	vst v10;
	v14 =	vld.idx.msk [tilespmem:v5+s15+$0x0], $0xffff  }
0x266: {  	s11 =	simm.s32 $0x143F0;
	[tilespmem:s10+$0xFFFFF930] =	vst v11;
	v11 =	vld.idx.msk [tilespmem:v1+s4+$0x0], $0xffff  }
0x267: {  	[tilespmem:s11+$0xFFFFFC10] =	vst v13;
	v13 =	vld.idx.msk [tilespmem:v2+s4+$0x0], $0xffff  }
0x268: {  	v10 =	vld.idx.msk [tilespmem:v6+s15+$0x0], $0xffff;
	[tilespmem:s11+$0xFFFFFE10] =	vst v12  }
0x269: {  	v15 =	vld.idx.msk [tilespmem:v4+s16+$0x0], $0xffff;
	[tilespmem:s10+$0xFFFFFD40] =	vst v9  }
0x26a: {  	v12 =	vld.idx.msk [tilespmem:v7+s16+$0x0], $0xffff;
	[tilespmem:s11+$0xFFFFF810] =	vst v14  }
0x26b: {  	[tilespmem:s10+$0xFFFFFB30] =	vst v11;
	v11 =	vld.idx.msk [tilespmem:v3+s6+$0x0], $0xffff  }
0x26c: {  	[tilespmem:s10+$0xFFFFFF30] =	vst v13;
	v9 =	vld.idx.msk [tilespmem:v8+s7+$0x0], $0xffff  }
0x26d: {  	v14 =	vld.idx.msk [tilespmem:v5+s16+$0x0], $0xffff;
	[tilespmem:s11+$0xFFFFFA10] =	vst v10  }
0x26e: {  	[tilespmem:s11+$0xFFFFFC20] =	vst v15;
	v13 =	vld.idx.msk [tilespmem:v1+s6+$0x0], $0xffff  }
0x26f: {  	v10 =	vld.idx.msk [tilespmem:v6+s16+$0x0], $0xffff;
	[tilespmem:s11+$0xFFFFFE20] =	vst v12  }
0x270: {  	v15 =	vld.idx.msk [tilespmem:v4+s17+$0x0], $0xffff;
	[tilespmem:s10+$0xFFFFF940] =	vst v11  }
0x271: {  	v12 =	vld.idx.msk [tilespmem:v7+s17+$0x0], $0xffff;
	[tilespmem:s10+$0xFFFFFD50] =	vst v9  }
0x272: {  	v11 =	vld.idx.msk [tilespmem:v2+s6+$0x0], $0xffff;
	[tilespmem:s11+$0xFFFFF820] =	vst v14  }
0x273: {  	[tilespmem:s10+$0xFFFFFB40] =	vst v13;
	v13 =	vld.idx.msk [tilespmem:v3+s7+$0x0], $0xffff  }
0x274: {  	v9 =	vld.idx.msk [tilespmem:v8+s9+$0x0], $0xffff;
	[tilespmem:s11+$0xFFFFFA20] =	vst v10  }
0x275: {  	v14 =	vld.idx.msk [tilespmem:v5+s17+$0x0], $0xffff;
	[tilespmem:s11+$0xFFFFFC30] =	vst v15  }
0x276: {  	v10 =	vld.idx.msk [tilespmem:v6+s17+$0x0], $0xffff;
	[tilespmem:s11+$0xFFFFFE30] =	vst v12  }
0x277: {  	v15 =	vld.idx.msk [tilespmem:v4+s18+$0x0], $0xffff;
	[tilespmem:s10+$0xFFFFFF40] =	vst v11  }
0x278: {  	v11 =	vld.idx.msk [tilespmem:v1+s7+$0x0], $0xffff;
	[tilespmem:s10+$0xFFFFF950] =	vst v13  }
0x279: {  	v12 =	vld.idx.msk [tilespmem:v7+s18+$0x0], $0xffff;
	[tilespmem:s10+$0xFFFFFD60] =	vst v9  }
0x27a: {  	v13 =	vld.idx.msk [tilespmem:v2+s7+$0x0], $0xffff;
	[tilespmem:s11+$0xFFFFF830] =	vst v14  }
0x27b: {  	v9 =	vld.idx.msk [tilespmem:v8+s3+$0x0], $0xffff;
	[tilespmem:s11+$0xFFFFFA30] =	vst v10  }
0x27c: {  	v14 =	vld.idx.msk [tilespmem:v5+s18+$0x0], $0xffff;
	[tilespmem:s11+$0xFFFFFC40] =	vst v15  }
0x27d: {  	v10 =	vld.idx.msk [tilespmem:v6+s18+$0x0], $0xffff;
	[tilespmem:s10+$0xFFFFFB50] =	vst v11  }
0x27e: {  	v15 =	vld.idx.msk [tilespmem:v4+s19+$0x0], $0xffff;
	[tilespmem:s11+$0xFFFFFE40] =	vst v12  }
0x27f: {  	v11 =	vld.idx.msk [tilespmem:v3+s9+$0x0], $0xffff;
	[tilespmem:s10+$0xFFFFFF50] =	vst v13  }
0x280: {  	v13 =	vld.idx.msk [tilespmem:v1+s9+$0x0], $0xffff;
	[tilespmem:s10+$0xFFFFFD70] =	vst v9  }
0x281: {  	v12 =	vld.idx.msk [tilespmem:v7+s19+$0x0], $0xffff;
	[tilespmem:s11+$0xFFFFF840] =	vst v14  }
0x282: {  	v9 =	vld.idx.msk [tilespmem:v8+s5+$0x0], $0xffff;
	[tilespmem:s11+$0xFFFFFA40] =	vst v10  }
0x283: {  	v14 =	vld.idx.msk [tilespmem:v5+s19+$0x0], $0xffff;
	[tilespmem:s11+$0xFFFFFC50] =	vst v15  }
0x284: {  	v10 =	vld.idx.msk [tilespmem:v6+s19+$0x0], $0xffff;
	[tilespmem:s10+$0xFFFFF960] =	vst v11  }
0x285: {  	v15 =	vld.idx.msk [tilespmem:v4+s20+$0x0], $0xffff;
	[tilespmem:s10+$0xFFFFFB60] =	vst v13  }
0x286: {  	v11 =	vld.idx.msk [tilespmem:v2+s9+$0x0], $0xffff;
	[tilespmem:s11+$0xFFFFFE50] =	vst v12  }
0x287: {  	v13 =	vld.idx.msk [tilespmem:v3+s3+$0x0], $0xffff;
	[tilespmem:s10+$0xFFFFFD80] =	vst v9  }
0x288: {  	v12 =	vld.idx.msk [tilespmem:v7+s20+$0x0], $0xffff;
	[tilespmem:s11+$0xFFFFF850] =	vst v14  }
0x289: {  	v9 =	vld.idx.msk [tilespmem:v8+s2+$0x0], $0xffff;
	[tilespmem:s11+$0xFFFFFA50] =	vst v10  }
0x28a: {  	v14 =	vld.idx.msk [tilespmem:v5+s20+$0x0], $0xffff;
	[tilespmem:s11+$0xFFFFFC60] =	vst v15  }
0x28b: {  	[tilespmem:s10+$0xFFFFFF60] =	vst v11;
	v11 =	vld.idx.msk [tilespmem:v1+s3+$0x0], $0xffff  }
0x28c: {  	v10 =	vld.idx.msk [tilespmem:v6+s20+$0x0], $0xffff;
	[tilespmem:s10+$0xFFFFF970] =	vst v13  }
0x28d: {  	v15 =	vld.idx.msk [tilespmem:v4+s21+$0x0], $0xffff;
	[tilespmem:s11+$0xFFFFFE60] =	vst v12  }
0x28e: {  	v13 =	vld.idx.msk [tilespmem:v2+s3+$0x0], $0xffff;
	[tilespmem:s10+$0xFFFFFD90] =	vst v9  }
0x28f: {  	v12 =	vld.idx.msk [tilespmem:v7+s21+$0x0], $0xffff;
	[tilespmem:s11+$0xFFFFF860] =	vst v14  }
0x290: {  	[tilespmem:s10+$0xFFFFFB70] =	vst v11;
	v11 =	vld.idx.msk [tilespmem:v3+s5+$0x0], $0xffff  }
0x291: {  	v9 =	vld.idx.msk [tilespmem:v8+s31+$0x0], $0xffff;
	[tilespmem:s11+$0xFFFFFA60] =	vst v10  }
0x292: {  	v14 =	vld.idx.msk [tilespmem:v5+s21+$0x0], $0xffff;
	[tilespmem:s11+$0xFFFFFC70] =	vst v15  }
0x293: {  	[tilespmem:s10+$0xFFFFFF70] =	vst v13;
	v13 =	vld.idx.msk [tilespmem:v1+s5+$0x0], $0xffff  }
0x294: {  	v10 =	vld.idx.msk [tilespmem:v6+s21+$0x0], $0xffff;
	[tilespmem:s11+$0xFFFFFE70] =	vst v12  }
0x295: {  	v15 =	vld.idx.msk [tilespmem:v4+s22+$0x0], $0xffff;
	[tilespmem:s10+$0xFFFFF980] =	vst v11  }
0x296: {  	v12 =	vld.idx.msk [tilespmem:v7+s22+$0x0], $0xffff;
	[tilespmem:s10+$0xFFFFFDA0] =	vst v9  }
0x297: {  	v11 =	vld.idx.msk [tilespmem:v2+s5+$0x0], $0xffff;
	[tilespmem:s11+$0xFFFFF870] =	vst v14  }
0x298: {  	s17 =	simm.s32 $0x65A0;
	[tilespmem:s10+$0xFFFFFB80] =	vst v13;
	v13 =	vld.idx.msk [tilespmem:v3+s2+$0x0], $0xffff  }
0x299: {  	v9 =	vld.idx.msk [tilespmem:v8+s17+$0x0], $0xffff;
	[tilespmem:s11+$0xFFFFFA70] =	vst v10  }
0x29a: {  	v14 =	vld.idx.msk [tilespmem:v5+s22+$0x0], $0xffff;
	[tilespmem:s11+$0xFFFFFC80] =	vst v15  }
0x29b: {  	v10 =	vld.idx.msk [tilespmem:v6+s22+$0x0], $0xffff;
	[tilespmem:s11+$0xFFFFFE80] =	vst v12  }
0x29c: {  	v15 =	vld.idx.msk [tilespmem:v4+s23+$0x0], $0xffff;
	[tilespmem:s10+$0xFFFFFF80] =	vst v11  }
0x29d: {  	v11 =	vld.idx.msk [tilespmem:v1+s2+$0x0], $0xffff;
	[tilespmem:s10+$0xFFFFF990] =	vst v13  }
0x29e: {  	v12 =	vld.idx.msk [tilespmem:v7+s23+$0x0], $0xffff;
	[tilespmem:s10+$0xFFFFFDB0] =	vst v9  }
0x29f: {  	s18 =	simm.s32 $0x65B0;
	v13 =	vld.idx.msk [tilespmem:v2+s2+$0x0], $0xffff;
	[tilespmem:s11+$0xFFFFF880] =	vst v14  }
0x2a0: {  	v9 =	vld.idx.msk [tilespmem:v8+s18+$0x0], $0xffff;
	[tilespmem:s11+$0xFFFFFA80] =	vst v10  }
0x2a1: {  	v14 =	vld.idx.msk [tilespmem:v5+s23+$0x0], $0xffff;
	[tilespmem:s11+$0xFFFFFC90] =	vst v15  }
0x2a2: {  	v10 =	vld.idx.msk [tilespmem:v6+s23+$0x0], $0xffff;
	[tilespmem:s10+$0xFFFFFB90] =	vst v11  }
0x2a3: {  	v15 =	vld.idx.msk [tilespmem:v4+s24+$0x0], $0xffff;
	[tilespmem:s11+$0xFFFFFE90] =	vst v12  }
0x2a4: {  	v11 =	vld.idx.msk [tilespmem:v3+s31+$0x0], $0xffff;
	[tilespmem:s10+$0xFFFFFF90] =	vst v13  }
0x2a5: {  	v13 =	vld.idx.msk [tilespmem:v1+s31+$0x0], $0xffff;
	[tilespmem:s10+$0xFFFFFDC0] =	vst v9  }
0x2a6: {  	s19 =	simm.s32 $0x65C0;
	v12 =	vld.idx.msk [tilespmem:v7+s24+$0x0], $0xffff;
	[tilespmem:s11+$0xFFFFF890] =	vst v14  }
0x2a7: {  	v9 =	vld.idx.msk [tilespmem:v8+s19+$0x0], $0xffff;
	[tilespmem:s11+$0xFFFFFA90] =	vst v10  }
0x2a8: {  	v14 =	vld.idx.msk [tilespmem:v5+s24+$0x0], $0xffff;
	[tilespmem:s11+$0xFFFFFCA0] =	vst v15  }
0x2a9: {  	v10 =	vld.idx.msk [tilespmem:v6+s24+$0x0], $0xffff;
	[tilespmem:s10+$0xFFFFF9A0] =	vst v11  }
0x2aa: {  	v15 =	vld.idx.msk [tilespmem:v4+s25+$0x0], $0xffff;
	[tilespmem:s10+$0xFFFFFBA0] =	vst v13  }
0x2ab: {  	v11 =	vld.idx.msk [tilespmem:v2+s31+$0x0], $0xffff;
	[tilespmem:s11+$0xFFFFFEA0] =	vst v12  }
0x2ac: {  	v13 =	vld.idx.msk [tilespmem:v3+s17+$0x0], $0xffff;
	[tilespmem:s10+$0xFFFFFDD0] =	vst v9  }
0x2ad: {  	s20 =	simm.s32 $0x65D0;
	v12 =	vld.idx.msk [tilespmem:v7+s25+$0x0], $0xffff;
	[tilespmem:s11+$0xFFFFF8A0] =	vst v14  }
0x2ae: {  	v9 =	vld.idx.msk [tilespmem:v8+s20+$0x0], $0xffff;
	[tilespmem:s11+$0xFFFFFAA0] =	vst v10  }
0x2af: {  	v14 =	vld.idx.msk [tilespmem:v5+s25+$0x0], $0xffff;
	[tilespmem:s11+$0xFFFFFCB0] =	vst v15  }
0x2b0: {  	s23 =	simm.s32 $0x65A0;
	[tilespmem:s10+$0xFFFFFFA0] =	vst v11;
	v10 =	vld.idx.msk [tilespmem:v6+s25+$0x0], $0xffff  }
0x2b1: {  	v11 =	vld.idx.msk [tilespmem:v1+s23+$0x0], $0xffff;
	[tilespmem:s10+$0xFFFFF9B0] =	vst v13  }
0x2b2: {  	v15 =	vld.idx.msk [tilespmem:v4+s26+$0x0], $0xffff;
	[tilespmem:s11+$0xFFFFFEB0] =	vst v12  }
0x2b3: {  	s21 =	simm.s32 $0x65E0;
	v12 =	vld.idx.msk [tilespmem:v7+s26+$0x0], $0xffff;
	[tilespmem:s10+$0xFFFFFDE0] =	vst v9  }
0x2b4: {  	[tilespmem:s11+$0xFFFFF8B0] =	vst v14;
	v9 =	vld.idx.msk [tilespmem:v8+s21+$0x0], $0xffff  }
0x2b5: {  	v14 =	vld.idx.msk [tilespmem:v5+s26+$0x0], $0xffff;
	[tilespmem:s11+$0xFFFFFAB0] =	vst v10  }
0x2b6: {  	[tilespmem:s10+$0xFFFFFBB0] =	vst v11;
	v10 =	vld.idx.msk [tilespmem:v6+s26+$0x0], $0xffff  }
0x2b7: {  	v13 =	vld.idx.msk [tilespmem:v2+s23+$0x0], $0xffff;
	[tilespmem:s11+$0xFFFFFCC0] =	vst v15  }
0x2b8: {  	v15 =	vld.idx.msk [tilespmem:v4+s8+$0x0], $0xffff;
	[tilespmem:s11+$0xFFFFFEC0] =	vst v12  }
0x2b9: {  	s22 =	simm.s32 $0x65F0;
	v12 =	vld.idx.msk [tilespmem:v7+s8+$0x0], $0xffff;
	[tilespmem:s10+$0xFFFFFDF0] =	vst v9  }
0x2ba: {  	[tilespmem:s11+$0xFFFFF8C0] =	vst v14;
	v8 =	vld.idx.msk [tilespmem:v8+s22+$0x0], $0xffff  }
0x2bb: {  	v9 =	vld.idx.msk [tilespmem:v5+s8+$0x0], $0xffff;
	[tilespmem:s11+$0xFFFFFAC0] =	vst v10  }
0x2bc: {  	s24 =	simm.s32 $0x65B0;
	[tilespmem:s10+$0xFFFFFFB0] =	vst v13;
	v10 =	vld.idx.msk [tilespmem:v6+s8+$0x0], $0xffff  }
0x2bd: {  	v11 =	vld.idx.msk [tilespmem:v1+s24+$0x0], $0xffff;
	[tilespmem:s11+$0xFFFFFCD0] =	vst v15  }
0x2be: {  	v14 =	vld.idx.msk [tilespmem:v4+s13+$0x0], $0xffff;
	[tilespmem:s11+$0xFFFFFED0] =	vst v12  }
0x2bf: {  	v12 =	vld.idx.msk [tilespmem:v7+s13+$0x0], $0xffff;
	[tilespmem:s10+$0xFFFFFE00] =	vst v8  }
0x2c0: {  	[tilespmem:s11+$0xFFFFF8D0] =	vst v9;
	v8 =	vld.idx.msk [tilespmem:v3+s24+$0x0], $0xffff  }
0x2c1: {  	v9 =	vld.idx.msk [tilespmem:v5+s13+$0x0], $0xffff;
	[tilespmem:s11+$0xFFFFFAD0] =	vst v10  }
0x2c2: {  	s25 =	simm.s32 $0x65B0;
	[tilespmem:s10+$0xFFFFFBC0] =	vst v11;
	v10 =	vld.idx.msk [tilespmem:v6+s13+$0x0], $0xffff  }
0x2c3: {  	v13 =	vld.idx.msk [tilespmem:v2+s25+$0x0], $0xffff;
	[tilespmem:s11+$0xFFFFFCE0] =	vst v14  }
0x2c4: {  	v14 =	vld.idx.msk [tilespmem:v4+s28+$0x0], $0xffff;
	[tilespmem:s11+$0xFFFFFEE0] =	vst v12  }
0x2c5: {  	s26 =	simm.s32 $0x65C0;
	[tilespmem:s10+$0xFFFFF9C0] =	vst v8;
	v12 =	vld.idx.msk [tilespmem:v7+s28+$0x0], $0xffff  }
0x2c6: {  	[tilespmem:s11+$0xFFFFF8E0] =	vst v9;
	v8 =	vld.idx.msk [tilespmem:v3+s26+$0x0], $0xffff  }
0x2c7: {  	v9 =	vld.idx.msk [tilespmem:v5+s28+$0x0], $0xffff;
	[tilespmem:s11+$0xFFFFFAE0] =	vst v10  }
0x2c8: {  	[tilespmem:s10+$0xFFFFFFC0] =	vst v13;
	v15 =	vld.idx.msk [tilespmem:v6+s28+$0x0], $0xffff  }
0x2c9: {  	s12 =	simm.s32 $0x4;
	[tilespmem:s11+$0xFFFFFCF0] =	vst v14  }
0x2ca: {  	s1 =	simm.s32 $0x6510;
	s4 =	simm.s32 $0x6530;
	s16 =	simm.s32 $0x6420;
	[tilespmem:s11+$0xFFFFFEF0] =	vst v12  }
0x2cb: {  	s6 =	simm.s32 $0x6540;
	s7 =	simm.s32 $0x6550;
	s3 =	simm.s32 $0x6470;
	v16 =	vld.idx.msk [tilespmem:v1+s26+$0x0], $0xffff;
	[tilespmem:s10+$0xFFFFF9D0] =	vst v8  }
0x2cc: {  	s5 =	simm.s32 $0x6490;
	s2 =	simm.s32 $0x64C0;
	s28 =	simm.s32 $0x65C0;
	v14 =	vld.idx.msk [tilespmem:v4+s29+$0x0], $0xffff;
	[tilespmem:s11+$0xFFFFF8F0] =	vst v9  }
0x2cd: {  	s18 =	simm.s32 $0x6440;
	s19 =	simm.s32 $0x6450;
	s31 =	simm.s32 $0x6500;
	v10 =	vld.idx.msk [tilespmem:v2+s28+$0x0], $0xffff;
	[tilespmem:s11+$0xFFFFFAF0] =	vst v15  }
0x2ce: {  	s17 =	simm.s32 $0x6430;
	s23 =	simm.s32 $0x64B0;
	v9 =	vld.idx.msk [tilespmem:v3+s20+$0x0], $0xffff;
	s30 =	rddreg [dreg:$0xb]  }
0x2cf: {  	s21 =	simm.s32 $0x6480;
	s22 =	simm.s32 $0x64A0;
	v13 =	vld.idx.msk [tilespmem:v5+s29+$0x0], $0xffff;
	s0 =	sadd.s32 $0x50, s30  }
0x2d0: {  	s8 =	simm.s32 $0x64E0;
	s24 =	simm.s32 $0x64D0;
	v11 =	vld.idx.msk [tilespmem:v6+s29+$0x0], $0xffff;
	[dreg:$0xc] =	wrdreg s0  }
0x2d1: {  	s26 =	simm.s32 $0x6570;
	v8 =	vmov v5;
	s20 =	simm.s32 $0x6460;
	s0 =	simm.s32 $0x6520;
	v12 =	vld.idx.msk [tilespmem:v7+s29+$0x0], $0xffff;
	[tilespmem:s10+$0xFFFFFBD0] =	vst v16  }
.LBB2_5:
0x2d2: {  	s13 =	rddreg [dreg:$0x3];
	s28 =	simm.s32 $0x65D0;
	[tilespmem:s10+$0xFFFFFFD0] =	vst v10  }
0x2d3: {  	s13 =	sadd.s32 s12, s13;
	v15 =	vld.idx.msk [tilespmem:v1+s28+$0x0], $0xffff;
	[tilespmem:s11+$0xFFFFFD00] =	vst v14  }
0x2d4: {  	s15 =	sadd.s32 $0x56, s13;
	v10 =	vld.idx.msk [tilespmem:v2+s28+$0x0], $0xffff;
	[tilespmem:s10+$0xFFFFF9E0] =	vst v9  }
0x2d5: {  	s29 =	simm.s32 $0x65E0;
	v16 =	vmov s15;
	[tilespmem:s11+$0xFFFFF900] =	vst v13;
	v17 =	vld.idx.msk [tilespmem:v4+s31+$0x0], $0xffff  }
0x2d6: {  	s14 =	sadd.s32 $0x54, s13;
	v16 =	vand.u32 $0xFFFFFFFE, v16;
	v13 =	vld.idx.msk [tilespmem:v3+s29+$0x0], $0xffff  }
0x2d7: {  	v14 =	vmov s14;
	[tilespmem:s11+$0xFFFFFB00] =	vst v11;
	v16 =	vbroadcast v16, $0x0;
	v18 =	vld.idx.msk [tilespmem:v5+s31+$0x0], $0xffff  }
0x2d8: {  	s30 =	sadd.s32 $0x55, s13;
	[tilespmem:s11+$0xFFFFFF00] =	vst v12;
	v9 =	vand.u32 $0xFFFFFFFC, v14;
	v19 =	vld.idx.msk [tilespmem:v6+s31+$0x0], $0xffff  }
0x2d9: {  	v14 =	vmov s30;
	v12 =	vld.idx.msk [tilespmem:v7+s31+$0x0], $0xffff;
	v9 =	vbroadcast v9, $0x0;
	[tilespmem:s10+$0xFFFFFBE0] =	vst v15  }
0x2da: {  	s13 =	sadd.s32 $0x57, s13;
	v14 =	vand.u32 $0xFFFFFFFD, v14;
	v15 =	vld.idx.msk [tilespmem:v1+s29+$0x0], $0xffff;
	[tilespmem:s10+$0xFFFFFFE0] =	vst v10  }
0x2db: {  	v11 =	vbroadcast v14, $0x0;
	v14 =	vmov s13;
	[tilespmem:s11+$0xFFFFFD10] =	vst v17;
	v10 =	vld.idx.msk [tilespmem:v2+s29+$0x0], $0xffff  }
0x2dc: {  	s14 =	simm.s32 $0x0;
	[tilespmem:s10+$0xFFFFF9F0] =	vst v13;
	v17 =	vld.idx.msk [tilespmem:v4+s1+$0x0], $0xffff  }
0x2dd: {  	s30 =	simm.s32 $0x65F0;
	[tilespmem:s11+$0xFFFFF910] =	vst v18;
	v13 =	vld.idx.msk [tilespmem:v16+s14+$0x0], $0xffff  }
0x2de: {  	v59 =	vld.idx.msk [tilespmem:v3+s30+$0x0], $0xffff  }
0x2df: {  	[tilespmem:s11+$0xFFFFFF10] =	vst v12;
	v9 =	vld.idx.msk [tilespmem:v9+s14+$0x0], $0xffff  }
0x2e0: {  	[tilespmem:s11+$0xFFFFFB10] =	vst v19;
	v12 =	vld.idx.msk [tilespmem:v14+s14+$0x0], $0xffff  }
0x2e1: {  	v11 =	vld.idx.msk [tilespmem:v11+s14+$0x0], $0xffff;
	[tilespmem:s10+$0xFFFFFBF0] =	vst v15  }
0x2e2: {  	v14 =	vld.idx.msk [tilespmem:v5+s1+$0x0], $0xffff;
	[tilespmem:s10+$0xFFFFFFF0] =	vst v10  }
0x2e3: {  	v10 =	vld.idx.msk [tilespmem:v6+s1+$0x0], $0xffff;
	[tilespmem:s11+$0xFFFFFD20] =	vst v17;
	v13 =	vshll.u32 v13, $0x9  }
0x2e4: {  	v15 =	vld.idx.msk [tilespmem:v4+s0+$0x0], $0xffff;
	v58 =	vshll.u32 v9, $0x9;
	v9 =	vor.u32 v0, v13  }
0x2e5: {  	v13 =	vld.idx.msk [tilespmem:v7+s1+$0x0], $0xffff  }
0x2e6: {  	v3 =	vmov v5;
	v60 =	vld.idx.msk [tilespmem:v1+s30+$0x0], $0xffff;
	v11 =	vshll.u32 v11, $0x9;
	v5 =	vor.u32 v0, v58  }
0x2e7: {  	v1 =	vmov v6;
	v12 =	vshll.u32 v12, $0x9;
	[tilespmem:s11+$0xFFFFF920] =	vst v14;
	v6 =	vor.u32 v0, v11;
	v11 =	vld.idx.msk [tilespmem:v2+s30+$0x0], $0xffff  }
0x2e8: {  	s15 =	simm.s32 $0x6400;
	v2 =	vmov v7;
	v7 =	vor.u32 v0, v12;
	v12 =	vld.idx.msk [tilespmem:v8+s0+$0x0], $0xffff;
	[tilespmem:s11+$0xFFFFFB20] =	vst v10  }
0x2e9: {  	v10 =	vld.idx.msk [tilespmem:v9+s15+$0x0], $0xffff;
	[tilespmem:s11+$0xFFFFFD30] =	vst v15  }
0x2ea: {  	[tilespmem:s11+$0xFFFFFF20] =	vst v13;
	v14 =	vld.idx.msk [tilespmem:v4+s4+$0x0], $0xffff  }
0x2eb: {  	v13 =	vld.idx.msk [tilespmem:v5+s15+$0x0], $0xffff;
	[tilespmem:s10+$0xFFFFFA00] =	vst v59  }
0x2ec: {  	v15 =	vld.idx.msk [tilespmem:v6+s15+$0x0], $0xffff;
	[tilespmem:s10+$0xFFFFFC00] =	vst v60  }
0x2ed: {  	v61 =	vld.idx.msk [tilespmem:v7+s15+$0x0], $0xffff;
	[tilespmem:s10+$0x0] =	vst v11;
	s10 =	smov.u32 s11  }
0x2ee: {  	s11 =	sadd.s32 $0x800, s11;
	[tilespmem:s10+$0xFFFFF930] =	vst v12;
	v11 =	vld.idx.msk [tilespmem:v1+s0+$0x0], $0xffff  }
0x2ef: {  	s13 =	simm.s32 $0x6410;
	[tilespmem:s11+$0xFFFFFC10] =	vst v10;
	v10 =	vld.idx.msk [tilespmem:v2+s0+$0x0], $0xffff  }
0x2f0: {  	v12 =	vld.idx.msk [tilespmem:v9+s13+$0x0], $0xffff;
	[tilespmem:s10+$0xFFFFFD40] =	vst v14  }
0x2f1: {  	[tilespmem:s11+$0xFFFFF810] =	vst v13;
	v13 =	vld.idx.msk [tilespmem:v4+s6+$0x0], $0xffff  }
0x2f2: {  	v14 =	vld.idx.msk [tilespmem:v5+s13+$0x0], $0xffff;
	[tilespmem:s11+$0xFFFFFA10] =	vst v15  }
0x2f3: {  	[tilespmem:s11+$0xFFFFFE10] =	vst v61;
	v15 =	vld.idx.msk [tilespmem:v6+s13+$0x0], $0xffff  }
0x2f4: {  	v16 =	vld.idx.msk [tilespmem:v7+s13+$0x0], $0xffff;
	[tilespmem:s10+$0xFFFFFB30] =	vst v11  }
0x2f5: {  	v11 =	vld.idx.msk [tilespmem:v3+s4+$0x0], $0xffff;
	[tilespmem:s10+$0xFFFFFF30] =	vst v10  }
0x2f6: {  	v10 =	vld.idx.msk [tilespmem:v1+s4+$0x0], $0xffff;
	[tilespmem:s11+$0xFFFFFC20] =	vst v12  }
0x2f7: {  	v12 =	vld.idx.msk [tilespmem:v9+s16+$0x0], $0xffff;
	[tilespmem:s10+$0xFFFFFD50] =	vst v13  }
0x2f8: {  	[tilespmem:s11+$0xFFFFF820] =	vst v14;
	v13 =	vld.idx.msk [tilespmem:v4+s7+$0x0], $0xffff  }
0x2f9: {  	v14 =	vld.idx.msk [tilespmem:v5+s16+$0x0], $0xffff;
	[tilespmem:s11+$0xFFFFFA20] =	vst v15  }
0x2fa: {  	[tilespmem:s11+$0xFFFFFE20] =	vst v16;
	v15 =	vld.idx.msk [tilespmem:v6+s16+$0x0], $0xffff  }
0x2fb: {  	[tilespmem:s10+$0xFFFFF940] =	vst v11;
	v16 =	vld.idx.msk [tilespmem:v7+s16+$0x0], $0xffff  }
0x2fc: {  	v11 =	vld.idx.msk [tilespmem:v3+s6+$0x0], $0xffff;
	[tilespmem:s10+$0xFFFFFB40] =	vst v10  }
0x2fd: {  	v10 =	vld.idx.msk [tilespmem:v2+s4+$0x0], $0xffff;
	[tilespmem:s11+$0xFFFFFC30] =	vst v12  }
0x2fe: {  	s25 =	simm.s32 $0x6560;
	v12 =	vld.idx.msk [tilespmem:v9+s17+$0x0], $0xffff;
	[tilespmem:s10+$0xFFFFFD60] =	vst v13  }
0x2ff: {  	[tilespmem:s11+$0xFFFFF830] =	vst v14;
	v13 =	vld.idx.msk [tilespmem:v4+s25+$0x0], $0xffff  }
0x300: {  	v14 =	vld.idx.msk [tilespmem:v5+s17+$0x0], $0xffff;
	[tilespmem:s11+$0xFFFFFA30] =	vst v15  }
0x301: {  	[tilespmem:s11+$0xFFFFFE30] =	vst v16;
	v15 =	vld.idx.msk [tilespmem:v6+s17+$0x0], $0xffff  }
0x302: {  	[tilespmem:s10+$0xFFFFF950] =	vst v11;
	v16 =	vld.idx.msk [tilespmem:v7+s17+$0x0], $0xffff  }
0x303: {  	[tilespmem:s10+$0xFFFFFF40] =	vst v10;
	v10 =	vld.idx.msk [tilespmem:v1+s6+$0x0], $0xffff  }
0x304: {  	v11 =	vld.idx.msk [tilespmem:v2+s6+$0x0], $0xffff;
	[tilespmem:s11+$0xFFFFFC40] =	vst v12  }
0x305: {  	v12 =	vld.idx.msk [tilespmem:v9+s18+$0x0], $0xffff;
	[tilespmem:s10+$0xFFFFFD70] =	vst v13  }
0x306: {  	[tilespmem:s11+$0xFFFFF840] =	vst v14;
	v13 =	vld.idx.msk [tilespmem:v4+s26+$0x0], $0xffff  }
0x307: {  	v14 =	vld.idx.msk [tilespmem:v5+s18+$0x0], $0xffff;
	[tilespmem:s11+$0xFFFFFA40] =	vst v15  }
0x308: {  	[tilespmem:s11+$0xFFFFFE40] =	vst v16;
	v15 =	vld.idx.msk [tilespmem:v6+s18+$0x0], $0xffff  }
0x309: {  	v16 =	vld.idx.msk [tilespmem:v7+s18+$0x0], $0xffff;
	[tilespmem:s10+$0xFFFFFB50] =	vst v10  }
0x30a: {  	v10 =	vld.idx.msk [tilespmem:v3+s7+$0x0], $0xffff;
	[tilespmem:s10+$0xFFFFFF50] =	vst v11  }
0x30b: {  	v11 =	vld.idx.msk [tilespmem:v1+s7+$0x0], $0xffff;
	[tilespmem:s11+$0xFFFFFC50] =	vst v12  }
0x30c: {  	s9 =	simm.s32 $0x6580;
	v12 =	vld.idx.msk [tilespmem:v9+s19+$0x0], $0xffff;
	[tilespmem:s10+$0xFFFFFD80] =	vst v13  }
0x30d: {  	[tilespmem:s11+$0xFFFFF850] =	vst v14;
	v13 =	vld.idx.msk [tilespmem:v4+s9+$0x0], $0xffff  }
0x30e: {  	v14 =	vld.idx.msk [tilespmem:v5+s19+$0x0], $0xffff;
	[tilespmem:s11+$0xFFFFFA50] =	vst v15  }
0x30f: {  	[tilespmem:s11+$0xFFFFFE50] =	vst v16;
	v15 =	vld.idx.msk [tilespmem:v6+s19+$0x0], $0xffff  }
0x310: {  	[tilespmem:s10+$0xFFFFF960] =	vst v10;
	v16 =	vld.idx.msk [tilespmem:v7+s19+$0x0], $0xffff  }
0x311: {  	[tilespmem:s10+$0xFFFFFB60] =	vst v11;
	v10 =	vld.idx.msk [tilespmem:v2+s7+$0x0], $0xffff  }
0x312: {  	v11 =	vld.idx.msk [tilespmem:v3+s25+$0x0], $0xffff;
	[tilespmem:s11+$0xFFFFFC60] =	vst v12  }
0x313: {  	s19 =	simm.s32 $0x6590;
	v12 =	vld.idx.msk [tilespmem:v9+s20+$0x0], $0xffff;
	[tilespmem:s10+$0xFFFFFD90] =	vst v13  }
0x314: {  	[tilespmem:s11+$0xFFFFF860] =	vst v14;
	v13 =	vld.idx.msk [tilespmem:v4+s19+$0x0], $0xffff  }
0x315: {  	v14 =	vld.idx.msk [tilespmem:v5+s20+$0x0], $0xffff;
	[tilespmem:s11+$0xFFFFFA60] =	vst v15  }
0x316: {  	[tilespmem:s11+$0xFFFFFE60] =	vst v16;
	v15 =	vld.idx.msk [tilespmem:v6+s20+$0x0], $0xffff  }
0x317: {  	[tilespmem:s10+$0xFFFFF970] =	vst v11;
	v16 =	vld.idx.msk [tilespmem:v7+s20+$0x0], $0xffff  }
0x318: {  	[tilespmem:s10+$0xFFFFFF60] =	vst v10;
	v10 =	vld.idx.msk [tilespmem:v1+s25+$0x0], $0xffff  }
0x319: {  	v11 =	vld.idx.msk [tilespmem:v2+s25+$0x0], $0xffff;
	[tilespmem:s11+$0xFFFFFC70] =	vst v12  }
0x31a: {  	s20 =	simm.s32 $0x65A0;
	v12 =	vld.idx.msk [tilespmem:v9+s3+$0x0], $0xffff;
	[tilespmem:s10+$0xFFFFFDA0] =	vst v13  }
0x31b: {  	[tilespmem:s11+$0xFFFFF870] =	vst v14;
	v13 =	vld.idx.msk [tilespmem:v4+s20+$0x0], $0xffff  }
0x31c: {  	v14 =	vld.idx.msk [tilespmem:v5+s3+$0x0], $0xffff;
	[tilespmem:s11+$0xFFFFFA70] =	vst v15  }
0x31d: {  	[tilespmem:s11+$0xFFFFFE70] =	vst v16;
	v15 =	vld.idx.msk [tilespmem:v6+s3+$0x0], $0xffff  }
0x31e: {  	v16 =	vld.idx.msk [tilespmem:v7+s3+$0x0], $0xffff;
	[tilespmem:s10+$0xFFFFFB70] =	vst v10  }
0x31f: {  	v10 =	vld.idx.msk [tilespmem:v3+s26+$0x0], $0xffff;
	[tilespmem:s10+$0xFFFFFF70] =	vst v11  }
0x320: {  	v11 =	vld.idx.msk [tilespmem:v1+s26+$0x0], $0xffff;
	[tilespmem:s11+$0xFFFFFC80] =	vst v12  }
0x321: {  	s25 =	simm.s32 $0x65B0;
	v12 =	vld.idx.msk [tilespmem:v9+s21+$0x0], $0xffff;
	[tilespmem:s10+$0xFFFFFDB0] =	vst v13  }
0x322: {  	[tilespmem:s11+$0xFFFFF880] =	vst v14;
	v13 =	vld.idx.msk [tilespmem:v4+s25+$0x0], $0xffff  }
0x323: {  	v14 =	vld.idx.msk [tilespmem:v5+s21+$0x0], $0xffff;
	[tilespmem:s11+$0xFFFFFA80] =	vst v15  }
0x324: {  	[tilespmem:s11+$0xFFFFFE80] =	vst v16;
	v15 =	vld.idx.msk [tilespmem:v6+s21+$0x0], $0xffff  }
0x325: {  	[tilespmem:s10+$0xFFFFF980] =	vst v10;
	v16 =	vld.idx.msk [tilespmem:v7+s21+$0x0], $0xffff  }
0x326: {  	[tilespmem:s10+$0xFFFFFB80] =	vst v11;
	v10 =	vld.idx.msk [tilespmem:v2+s26+$0x0], $0xffff  }
0x327: {  	v11 =	vld.idx.msk [tilespmem:v3+s9+$0x0], $0xffff;
	[tilespmem:s11+$0xFFFFFC90] =	vst v12  }
0x328: {  	s26 =	simm.s32 $0x65C0;
	v12 =	vld.idx.msk [tilespmem:v9+s5+$0x0], $0xffff;
	[tilespmem:s10+$0xFFFFFDC0] =	vst v13  }
0x329: {  	[tilespmem:s11+$0xFFFFF890] =	vst v14;
	v13 =	vld.idx.msk [tilespmem:v4+s26+$0x0], $0xffff  }
0x32a: {  	v14 =	vld.idx.msk [tilespmem:v5+s5+$0x0], $0xffff;
	[tilespmem:s11+$0xFFFFFA90] =	vst v15  }
0x32b: {  	[tilespmem:s11+$0xFFFFFE90] =	vst v16;
	v15 =	vld.idx.msk [tilespmem:v6+s5+$0x0], $0xffff  }
0x32c: {  	[tilespmem:s10+$0xFFFFF990] =	vst v11;
	v16 =	vld.idx.msk [tilespmem:v7+s5+$0x0], $0xffff  }
0x32d: {  	[tilespmem:s10+$0xFFFFFF80] =	vst v10;
	v10 =	vld.idx.msk [tilespmem:v1+s9+$0x0], $0xffff  }
0x32e: {  	v11 =	vld.idx.msk [tilespmem:v2+s9+$0x0], $0xffff;
	[tilespmem:s11+$0xFFFFFCA0] =	vst v12  }
0x32f: {  	v12 =	vld.idx.msk [tilespmem:v9+s22+$0x0], $0xffff;
	[tilespmem:s10+$0xFFFFFDD0] =	vst v13  }
0x330: {  	[tilespmem:s11+$0xFFFFF8A0] =	vst v14;
	v13 =	vld.idx.msk [tilespmem:v4+s28+$0x0], $0xffff  }
0x331: {  	v14 =	vld.idx.msk [tilespmem:v5+s22+$0x0], $0xffff;
	[tilespmem:s11+$0xFFFFFAA0] =	vst v15  }
0x332: {  	[tilespmem:s11+$0xFFFFFEA0] =	vst v16;
	v15 =	vld.idx.msk [tilespmem:v6+s22+$0x0], $0xffff  }
0x333: {  	v16 =	vld.idx.msk [tilespmem:v7+s22+$0x0], $0xffff;
	[tilespmem:s10+$0xFFFFFB90] =	vst v10  }
0x334: {  	v10 =	vld.idx.msk [tilespmem:v3+s19+$0x0], $0xffff;
	[tilespmem:s10+$0xFFFFFF90] =	vst v11  }
0x335: {  	v11 =	vld.idx.msk [tilespmem:v1+s19+$0x0], $0xffff;
	[tilespmem:s11+$0xFFFFFCB0] =	vst v12  }
0x336: {  	v12 =	vld.idx.msk [tilespmem:v9+s23+$0x0], $0xffff;
	[tilespmem:s10+$0xFFFFFDE0] =	vst v13  }
0x337: {  	[tilespmem:s11+$0xFFFFF8B0] =	vst v14;
	v13 =	vld.idx.msk [tilespmem:v4+s29+$0x0], $0xffff  }
0x338: {  	v14 =	vld.idx.msk [tilespmem:v5+s23+$0x0], $0xffff;
	[tilespmem:s11+$0xFFFFFAB0] =	vst v15  }
0x339: {  	[tilespmem:s11+$0xFFFFFEB0] =	vst v16;
	v15 =	vld.idx.msk [tilespmem:v6+s23+$0x0], $0xffff  }
0x33a: {  	[tilespmem:s10+$0xFFFFF9A0] =	vst v10;
	v16 =	vld.idx.msk [tilespmem:v7+s23+$0x0], $0xffff  }
0x33b: {  	[tilespmem:s10+$0xFFFFFBA0] =	vst v11;
	v10 =	vld.idx.msk [tilespmem:v2+s19+$0x0], $0xffff  }
0x33c: {  	v11 =	vld.idx.msk [tilespmem:v3+s20+$0x0], $0xffff;
	[tilespmem:s11+$0xFFFFFCC0] =	vst v12  }
0x33d: {  	v12 =	vld.idx.msk [tilespmem:v9+s2+$0x0], $0xffff;
	[tilespmem:s10+$0xFFFFFDF0] =	vst v13  }
0x33e: {  	[tilespmem:s11+$0xFFFFF8C0] =	vst v14;
	v13 =	vld.idx.msk [tilespmem:v4+s30+$0x0], $0xffff  }
0x33f: {  	v4 =	vmov v9;
	v9 =	vld.idx.msk [tilespmem:v5+s2+$0x0], $0xffff;
	[tilespmem:s11+$0xFFFFFAC0] =	vst v15  }
0x340: {  	[tilespmem:s11+$0xFFFFFEC0] =	vst v16;
	v14 =	vld.idx.msk [tilespmem:v6+s2+$0x0], $0xffff  }
0x341: {  	[tilespmem:s10+$0xFFFFF9B0] =	vst v11;
	v15 =	vld.idx.msk [tilespmem:v7+s2+$0x0], $0xffff  }
0x342: {  	[tilespmem:s10+$0xFFFFFFA0] =	vst v10;
	v10 =	vld.idx.msk [tilespmem:v1+s20+$0x0], $0xffff  }
0x343: {  	v11 =	vld.idx.msk [tilespmem:v2+s20+$0x0], $0xffff;
	[tilespmem:s11+$0xFFFFFCD0] =	vst v12  }
0x344: {  	v12 =	vld.idx.msk [tilespmem:v4+s24+$0x0], $0xffff;
	[tilespmem:s10+$0xFFFFFE00] =	vst v13  }
0x345: {  	[tilespmem:s11+$0xFFFFF8D0] =	vst v9  }
0x346: {  	v9 =	vld.idx.msk [tilespmem:v3+s25+$0x0], $0xffff;
	[tilespmem:s11+$0xFFFFFAD0] =	vst v14  }
0x347: {  	v13 =	vld.idx.msk [tilespmem:v5+s24+$0x0], $0xffff;
	[tilespmem:s11+$0xFFFFFED0] =	vst v15  }
0x348: {  	v14 =	vld.idx.msk [tilespmem:v6+s24+$0x0], $0xffff;
	[tilespmem:s10+$0xFFFFFBB0] =	vst v10  }
0x349: {  	v15 =	vld.idx.msk [tilespmem:v7+s24+$0x0], $0xffff;
	[tilespmem:s10+$0xFFFFFFB0] =	vst v11  }
0x34a: {  	v10 =	vld.idx.msk [tilespmem:v1+s25+$0x0], $0xffff;
	[tilespmem:s11+$0xFFFFFCE0] =	vst v12  }
0x34b: {  	v11 =	vld.idx.msk [tilespmem:v2+s25+$0x0], $0xffff;
	[tilespmem:s10+$0xFFFFF9C0] =	vst v9  }
0x34c: {  	v12 =	vld.idx.msk [tilespmem:v4+s8+$0x0], $0xffff;
	[tilespmem:s11+$0xFFFFF8E0] =	vst v13  }
0x34d: {  	v9 =	vld.idx.msk [tilespmem:v3+s26+$0x0], $0xffff;
	[tilespmem:s11+$0xFFFFFAE0] =	vst v14  }
0x34e: {  	v13 =	vld.idx.msk [tilespmem:v5+s8+$0x0], $0xffff;
	[tilespmem:s11+$0xFFFFFEE0] =	vst v15  }
0x34f: {  	v62 =	vld.idx.msk [tilespmem:v6+s8+$0x0], $0xffff;
	[tilespmem:s10+$0xFFFFFBC0] =	vst v10  }
0x350: {  	v15 =	vld.idx.msk [tilespmem:v7+s8+$0x0], $0xffff;
	[tilespmem:s10+$0xFFFFFFC0] =	vst v11  }
0x351: {  	s12 =	sadd.s32 $0x4, s12;
	v63 =	vld.idx.msk [tilespmem:v1+s26+$0x0], $0xffff;
	[tilespmem:s11+$0xFFFFFCF0] =	vst v12  }
0x352: {  	p0 =	slt.u32 s12, $0x4C;
	s25 =	simm.s32 $0x64F0;
	v10 =	vld.idx.msk [tilespmem:v2+s26+$0x0], $0xffff;
	[tilespmem:s10+$0xFFFFF9D0] =	vst v9  }
.Ltmp1:
0x353: {  	v14 =	vld.idx.msk [tilespmem:v4+s25+$0x0], $0xffff;
	[tilespmem:s11+$0xFFFFF8F0] =	vst v13;
	(pc) =	sbr.rel @p0 .LBB2_5-.Ltmp1, $4  }
0x354: {  	v9 =	vld.idx.msk [tilespmem:v3+s28+$0x0], $0xffff  }
0x355: {  	v13 =	vld.idx.msk [tilespmem:v5+s25+$0x0], $0xffff;
	[tilespmem:s11+$0xFFFFFAF0] =	vst v62  }
0x356: {  	[tilespmem:s11+$0xFFFFFEF0] =	vst v15;
	v11 =	vld.idx.msk [tilespmem:v6+s25+$0x0], $0xffff  }
0x357: {  	v8 =	vmov v5;
	s19 =	simm.s32 $0x6450;
	s20 =	simm.s32 $0x6460;
	s26 =	simm.s32 $0x6570;
	v12 =	vld.idx.msk [tilespmem:v7+s25+$0x0], $0xffff;
	[tilespmem:s10+$0xFFFFFBD0] =	vst v63  }
0x358: {  	_ =	sdelay $0x2  }
0x359: {  	[tilespmem:s11+$0xFFFFFD00] =	vst v14  }
0x35a: {  	v14 =	vld.idx.msk [tilespmem:v4+s31+$0x0], $0xffff  }
0x35b: {  	[tilespmem:s11+$0xFFFFF900] =	vst v13  }
0x35c: {  	v13 =	vld.idx.msk [tilespmem:v5+s31+$0x0], $0xffff;
	[tilespmem:s11+$0xFFFFFB00] =	vst v11  }
0x35d: {  	v11 =	vld.idx.msk [tilespmem:v6+s31+$0x0], $0xffff;
	[tilespmem:s11+$0xFFFFFF00] =	vst v12  }
0x35e: {  	v12 =	vld.idx.msk [tilespmem:v7+s31+$0x0], $0xffff  }
0x35f: {  	[tilespmem:s11+$0xFFFFFD10] =	vst v14  }
0x360: {  	v14 =	vld.idx.msk [tilespmem:v4+s1+$0x0], $0xffff  }
0x361: {  	[tilespmem:s11+$0xFFFFF910] =	vst v13  }
0x362: {  	[tilespmem:s11+$0xFFFFFB10] =	vst v11;
	v49 =	vld.idx.msk [tilespmem:v5+s1+$0x0], $0xffff  }
0x363: {  	[tilespmem:s11+$0xFFFFFF10] =	vst v12;
	v50 =	vld.idx.msk [tilespmem:v6+s1+$0x0], $0xffff  }
0x364: {  	v51 =	vld.idx.msk [tilespmem:v7+s1+$0x0], $0xffff  }
0x365: {  	[tilespmem:s11+$0xFFFFFD20] =	vst v14  }
0x366: {  	v14 =	vld.idx.msk [tilespmem:v4+s0+$0x0], $0xffff  }
0x367: {  	[tilespmem:s11+$0xFFFFF920] =	vst v49  }
0x368: {  	v8 =	vld.idx.msk [tilespmem:v8+s0+$0x0], $0xffff;
	[tilespmem:s11+$0xFFFFFB20] =	vst v50  }
0x369: {  	[tilespmem:s11+$0xFFFFFF20] =	vst v51;
	v52 =	vld.idx.msk [tilespmem:v6+s0+$0x0], $0xffff  }
0x36a: {  	v53 =	vld.idx.msk [tilespmem:v7+s0+$0x0], $0xffff  }
0x36b: {  	[tilespmem:s11+$0xFFFFFD30] =	vst v14  }
0x36c: {  	v54 =	vld.idx.msk [tilespmem:v4+s4+$0x0], $0xffff  }
0x36d: {  	[tilespmem:s11+$0xFFFFF930] =	vst v8  }
0x36e: {  	[tilespmem:s11+$0xFFFFFB30] =	vst v52;
	v8 =	vld.idx.msk [tilespmem:v5+s4+$0x0], $0xffff  }
0x36f: {  	[tilespmem:s11+$0xFFFFFF30] =	vst v53;
	v11 =	vld.idx.msk [tilespmem:v6+s4+$0x0], $0xffff  }
0x370: {  	v12 =	vld.idx.msk [tilespmem:v7+s4+$0x0], $0xffff  }
0x371: {  	[tilespmem:s11+$0xFFFFFD40] =	vst v54  }
0x372: {  	v13 =	vld.idx.msk [tilespmem:v4+s6+$0x0], $0xffff  }
0x373: {  	[tilespmem:s11+$0xFFFFF940] =	vst v8  }
0x374: {  	[tilespmem:s11+$0xFFFFFB40] =	vst v11;
	v8 =	vld.idx.msk [tilespmem:v5+s6+$0x0], $0xffff  }
0x375: {  	[tilespmem:s11+$0xFFFFFF40] =	vst v12;
	v11 =	vld.idx.msk [tilespmem:v6+s6+$0x0], $0xffff  }
0x376: {  	v12 =	vld.idx.msk [tilespmem:v7+s6+$0x0], $0xffff  }
0x377: {  	[tilespmem:s11+$0xFFFFFD50] =	vst v13  }
0x378: {  	v13 =	vld.idx.msk [tilespmem:v4+s7+$0x0], $0xffff  }
0x379: {  	[tilespmem:s11+$0xFFFFF950] =	vst v8  }
0x37a: {  	[tilespmem:s11+$0xFFFFFB50] =	vst v11;
	v8 =	vld.idx.msk [tilespmem:v5+s7+$0x0], $0xffff  }
0x37b: {  	[tilespmem:s11+$0xFFFFFF50] =	vst v12;
	v11 =	vld.idx.msk [tilespmem:v6+s7+$0x0], $0xffff  }
0x37c: {  	v12 =	vld.idx.msk [tilespmem:v7+s7+$0x0], $0xffff  }
0x37d: {  	s2 =	simm.s32 $0x6560;
	[tilespmem:s11+$0xFFFFFD60] =	vst v13  }
0x37e: {  	v13 =	vld.idx.msk [tilespmem:v4+s2+$0x0], $0xffff  }
0x37f: {  	[tilespmem:s11+$0xFFFFF960] =	vst v8  }
0x380: {  	[tilespmem:s11+$0xFFFFFB60] =	vst v11;
	v8 =	vld.idx.msk [tilespmem:v5+s2+$0x0], $0xffff  }
0x381: {  	[tilespmem:s11+$0xFFFFFF60] =	vst v12;
	v11 =	vld.idx.msk [tilespmem:v6+s2+$0x0], $0xffff  }
0x382: {  	v12 =	vld.idx.msk [tilespmem:v7+s2+$0x0], $0xffff  }
0x383: {  	[tilespmem:s11+$0xFFFFFD70] =	vst v13  }
0x384: {  	v13 =	vld.idx.msk [tilespmem:v4+s26+$0x0], $0xffff  }
0x385: {  	[tilespmem:s11+$0xFFFFF970] =	vst v8  }
0x386: {  	[tilespmem:s11+$0xFFFFFB70] =	vst v11;
	v8 =	vld.idx.msk [tilespmem:v5+s26+$0x0], $0xffff  }
0x387: {  	[tilespmem:s11+$0xFFFFFF70] =	vst v12;
	v11 =	vld.idx.msk [tilespmem:v6+s26+$0x0], $0xffff  }
0x388: {  	v12 =	vld.idx.msk [tilespmem:v7+s26+$0x0], $0xffff  }
0x389: {  	s9 =	simm.s32 $0x6580;
	[tilespmem:s11+$0xFFFFFD80] =	vst v13  }
0x38a: {  	v13 =	vld.idx.msk [tilespmem:v4+s9+$0x0], $0xffff  }
0x38b: {  	[tilespmem:s11+$0xFFFFF980] =	vst v8  }
0x38c: {  	[tilespmem:s11+$0xFFFFFB80] =	vst v11;
	v8 =	vld.idx.msk [tilespmem:v5+s9+$0x0], $0xffff  }
0x38d: {  	[tilespmem:s11+$0xFFFFFF80] =	vst v12;
	v11 =	vld.idx.msk [tilespmem:v6+s9+$0x0], $0xffff  }
0x38e: {  	v12 =	vld.idx.msk [tilespmem:v7+s9+$0x0], $0xffff  }
0x38f: {  	s12 =	simm.s32 $0x6590;
	[tilespmem:s11+$0xFFFFFD90] =	vst v13  }
0x390: {  	v13 =	vld.idx.msk [tilespmem:v4+s12+$0x0], $0xffff  }
0x391: {  	[tilespmem:s11+$0xFFFFF990] =	vst v8  }
0x392: {  	[tilespmem:s11+$0xFFFFFB90] =	vst v11;
	v8 =	vld.idx.msk [tilespmem:v5+s12+$0x0], $0xffff  }
0x393: {  	[tilespmem:s11+$0xFFFFFF90] =	vst v12;
	v11 =	vld.idx.msk [tilespmem:v6+s12+$0x0], $0xffff  }
0x394: {  	v12 =	vld.idx.msk [tilespmem:v7+s12+$0x0], $0xffff  }
0x395: {  	s21 =	simm.s32 $0x65A0;
	[tilespmem:s11+$0xFFFFFDA0] =	vst v13  }
0x396: {  	v13 =	vld.idx.msk [tilespmem:v4+s21+$0x0], $0xffff  }
0x397: {  	[tilespmem:s11+$0xFFFFF9A0] =	vst v8  }
0x398: {  	[tilespmem:s11+$0xFFFFFBA0] =	vst v11;
	v8 =	vld.idx.msk [tilespmem:v5+s21+$0x0], $0xffff  }
0x399: {  	[tilespmem:s11+$0xFFFFFFA0] =	vst v12;
	v11 =	vld.idx.msk [tilespmem:v6+s21+$0x0], $0xffff  }
0x39a: {  	v12 =	vld.idx.msk [tilespmem:v7+s21+$0x0], $0xffff  }
0x39b: {  	s12 =	simm.s32 $0x65B0;
	[tilespmem:s11+$0xFFFFFDB0] =	vst v13  }
0x39c: {  	[tilespmem:s10+$0xFFFFFFD0] =	vst v10;
	s22 =	simm.s32 $0x65D0;
	v13 =	vld.idx.msk [tilespmem:v4+s12+$0x0], $0xffff  }
0x39d: {  	v56 =	vld.idx.msk [tilespmem:v1+s22+$0x0], $0xffff;
	[tilespmem:s11+$0xFFFFF9B0] =	vst v8  }
0x39e: {  	v8 =	vld.idx.msk [tilespmem:v5+s12+$0x0], $0xffff;
	[tilespmem:s11+$0xFFFFFBB0] =	vst v11  }
0x39f: {  	v11 =	vld.idx.msk [tilespmem:v6+s12+$0x0], $0xffff;
	[tilespmem:s11+$0xFFFFFFB0] =	vst v12  }
0x3a0: {  	[tilespmem:s10+$0xFFFFF9E0] =	vst v9;
	v55 =	vld.idx.msk [tilespmem:v7+s12+$0x0], $0xffff  }
0x3a1: {  	s23 =	simm.s32 $0x65C0;
	v57 =	vld.idx.msk [tilespmem:v2+s22+$0x0], $0xffff;
	[tilespmem:s11+$0xFFFFFDC0] =	vst v13  }
0x3a2: {  	s29 =	simm.s32 $0x65E0;
	[tilespmem:s10+$0xFFFFFBE0] =	vst v56;
	v13 =	vld.idx.msk [tilespmem:v4+s23+$0x0], $0xffff  }
0x3a3: {  	v58 =	vld.idx.msk [tilespmem:v3+s29+$0x0], $0xffff;
	[tilespmem:s11+$0xFFFFF9C0] =	vst v8  }
0x3a4: {  	v8 =	vld.idx.msk [tilespmem:v5+s23+$0x0], $0xffff;
	[tilespmem:s11+$0xFFFFFBC0] =	vst v11  }
0x3a5: {  	v11 =	vld.idx.msk [tilespmem:v6+s23+$0x0], $0xffff;
	[tilespmem:s11+$0xFFFFFFC0] =	vst v55  }
0x3a6: {  	[tilespmem:s10+$0xFFFFFFE0] =	vst v57;
	v10 =	vld.idx.msk [tilespmem:v7+s23+$0x0], $0xffff  }
0x3a7: {  	v59 =	vld.idx.msk [tilespmem:v1+s29+$0x0], $0xffff;
	[tilespmem:s11+$0xFFFFFDD0] =	vst v13  }
0x3a8: {  	[tilespmem:s10+$0xFFFFF9F0] =	vst v58;
	v13 =	vld.idx.msk [tilespmem:v4+s22+$0x0], $0xffff  }
0x3a9: {  	v60 =	vld.idx.msk [tilespmem:v2+s29+$0x0], $0xffff;
	[tilespmem:s11+$0xFFFFF9D0] =	vst v8  }
0x3aa: {  	v8 =	vld.idx.msk [tilespmem:v5+s22+$0x0], $0xffff;
	[tilespmem:s11+$0xFFFFFBD0] =	vst v11  }
0x3ab: {  	v11 =	vld.idx.msk [tilespmem:v6+s22+$0x0], $0xffff;
	[tilespmem:s11+$0xFFFFFFD0] =	vst v10  }
0x3ac: {  	s24 =	simm.s32 $0x65F0;
	[tilespmem:s10+$0xFFFFFBF0] =	vst v59;
	v10 =	vld.idx.msk [tilespmem:v7+s22+$0x0], $0xffff  }
0x3ad: {  	v3 =	vld.idx.msk [tilespmem:v3+s24+$0x0], $0xffff;
	[tilespmem:s11+$0xFFFFFDE0] =	vst v13  }
0x3ae: {  	[tilespmem:s10+$0xFFFFFFF0] =	vst v60;
	v61 =	vld.idx.msk [tilespmem:v4+s29+$0x0], $0xffff  }
0x3af: {  	v1 =	vld.idx.msk [tilespmem:v1+s24+$0x0], $0xffff;
	[tilespmem:s11+$0xFFFFF9E0] =	vst v8  }
0x3b0: {  	v8 =	vld.idx.msk [tilespmem:v5+s29+$0x0], $0xffff;
	[tilespmem:s11+$0xFFFFFBE0] =	vst v11  }
0x3b1: {  	v11 =	vld.idx.msk [tilespmem:v6+s29+$0x0], $0xffff;
	[tilespmem:s11+$0xFFFFFFE0] =	vst v10  }
0x3b2: {  	[tilespmem:s10+$0xFFFFFA00] =	vst v3;
	v10 =	vld.idx.msk [tilespmem:v7+s29+$0x0], $0xffff  }
0x3b3: {  	v2 =	vld.idx.msk [tilespmem:v2+s24+$0x0], $0xffff;
	[tilespmem:s11+$0xFFFFFDF0] =	vst v61  }
0x3b4: {  	[tilespmem:s10+$0xFFFFFC00] =	vst v1;
	v3 =	vld.idx.msk [tilespmem:v4+s24+$0x0], $0xffff  }
0x3b5: {  	[tilespmem:s11+$0xFFFFF9F0] =	vst v8  }
0x3b6: {  	[tilespmem:s11+$0xFFFFFBF0] =	vst v11;
	v62 =	vld.idx.msk [tilespmem:v5+s24+$0x0], $0xffff  }
0x3b7: {  	[tilespmem:s11+$0xFFFFFFF0] =	vst v10;
	v63 =	vld.idx.msk [tilespmem:v6+s24+$0x0], $0xffff  }
0x3b8: {  	[tilespmem:s10+$0x0] =	vst v2;
	v1 =	vld.idx.msk [tilespmem:v7+s24+$0x0], $0xffff  }
0x3b9: {  	[tilespmem:s11+$0xFFFFFE00] =	vst v3  }
0x3ba: {  	s10 =	rddreg [dreg:$0x4]  }
0x3bb: {  	s26 =	rddreg [dreg:$0xc];
	[tilespmem:s11+$0xFFFFFA00] =	vst v62  }
0x3bc: {  	[tilespmem:s11+$0xFFFFFC00] =	vst v63  }
0x3bd: {  	s30 =	simm.s32 $0x6570;
	[tilespmem:s11+$0x0] =	vst v1  }
0x3be: {  	s28 =	simm.s32 $0x13400;
	s8 =	simm.s32 $0x64D0;
	s9 =	rddreg [dreg:$0xa]  }
0x3bf: {  	s5 =	simm.s32 $0x6490;
	s10 =	sadd.s32 s10, s26;
	s9 =	sadd.s32 $0x1, s9  }
0x3c0: {  	s3 =	simm.s32 $0x6470;
	s10 =	sshll.u32 s10, $0x6;
	p0 =	sne.s32 s9, $0xA0  }
.Ltmp2:
0x3c1: {  	s10 =	sand.u32 $0x1FFFFC00, s10;
	s11 =	rddreg [dreg:$0x6];
	(pc) =	sbr.rel @p0 .LBB2_2-.Ltmp2, $4  }
0x3c2: {  	s2 =	simm.s32 $0x64B0;
	s29 =	rddreg [dreg:$0x3];
	s10 =	sadd.s32 s11, s10  }
0x3c3: {  	[hbm4b:s10+s14] =	stream.linear.scatter [tilespmem:s28], [sflag:$0x2], $0xA000, $0x38;
	[tilespmem:$0x1D400] =	vst v63  }
0x3c4: {  	s21 =	simm.s32 $0x6480;
	s23 =	simm.s32 $0x65A0;
	s10 =	sadd.s32 $0xA0, s29  }
0x3c5: {  	s24 =	simm.s32 $0x64C0;
	s26 =	simm.s32 $0x64E0;
	[dreg:$0x3] =	wrdreg s10  }
0x3c6: {  	s10 =	simm.s32 $0x1  }
0x3c7: {  	_ =	swait.ge [sflag:s10], $0xA000  }
0x3c8: {  	[sflag:s10] =	ssyncset.done $0x0  }
0x3c9: {  	s11 =	simm.s32 $0x2;
	[sflag:s10] =	ssyncadd.s32 $0xFFFF6000  }
0x3ca: {  	_ =	swait.ge [sflag:s11], $0xA000  }
0x3cb: {  	s12 =	rddreg [dreg:$0x9]  }
0x3cc: {  	s30 =	rddreg [dreg:$0x8];
	s12 =	sadd.s32 $0x1, s12  }
0x3cd: {  	p0 =	sne.s32 s12, s30  }
.Ltmp3:
0x3ce: {  	_ = 	snop;
	(pc) =	sbr.rel @p0 .LBB2_1-.Ltmp3, $3  }
0x3cf: {  	_ =	sdelay $0x1  }
0x3d0: {  	[sflag:s11] =	ssyncset.done $0x0  }
0x3d1: {  	[sflag:s11] =	ssyncadd.s32 $0xFFFF6000  }
0x3d2: {  	_ =	sfence.sel $0x180000  }
0x3d3: {  	[bflag:$0x0] =	sbarrier.arrive $0xFFFF  }
0x3d4: {  	_ =	strace $0x90000047  }
0x3d5: {  	s0 =	stileid.u32;
	[bflag:$0x2] =	sbarrier.arrive $0xFFFF  }
0x3d6: {  	p0 =	sne.s32 s0, $0x0;
	s0 =	rddreg [dreg:$0x2]  }
0x3d7: {  	s0 =	sadd.s32 @!p0 $0x100000, s0  }
0x3d8: {  	[sflag:s0] =	ssyncadd.tile.s32 @!p0 $0x1;
	_ =	shalt  }
.Lfunc_end2:
_tile_overlayer_lowered:
.L_overlay_start_2:
0x3d9: {  	(tag) =	ssettag $0x2  }
0x3da: {  	s0 =	rddreg [dreg:$0x0];
	s2 =	stileid.u32  }
0x3db: {  	s1 =	rddreg [dreg:$0x1];
	p0 =	sne.s32 s2, $0x0  }
0x3dc: {  	s3 =	rddreg [dreg:$0x2];
	[bflag:$0x3] =	sbarrier.arrive $0xFFFF;
	s2 =	simm.s32 @!p0 $0x1C03  }
0x3dd: {  	[timem:s3], [sflag:s2] =	dma.local @!p0 [hbm:s0], s1  }
0x3de: {  	s0 =	simm.s32 @!p0 $0x3  }
0x3df: {  	_ =	swait.ge @!p0 [sflag:s0], s1  }
0x3e0: {  	s1 =	ssub.s32 @!p0 $0x0, s1;
	[sflag:s0] =	ssyncset.done @!p0 $0x0  }
0x3e1: {  	[sflag:s0] =	ssyncadd.s32 @!p0 s1  }
0x3e2: {  	[bflag:$0x3] =	sbarrier.arrive $0xFFFF  }
0x3e3: {  	_ =	shalt  }

</sc_bundles>
